<compile_context>
chip_gen: v7x
topology: tpu7x:2x2x1
jax: 0.10.2.dev20260603
libtpu: 0.0.44.dev20260713+nightly
codegen_flags: <defaults>
</compile_context>

<pallas_src>
import functools

import jax
import jax.numpy as jnp
from jax import lax
from jax.experimental import pallas as pl
from jax.experimental.pallas import tpu as pltpu
from jax.experimental.pallas import tpu_sc as plsc

_B, _S, _H = 64, 512, 768
_BS = _B * _S
_EPS = 1e-12
_CH = 64
_NBUF = 2
_SPLITS = (32, 32)


def _sc_info():
    info = plsc.get_sparse_core_info()
    return info.num_cores, info.num_subcores


def _sc_gather_body(nc, tpw, nchunk, ids_hbm, word_hbm, out_hbm, *refs):
    wid = lax.axis_index("s") * nc + lax.axis_index("c")
    base = wid * tpw
    idxs = refs[:_NBUF]
    bufs = refs[_NBUF:2 * _NBUF]
    gsems = refs[2 * _NBUF:3 * _NBUF]
    osems = refs[3 * _NBUF:4 * _NBUF]

    def stage_and_fire(c):
        k = c % _NBUF
        tok0 = base + c * _CH
        pltpu.sync_copy(ids_hbm.at[pl.ds(tok0, _CH)], idxs[k])
        return pltpu.async_copy(word_hbm.at[idxs[k]], bufs[k], gsems[k])

    gather = {0: stage_and_fire(0)}
    store = {}
    for c in range(nchunk):
        k = c % _NBUF
        if c + 1 < nchunk:
            if c + 1 >= _NBUF:
                store[c + 1 - _NBUF].wait()
            gather[c + 1] = stage_and_fire(c + 1)
        gather[c].wait()
        tok0 = base + c * _CH
        store[c] = pltpu.async_copy(bufs[k], out_hbm.at[pl.ds(tok0, _CH)],
                                    osems[k])
    for c in range(max(0, nchunk - _NBUF), nchunk):
        store[c].wait()


def _make_sc_gather(ntok):
    nc, ns = _sc_info()
    nw = nc * ns
    tpw = ntok // nw
    mesh = plsc.VectorSubcoreMesh(core_axis_name="c", subcore_axis_name="s")
    return pl.kernel(
        functools.partial(_sc_gather_body, nc, tpw, tpw // _CH),
        mesh=mesh,
        out_type=jax.ShapeDtypeStruct((ntok, _H), jnp.float32),
        scratch_types=(
            [pltpu.VMEM((_CH,), jnp.int32)] * _NBUF
            + [pltpu.VMEM((_CH, _H), jnp.float32)] * _NBUF
            + [pltpu.SemaphoreType.DMA] * (2 * _NBUF)
        ),
    )


_NBB = 4


def _tc_ln_body(x_ref, pos_ref, tt_ref, t0_ref, d_ref, g_ref, b_ref, o_ref):
    ttf = tt_ref[...].astype(jnp.float32)
    ttcol = jnp.swapaxes(ttf, 1, 2)
    x = x_ref[...] + (pos_ref[...] + t0_ref[0:1])[None] + ttcol * d_ref[0:1][None]
    mean = jnp.mean(x, axis=-1, keepdims=True)
    msq = jnp.mean(x * x, axis=-1, keepdims=True)
    inv = lax.rsqrt(msq - mean * mean + _EPS)
    o_ref[...] = (x - mean) * inv * g_ref[0:1][None] + b_ref[0:1][None]


def _tc_ln_part_body(x_ref, pos_ref, tt_ref, t0_ref, d_ref, g_ref, b_ref,
                     dest_ref, o_ref):
    del dest_ref
    _tc_ln_body(x_ref, pos_ref, tt_ref, t0_ref, d_ref, g_ref, b_ref, o_ref)


def _tc_ln_part(x, pos_table, tt3, t08, d8, gamma8, beta8, off, dest):
    nb = x.shape[0] // _NBB
    offb = off // _NBB
    base_specs = [
        pl.BlockSpec((_NBB, _S, _H), lambda i: (i, 0, 0)),
        pl.BlockSpec((_S, _H), lambda i: (0, 0)),
        pl.BlockSpec((_NBB, 1, _S), lambda i: (i, 0, 0)),
        pl.BlockSpec((8, _H), lambda i: (0, 0)),
        pl.BlockSpec((8, _H), lambda i: (0, 0)),
        pl.BlockSpec((8, _H), lambda i: (0, 0)),
        pl.BlockSpec((8, _H), lambda i: (0, 0)),
    ]
    out_spec = pl.BlockSpec((_NBB, _S, _H),
                            lambda i, offb=offb: (i + offb, 0, 0))
    out_shape = jax.ShapeDtypeStruct((_B, _S, _H), jnp.float32)
    if dest is None:
        return pl.pallas_call(
            _tc_ln_body,
            grid=(nb,),
            in_specs=base_specs,
            out_specs=out_spec,
            out_shape=out_shape,
        )(x, pos_table, tt3, t08, d8, gamma8, beta8)
    return pl.pallas_call(
        _tc_ln_part_body,
        grid=(nb,),
        in_specs=base_specs + [pl.BlockSpec(memory_space=pl.ANY)],
        out_specs=out_spec,
        out_shape=out_shape,
        input_output_aliases={7: 0},
    )(x, pos_table, tt3, t08, d8, gamma8, beta8, dest)


def kernel(input_ids, token_type_ids, word_table, pos_table, type_table,
           ln_gamma, ln_beta):
    ids = input_ids.reshape(-1).astype(jnp.int32)
    tt3 = token_type_ids.reshape(_B, 1, _S).astype(jnp.int32)
    t0 = type_table[0]
    d = type_table[1] - t0
    t08 = jnp.broadcast_to(t0[None, :], (8, _H))
    d8 = jnp.broadcast_to(d[None, :], (8, _H))
    gamma8 = jnp.broadcast_to(ln_gamma[None, :], (8, _H))
    beta8 = jnp.broadcast_to(ln_beta[None, :], (8, _H))

    offs = [sum(_SPLITS[:k]) for k in range(len(_SPLITS))]
    words = [_make_sc_gather(nbp * _S)(
                 lax.dynamic_slice_in_dim(ids, off * _S, nbp * _S),
                 word_table)
             for off, nbp in zip(offs, _SPLITS)]
    out = None
    for k, (off, nbp) in enumerate(zip(offs, _SPLITS)):
        out = _tc_ln_part(
            words[k].reshape(nbp, _S, _H), pos_table,
            lax.dynamic_slice_in_dim(tt3, off, nbp),
            t08, d8, gamma8, beta8, off=off, dest=out)
    mask = jnp.ones((_B, _S), dtype=jnp.int32)
    return (out, mask)

# --- scband reference (transcript-rebuilt; emitter-appended) ---
"""Pipeline reference for scband-bert-embeddings-47450798686638 (READ-ONLY COPY).

The authoritative reference and input builder live on the scoring server;
editing this copy changes nothing except your own understanding.
"""

import jax, jax.numpy as jnp
import numpy as np

B, S, H = 64, 512, 768
V = 119547  # len(BertTokenizer 'bert-base-multilingual-cased')
P = 512     # max_position_embeddings
EPS = 1e-12


def setup_inputs(seed: int = 0) -> dict:
    key = jax.random.key(seed)
    ks = jax.random.split(key, 6)
    input_ids = jax.random.randint(ks[0], (B, S), 0, V, dtype=jnp.int64 if jax.config.jax_enable_x64 else jnp.int32)
    token_type_ids = jax.random.randint(ks[1], (B, S), 0, 2, dtype=input_ids.dtype)
    word_table = jax.random.normal(ks[2], (V, H), dtype=jnp.float32) * 0.02
    pos_table = jax.random.normal(ks[3], (P, H), dtype=jnp.float32) * 0.02
    # NOTE: original module (faithfully) sizes token_type table by len(tokenizer)
    type_table = jax.random.normal(ks[4], (V, H), dtype=jnp.float32) * 0.02
    ln_gamma = jnp.ones((H,), dtype=jnp.float32)
    ln_beta = jnp.zeros((H,), dtype=jnp.float32)
    return {
        "input_ids": input_ids,
        "token_type_ids": token_type_ids,
        "word_table": word_table,
        "pos_table": pos_table,
        "type_table": type_table,
        "ln_gamma": ln_gamma,
        "ln_beta": ln_beta,
    }


def _layer_norm(x, gamma, beta):
    mean = jnp.mean(x, axis=-1, keepdims=True)
    var = jnp.mean(jnp.square(x - mean), axis=-1, keepdims=True)
    xhat = (x - mean) / jnp.sqrt(var + EPS)
    return xhat * gamma + beta


def reference(input_ids, token_type_ids, word_table, pos_table, type_table, ln_gamma, ln_beta):
    b, s = input_ids.shape
    position_ids = jnp.broadcast_to(jnp.arange(s, dtype=input_ids.dtype)[None, :], (b, s))
    words_embeddings = jnp.take(word_table, input_ids, axis=0)
    position_embeddings = jnp.take(pos_table, position_ids, axis=0)
    token_type_embeddings = jnp.take(type_table, token_type_ids, axis=0)
    embeddings = words_embeddings + position_embeddings + token_type_embeddings
    embeddings = _layer_norm(embeddings, ln_gamma, ln_beta)
    # dropout is identity in eval mode
    attention_mask = jnp.ones((b, s), dtype=jnp.int32)
    return (embeddings, attention_mask)

if __name__ == "__main__":
    import jax
    _d = setup_inputs()
    print(jax.jit(kernel)(*tuple(_d.values())))

</pallas_src>

<mosaic_0001>
#map = affine_map<(d0, d1) -> (0)>
#map1 = affine_map<(d0, d1) -> (0, 0)>
module attributes {stable_mosaic.version = 14 : i64} {
  func.func @_sc_gather_body(%arg0: i32, %arg1: i32, %arg2: memref<16384xi32, #tpu.memory_space<hbm>>, %arg3: memref<119547x768xf32, #tpu.memory_space<hbm>>, %arg4: memref<16384x768xf32, #tpu.memory_space<hbm>>, %arg5: memref<64xi32, #tpu.memory_space<vmem>>, %arg6: memref<64xi32, #tpu.memory_space<vmem>>, %arg7: memref<64x768xf32, #tpu.memory_space<vmem>>, %arg8: memref<64x768xf32, #tpu.memory_space<vmem>>, %arg9: memref<!tpu.dma_semaphore, #tpu.memory_space<semaphore_mem>>, %arg10: memref<!tpu.dma_semaphore, #tpu.memory_space<semaphore_mem>>, %arg11: memref<!tpu.dma_semaphore, #tpu.memory_space<semaphore_mem>>, %arg12: memref<!tpu.dma_semaphore, #tpu.memory_space<semaphore_mem>>) attributes {dimension_semantics = [#tpu.dimension_semantics<core_parallel>, #tpu.dimension_semantics<subcore_parallel>], iteration_bounds = array<i64: 2, 16>, scalar_prefetch = 0 : i64, scratch_operands = 8 : i64, tpu.core_type = #tpu.core_type<sc_vector_subcore>, window_params = [{transform_indices = #map}, {transform_indices = #map1}, {transform_indices = #map1}]} {
    %mul3A = arith.constant 2 : i32
    %mul3A_0 = arith.muli %arg1, %mul3A : i32
    %add3A = arith.addi %mul3A_0, %arg0 : i32
    %mul3A_1 = arith.constant 512 : i32
    %mul3A_2 = arith.muli %add3A, %mul3A_1 : i32
    %add3A_3 = arith.constant 0 : i32
    %add3A_4 = arith.addi %mul3A_2, %add3A_3 : i32
    "tpu.region"() ({
      %run_scoped3A = tpu.sem_alloc : memref<!tpu.dma_semaphore, #tpu.memory_space<semaphore_mem>>
      %dma_start3A_145 = tpu.memref_slice %arg2[%add3A_4] : memref<16384xi32, #tpu.memory_space<hbm>> -> memref<64xi32, #tpu.memory_space<hbm>>
      %dma_start3A_146 = tpu.memref_slice %arg2[%add3A_4] : memref<16384xi32, #tpu.memory_space<hbm>> -> memref<64xi32, #tpu.memory_space<hbm>>
      tpu.enqueue_dma source(%dma_start3A_146 : memref<64xi32, #tpu.memory_space<hbm>>) target(%arg5 : memref<64xi32, #tpu.memory_space<vmem>>) target_semaphore(%run_scoped3A : memref<!tpu.dma_semaphore, #tpu.memory_space<semaphore_mem>>)
      %dma_wait3A_147 = tpu.memref_slice %arg2[%add3A_4] : memref<16384xi32, #tpu.memory_space<hbm>> -> memref<64xi32, #tpu.memory_space<hbm>>
      %dma_wait3A_148 = tpu.memref_slice %arg2[%add3A_4] : memref<16384xi32, #tpu.memory_space<hbm>> -> memref<64xi32, #tpu.memory_space<hbm>>
      tpu.wait_dma2 semaphore(%run_scoped3A : memref<!tpu.dma_semaphore, #tpu.memory_space<semaphore_mem>>) src(%dma_wait3A_148 : memref<64xi32, #tpu.memory_space<hbm>>) dst(%arg5 : memref<64xi32, #tpu.memory_space<vmem>>)
      tpu.yield
    }) : () -> ()
    %dma_start3A = arith.constant 0 : i32
    %dma_start3A_5 = arith.constant 0 : i32
    %dma_start3A_6 = tpu.memref_slice %arg3[%dma_start3A, %dma_start3A_5] : memref<119547x768xf32, #tpu.memory_space<hbm>> -> memref<119547x768xf32, #tpu.memory_space<hbm>>
    tpu.enqueue_indirect_dma source(%dma_start3A_6 : memref<119547x768xf32, #tpu.memory_space<hbm>>) target(%arg7 : memref<64x768xf32, #tpu.memory_space<vmem>>) offsets(%arg5 : memref<64xi32, #tpu.memory_space<vmem>>) semaphore(%arg9 : memref<!tpu.dma_semaphore, #tpu.memory_space<semaphore_mem>>)
    %add3A_7 = arith.constant 64 : i32
    %add3A_8 = arith.addi %mul3A_2, %add3A_7 : i32
    "tpu.region"() ({
      %run_scoped3A = tpu.sem_alloc : memref<!tpu.dma_semaphore, #tpu.memory_space<semaphore_mem>>
      %dma_start3A_145 = tpu.memref_slice %arg2[%add3A_8] : memref<16384xi32, #tpu.memory_space<hbm>> -> memref<64xi32, #tpu.memory_space<hbm>>
      %dma_start3A_146 = tpu.memref_slice %arg2[%add3A_8] : memref<16384xi32, #tpu.memory_space<hbm>> -> memref<64xi32, #tpu.memory_space<hbm>>
      tpu.enqueue_dma source(%dma_start3A_146 : memref<64xi32, #tpu.memory_space<hbm>>) target(%arg6 : memref<64xi32, #tpu.memory_space<vmem>>) target_semaphore(%run_scoped3A : memref<!tpu.dma_semaphore, #tpu.memory_space<semaphore_mem>>)
      %dma_wait3A_147 = tpu.memref_slice %arg2[%add3A_8] : memref<16384xi32, #tpu.memory_space<hbm>> -> memref<64xi32, #tpu.memory_space<hbm>>
      %dma_wait3A_148 = tpu.memref_slice %arg2[%add3A_8] : memref<16384xi32, #tpu.memory_space<hbm>> -> memref<64xi32, #tpu.memory_space<hbm>>
      tpu.wait_dma2 semaphore(%run_scoped3A : memref<!tpu.dma_semaphore, #tpu.memory_space<semaphore_mem>>) src(%dma_wait3A_148 : memref<64xi32, #tpu.memory_space<hbm>>) dst(%arg6 : memref<64xi32, #tpu.memory_space<vmem>>)
      tpu.yield
    }) : () -> ()
    %dma_start3A_9 = arith.constant 0 : i32
    %dma_start3A_10 = arith.constant 0 : i32
    %dma_start3A_11 = tpu.memref_slice %arg3[%dma_start3A_9, %dma_start3A_10] : memref<119547x768xf32, #tpu.memory_space<hbm>> -> memref<119547x768xf32, #tpu.memory_space<hbm>>
    tpu.enqueue_indirect_dma source(%dma_start3A_11 : memref<119547x768xf32, #tpu.memory_space<hbm>>) target(%arg8 : memref<64x768xf32, #tpu.memory_space<vmem>>) offsets(%arg6 : memref<64xi32, #tpu.memory_space<vmem>>) semaphore(%arg10 : memref<!tpu.dma_semaphore, #tpu.memory_space<semaphore_mem>>)
    %dma_wait3A = arith.constant 0 : i32
    %dma_wait3A_12 = arith.constant 0 : i32
    %dma_wait3A_13 = tpu.memref_slice %arg3[%dma_wait3A, %dma_wait3A_12] : memref<119547x768xf32, #tpu.memory_space<hbm>> -> memref<119547x768xf32, #tpu.memory_space<hbm>>
    tpu.wait_indirect_dma semaphore(%arg9 : memref<!tpu.dma_semaphore, #tpu.memory_space<semaphore_mem>>) src(%dma_wait3A_13 : memref<119547x768xf32, #tpu.memory_space<hbm>>) dst(%arg7 : memref<64x768xf32, #tpu.memory_space<vmem>>)
    %add3A_14 = arith.constant 0 : i32
    %add3A_15 = arith.addi %mul3A_2, %add3A_14 : i32
    %dma_start3A_16 = arith.constant 0 : i32
    %dma_start3A_17 = tpu.memref_slice %arg4[%add3A_15, %dma_start3A_16] : memref<16384x768xf32, #tpu.memory_space<hbm>> -> memref<64x768xf32, #tpu.memory_space<hbm>>
    %dma_start3A_18 = arith.constant 0 : i32
    %dma_start3A_19 = tpu.memref_slice %arg4[%add3A_15, %dma_start3A_18] : memref<16384x768xf32, #tpu.memory_space<hbm>> -> memref<64x768xf32, #tpu.memory_space<hbm>>
    tpu.enqueue_dma source(%arg7 : memref<64x768xf32, #tpu.memory_space<vmem>>) target(%dma_start3A_19 : memref<64x768xf32, #tpu.memory_space<hbm>>) target_semaphore(%arg11 : memref<!tpu.dma_semaphore, #tpu.memory_space<semaphore_mem>>)
    %dma_wait3A_20 = arith.constant 0 : i32
    %dma_wait3A_21 = tpu.memref_slice %arg4[%add3A_15, %dma_wait3A_20] : memref<16384x768xf32, #tpu.memory_space<hbm>> -> memref<64x768xf32, #tpu.memory_space<hbm>>
    %dma_wait3A_22 = arith.constant 0 : i32
    %dma_wait3A_23 = tpu.memref_slice %arg4[%add3A_15, %dma_wait3A_22] : memref<16384x768xf32, #tpu.memory_space<hbm>> -> memref<64x768xf32, #tpu.memory_space<hbm>>
    tpu.wait_dma2 semaphore(%arg11 : memref<!tpu.dma_semaphore, #tpu.memory_space<semaphore_mem>>) src(%arg7 : memref<64x768xf32, #tpu.memory_space<vmem>>) dst(%dma_wait3A_23 : memref<64x768xf32, #tpu.memory_space<hbm>>)
    %add3A_24 = arith.constant 128 : i32
    %add3A_25 = arith.addi %mul3A_2, %add3A_24 : i32
    "tpu.region"() ({
      %run_scoped3A = tpu.sem_alloc : memref<!tpu.dma_semaphore, #tpu.memory_space<semaphore_mem>>
      %dma_start3A_145 = tpu.memref_slice %arg2[%add3A_25] : memref<16384xi32, #tpu.memory_space<hbm>> -> memref<64xi32, #tpu.memory_space<hbm>>
      %dma_start3A_146 = tpu.memref_slice %arg2[%add3A_25] : memref<16384xi32, #tpu.memory_space<hbm>> -> memref<64xi32, #tpu.memory_space<hbm>>
      tpu.enqueue_dma source(%dma_start3A_146 : memref<64xi32, #tpu.memory_space<hbm>>) target(%arg5 : memref<64xi32, #tpu.memory_space<vmem>>) target_semaphore(%run_scoped3A : memref<!tpu.dma_semaphore, #tpu.memory_space<semaphore_mem>>)
      %dma_wait3A_147 = tpu.memref_slice %arg2[%add3A_25] : memref<16384xi32, #tpu.memory_space<hbm>> -> memref<64xi32, #tpu.memory_space<hbm>>
      %dma_wait3A_148 = tpu.memref_slice %arg2[%add3A_25] : memref<16384xi32, #tpu.memory_space<hbm>> -> memref<64xi32, #tpu.memory_space<hbm>>
      tpu.wait_dma2 semaphore(%run_scoped3A : memref<!tpu.dma_semaphore, #tpu.memory_space<semaphore_mem>>) src(%dma_wait3A_148 : memref<64xi32, #tpu.memory_space<hbm>>) dst(%arg5 : memref<64xi32, #tpu.memory_space<vmem>>)
      tpu.yield
    }) : () -> ()
    %dma_start3A_26 = arith.constant 0 : i32
    %dma_start3A_27 = arith.constant 0 : i32
    %dma_start3A_28 = tpu.memref_slice %arg3[%dma_start3A_26, %dma_start3A_27] : memref<119547x768xf32, #tpu.memory_space<hbm>> -> memref<119547x768xf32, #tpu.memory_space<hbm>>
    tpu.enqueue_indirect_dma source(%dma_start3A_28 : memref<119547x768xf32, #tpu.memory_space<hbm>>) target(%arg7 : memref<64x768xf32, #tpu.memory_space<vmem>>) offsets(%arg5 : memref<64xi32, #tpu.memory_space<vmem>>) semaphore(%arg9 : memref<!tpu.dma_semaphore, #tpu.memory_space<semaphore_mem>>)
    %dma_wait3A_29 = arith.constant 0 : i32
    %dma_wait3A_30 = arith.constant 0 : i32
    %dma_wait3A_31 = tpu.memref_slice %arg3[%dma_wait3A_29, %dma_wait3A_30] : memref<119547x768xf32, #tpu.memory_space<hbm>> -> memref<119547x768xf32, #tpu.memory_space<hbm>>
    tpu.wait_indirect_dma semaphore(%arg10 : memref<!tpu.dma_semaphore, #tpu.memory_space<semaphore_mem>>) src(%dma_wait3A_31 : memref<119547x768xf32, #tpu.memory_space<hbm>>) dst(%arg8 : memref<64x768xf32, #tpu.memory_space<vmem>>)
    %add3A_32 = arith.constant 64 : i32
    %add3A_33 = arith.addi %mul3A_2, %add3A_32 : i32
    %dma_start3A_34 = arith.constant 0 : i32
    %dma_start3A_35 = tpu.memref_slice %arg4[%add3A_33, %dma_start3A_34] : memref<16384x768xf32, #tpu.memory_space<hbm>> -> memref<64x768xf32, #tpu.memory_space<hbm>>
    %dma_start3A_36 = arith.constant 0 : i32
    %dma_start3A_37 = tpu.memref_slice %arg4[%add3A_33, %dma_start3A_36] : memref<16384x768xf32, #tpu.memory_space<hbm>> -> memref<64x768xf32, #tpu.memory_space<hbm>>
    tpu.enqueue_dma source(%arg8 : memref<64x768xf32, #tpu.memory_space<vmem>>) target(%dma_start3A_37 : memref<64x768xf32, #tpu.memory_space<hbm>>) target_semaphore(%arg12 : memref<!tpu.dma_semaphore, #tpu.memory_space<semaphore_mem>>)
    %dma_wait3A_38 = arith.constant 0 : i32
    %dma_wait3A_39 = tpu.memref_slice %arg4[%add3A_33, %dma_wait3A_38] : memref<16384x768xf32, #tpu.memory_space<hbm>> -> memref<64x768xf32, #tpu.memory_space<hbm>>
    %dma_wait3A_40 = arith.constant 0 : i32
    %dma_wait3A_41 = tpu.memref_slice %arg4[%add3A_33, %dma_wait3A_40] : memref<16384x768xf32, #tpu.memory_space<hbm>> -> memref<64x768xf32, #tpu.memory_space<hbm>>
    tpu.wait_dma2 semaphore(%arg12 : memref<!tpu.dma_semaphore, #tpu.memory_space<semaphore_mem>>) src(%arg8 : memref<64x768xf32, #tpu.memory_space<vmem>>) dst(%dma_wait3A_41 : memref<64x768xf32, #tpu.memory_space<hbm>>)
    %add3A_42 = arith.constant 192 : i32
    %add3A_43 = arith.addi %mul3A_2, %add3A_42 : i32
    "tpu.region"() ({
      %run_scoped3A = tpu.sem_alloc : memref<!tpu.dma_semaphore, #tpu.memory_space<semaphore_mem>>
      %dma_start3A_145 = tpu.memref_slice %arg2[%add3A_43] : memref<16384xi32, #tpu.memory_space<hbm>> -> memref<64xi32, #tpu.memory_space<hbm>>
      %dma_start3A_146 = tpu.memref_slice %arg2[%add3A_43] : memref<16384xi32, #tpu.memory_space<hbm>> -> memref<64xi32, #tpu.memory_space<hbm>>
      tpu.enqueue_dma source(%dma_start3A_146 : memref<64xi32, #tpu.memory_space<hbm>>) target(%arg6 : memref<64xi32, #tpu.memory_space<vmem>>) target_semaphore(%run_scoped3A : memref<!tpu.dma_semaphore, #tpu.memory_space<semaphore_mem>>)
      %dma_wait3A_147 = tpu.memref_slice %arg2[%add3A_43] : memref<16384xi32, #tpu.memory_space<hbm>> -> memref<64xi32, #tpu.memory_space<hbm>>
      %dma_wait3A_148 = tpu.memref_slice %arg2[%add3A_43] : memref<16384xi32, #tpu.memory_space<hbm>> -> memref<64xi32, #tpu.memory_space<hbm>>
      tpu.wait_dma2 semaphore(%run_scoped3A : memref<!tpu.dma_semaphore, #tpu.memory_space<semaphore_mem>>) src(%dma_wait3A_148 : memref<64xi32, #tpu.memory_space<hbm>>) dst(%arg6 : memref<64xi32, #tpu.memory_space<vmem>>)
      tpu.yield
    }) : () -> ()
    %dma_start3A_44 = arith.constant 0 : i32
    %dma_start3A_45 = arith.constant 0 : i32
    %dma_start3A_46 = tpu.memref_slice %arg3[%dma_start3A_44, %dma_start3A_45] : memref<119547x768xf32, #tpu.memory_space<hbm>> -> memref<119547x768xf32, #tpu.memory_space<hbm>>
    tpu.enqueue_indirect_dma source(%dma_start3A_46 : memref<119547x768xf32, #tpu.memory_space<hbm>>) target(%arg8 : memref<64x768xf32, #tpu.memory_space<vmem>>) offsets(%arg6 : memref<64xi32, #tpu.memory_space<vmem>>) semaphore(%arg10 : memref<!tpu.dma_semaphore, #tpu.memory_space<semaphore_mem>>)
    %dma_wait3A_47 = arith.constant 0 : i32
    %dma_wait3A_48 = arith.constant 0 : i32
    %dma_wait3A_49 = tpu.memref_slice %arg3[%dma_wait3A_47, %dma_wait3A_48] : memref<119547x768xf32, #tpu.memory_space<hbm>> -> memref<119547x768xf32, #tpu.memory_space<hbm>>
    tpu.wait_indirect_dma semaphore(%arg9 : memref<!tpu.dma_semaphore, #tpu.memory_space<semaphore_mem>>) src(%dma_wait3A_49 : memref<119547x768xf32, #tpu.memory_space<hbm>>) dst(%arg7 : memref<64x768xf32, #tpu.memory_space<vmem>>)
    %add3A_50 = arith.constant 128 : i32
    %add3A_51 = arith.addi %mul3A_2, %add3A_50 : i32
    %dma_start3A_52 = arith.constant 0 : i32
    %dma_start3A_53 = tpu.memref_slice %arg4[%add3A_51, %dma_start3A_52] : memref<16384x768xf32, #tpu.memory_space<hbm>> -> memref<64x768xf32, #tpu.memory_space<hbm>>
    %dma_start3A_54 = arith.constant 0 : i32
    %dma_start3A_55 = tpu.memref_slice %arg4[%add3A_51, %dma_start3A_54] : memref<16384x768xf32, #tpu.memory_space<hbm>> -> memref<64x768xf32, #tpu.memory_space<hbm>>
    tpu.enqueue_dma source(%arg7 : memref<64x768xf32, #tpu.memory_space<vmem>>) target(%dma_start3A_55 : memref<64x768xf32, #tpu.memory_space<hbm>>) target_semaphore(%arg11 : memref<!tpu.dma_semaphore, #tpu.memory_space<semaphore_mem>>)
    %dma_wait3A_56 = arith.constant 0 : i32
    %dma_wait3A_57 = tpu.memref_slice %arg4[%add3A_51, %dma_wait3A_56] : memref<16384x768xf32, #tpu.memory_space<hbm>> -> memref<64x768xf32, #tpu.memory_space<hbm>>
    %dma_wait3A_58 = arith.constant 0 : i32
    %dma_wait3A_59 = tpu.memref_slice %arg4[%add3A_51, %dma_wait3A_58] : memref<16384x768xf32, #tpu.memory_space<hbm>> -> memref<64x768xf32, #tpu.memory_space<hbm>>
    tpu.wait_dma2 semaphore(%arg11 : memref<!tpu.dma_semaphore, #tpu.memory_space<semaphore_mem>>) src(%arg7 : memref<64x768xf32, #tpu.memory_space<vmem>>) dst(%dma_wait3A_59 : memref<64x768xf32, #tpu.memory_space<hbm>>)
    %add3A_60 = arith.constant 256 : i32
    %add3A_61 = arith.addi %mul3A_2, %add3A_60 : i32
    "tpu.region"() ({
      %run_scoped3A = tpu.sem_alloc : memref<!tpu.dma_semaphore, #tpu.memory_space<semaphore_mem>>
      %dma_start3A_145 = tpu.memref_slice %arg2[%add3A_61] : memref<16384xi32, #tpu.memory_space<hbm>> -> memref<64xi32, #tpu.memory_space<hbm>>
      %dma_start3A_146 = tpu.memref_slice %arg2[%add3A_61] : memref<16384xi32, #tpu.memory_space<hbm>> -> memref<64xi32, #tpu.memory_space<hbm>>
      tpu.enqueue_dma source(%dma_start3A_146 : memref<64xi32, #tpu.memory_space<hbm>>) target(%arg5 : memref<64xi32, #tpu.memory_space<vmem>>) target_semaphore(%run_scoped3A : memref<!tpu.dma_semaphore, #tpu.memory_space<semaphore_mem>>)
      %dma_wait3A_147 = tpu.memref_slice %arg2[%add3A_61] : memref<16384xi32, #tpu.memory_space<hbm>> -> memref<64xi32, #tpu.memory_space<hbm>>
      %dma_wait3A_148 = tpu.memref_slice %arg2[%add3A_61] : memref<16384xi32, #tpu.memory_space<hbm>> -> memref<64xi32, #tpu.memory_space<hbm>>
      tpu.wait_dma2 semaphore(%run_scoped3A : memref<!tpu.dma_semaphore, #tpu.memory_space<semaphore_mem>>) src(%dma_wait3A_148 : memref<64xi32, #tpu.memory_space<hbm>>) dst(%arg5 : memref<64xi32, #tpu.memory_space<vmem>>)
      tpu.yield
    }) : () -> ()
    %dma_start3A_62 = arith.constant 0 : i32
    %dma_start3A_63 = arith.constant 0 : i32
    %dma_start3A_64 = tpu.memref_slice %arg3[%dma_start3A_62, %dma_start3A_63] : memref<119547x768xf32, #tpu.memory_space<hbm>> -> memref<119547x768xf32, #tpu.memory_space<hbm>>
    tpu.enqueue_indirect_dma source(%dma_start3A_64 : memref<119547x768xf32, #tpu.memory_space<hbm>>) target(%arg7 : memref<64x768xf32, #tpu.memory_space<vmem>>) offsets(%arg5 : memref<64xi32, #tpu.memory_space<vmem>>) semaphore(%arg9 : memref<!tpu.dma_semaphore, #tpu.memory_space<semaphore_mem>>)
    %dma_wait3A_65 = arith.constant 0 : i32
    %dma_wait3A_66 = arith.constant 0 : i32
    %dma_wait3A_67 = tpu.memref_slice %arg3[%dma_wait3A_65, %dma_wait3A_66] : memref<119547x768xf32, #tpu.memory_space<hbm>> -> memref<119547x768xf32, #tpu.memory_space<hbm>>
    tpu.wait_indirect_dma semaphore(%arg10 : memref<!tpu.dma_semaphore, #tpu.memory_space<semaphore_mem>>) src(%dma_wait3A_67 : memref<119547x768xf32, #tpu.memory_space<hbm>>) dst(%arg8 : memref<64x768xf32, #tpu.memory_space<vmem>>)
    %add3A_68 = arith.constant 192 : i32
    %add3A_69 = arith.addi %mul3A_2, %add3A_68 : i32
    %dma_start3A_70 = arith.constant 0 : i32
    %dma_start3A_71 = tpu.memref_slice %arg4[%add3A_69, %dma_start3A_70] : memref<16384x768xf32, #tpu.memory_space<hbm>> -> memref<64x768xf32, #tpu.memory_space<hbm>>
    %dma_start3A_72 = arith.constant 0 : i32
    %dma_start3A_73 = tpu.memref_slice %arg4[%add3A_69, %dma_start3A_72] : memref<16384x768xf32, #tpu.memory_space<hbm>> -> memref<64x768xf32, #tpu.memory_space<hbm>>
    tpu.enqueue_dma source(%arg8 : memref<64x768xf32, #tpu.memory_space<vmem>>) target(%dma_start3A_73 : memref<64x768xf32, #tpu.memory_space<hbm>>) target_semaphore(%arg12 : memref<!tpu.dma_semaphore, #tpu.memory_space<semaphore_mem>>)
    %dma_wait3A_74 = arith.constant 0 : i32
    %dma_wait3A_75 = tpu.memref_slice %arg4[%add3A_69, %dma_wait3A_74] : memref<16384x768xf32, #tpu.memory_space<hbm>> -> memref<64x768xf32, #tpu.memory_space<hbm>>
    %dma_wait3A_76 = arith.constant 0 : i32
    %dma_wait3A_77 = tpu.memref_slice %arg4[%add3A_69, %dma_wait3A_76] : memref<16384x768xf32, #tpu.memory_space<hbm>> -> memref<64x768xf32, #tpu.memory_space<hbm>>
    tpu.wait_dma2 semaphore(%arg12 : memref<!tpu.dma_semaphore, #tpu.memory_space<semaphore_mem>>) src(%arg8 : memref<64x768xf32, #tpu.memory_space<vmem>>) dst(%dma_wait3A_77 : memref<64x768xf32, #tpu.memory_space<hbm>>)
    %add3A_78 = arith.constant 320 : i32
    %add3A_79 = arith.addi %mul3A_2, %add3A_78 : i32
    "tpu.region"() ({
      %run_scoped3A = tpu.sem_alloc : memref<!tpu.dma_semaphore, #tpu.memory_space<semaphore_mem>>
      %dma_start3A_145 = tpu.memref_slice %arg2[%add3A_79] : memref<16384xi32, #tpu.memory_space<hbm>> -> memref<64xi32, #tpu.memory_space<hbm>>
      %dma_start3A_146 = tpu.memref_slice %arg2[%add3A_79] : memref<16384xi32, #tpu.memory_space<hbm>> -> memref<64xi32, #tpu.memory_space<hbm>>
      tpu.enqueue_dma source(%dma_start3A_146 : memref<64xi32, #tpu.memory_space<hbm>>) target(%arg6 : memref<64xi32, #tpu.memory_space<vmem>>) target_semaphore(%run_scoped3A : memref<!tpu.dma_semaphore, #tpu.memory_space<semaphore_mem>>)
      %dma_wait3A_147 = tpu.memref_slice %arg2[%add3A_79] : memref<16384xi32, #tpu.memory_space<hbm>> -> memref<64xi32, #tpu.memory_space<hbm>>
      %dma_wait3A_148 = tpu.memref_slice %arg2[%add3A_79] : memref<16384xi32, #tpu.memory_space<hbm>> -> memref<64xi32, #tpu.memory_space<hbm>>
      tpu.wait_dma2 semaphore(%run_scoped3A : memref<!tpu.dma_semaphore, #tpu.memory_space<semaphore_mem>>) src(%dma_wait3A_148 : memref<64xi32, #tpu.memory_space<hbm>>) dst(%arg6 : memref<64xi32, #tpu.memory_space<vmem>>)
      tpu.yield
    }) : () -> ()
    %dma_start3A_80 = arith.constant 0 : i32
    %dma_start3A_81 = arith.constant 0 : i32
    %dma_start3A_82 = tpu.memref_slice %arg3[%dma_start3A_80, %dma_start3A_81] : memref<119547x768xf32, #tpu.memory_space<hbm>> -> memref<119547x768xf32, #tpu.memory_space<hbm>>
    tpu.enqueue_indirect_dma source(%dma_start3A_82 : memref<119547x768xf32, #tpu.memory_space<hbm>>) target(%arg8 : memref<64x768xf32, #tpu.memory_space<vmem>>) offsets(%arg6 : memref<64xi32, #tpu.memory_space<vmem>>) semaphore(%arg10 : memref<!tpu.dma_semaphore, #tpu.memory_space<semaphore_mem>>)
    %dma_wait3A_83 = arith.constant 0 : i32
    %dma_wait3A_84 = arith.constant 0 : i32
    %dma_wait3A_85 = tpu.memref_slice %arg3[%dma_wait3A_83, %dma_wait3A_84] : memref<119547x768xf32, #tpu.memory_space<hbm>> -> memref<119547x768xf32, #tpu.memory_space<hbm>>
    tpu.wait_indirect_dma semaphore(%arg9 : memref<!tpu.dma_semaphore, #tpu.memory_space<semaphore_mem>>) src(%dma_wait3A_85 : memref<119547x768xf32, #tpu.memory_space<hbm>>) dst(%arg7 : memref<64x768xf32, #tpu.memory_space<vmem>>)
    %add3A_86 = arith.constant 256 : i32
    %add3A_87 = arith.addi %mul3A_2, %add3A_86 : i32
    %dma_start3A_88 = arith.constant 0 : i32
    %dma_start3A_89 = tpu.memref_slice %arg4[%add3A_87, %dma_start3A_88] : memref<16384x768xf32, #tpu.memory_space<hbm>> -> memref<64x768xf32, #tpu.memory_space<hbm>>
    %dma_start3A_90 = arith.constant 0 : i32
    %dma_start3A_91 = tpu.memref_slice %arg4[%add3A_87, %dma_start3A_90] : memref<16384x768xf32, #tpu.memory_space<hbm>> -> memref<64x768xf32, #tpu.memory_space<hbm>>
    tpu.enqueue_dma source(%arg7 : memref<64x768xf32, #tpu.memory_space<vmem>>) target(%dma_start3A_91 : memref<64x768xf32, #tpu.memory_space<hbm>>) target_semaphore(%arg11 : memref<!tpu.dma_semaphore, #tpu.memory_space<semaphore_mem>>)
    %dma_wait3A_92 = arith.constant 0 : i32
    %dma_wait3A_93 = tpu.memref_slice %arg4[%add3A_87, %dma_wait3A_92] : memref<16384x768xf32, #tpu.memory_space<hbm>> -> memref<64x768xf32, #tpu.memory_space<hbm>>
    %dma_wait3A_94 = arith.constant 0 : i32
    %dma_wait3A_95 = tpu.memref_slice %arg4[%add3A_87, %dma_wait3A_94] : memref<16384x768xf32, #tpu.memory_space<hbm>> -> memref<64x768xf32, #tpu.memory_space<hbm>>
    tpu.wait_dma2 semaphore(%arg11 : memref<!tpu.dma_semaphore, #tpu.memory_space<semaphore_mem>>) src(%arg7 : memref<64x768xf32, #tpu.memory_space<vmem>>) dst(%dma_wait3A_95 : memref<64x768xf32, #tpu.memory_space<hbm>>)
    %add3A_96 = arith.constant 384 : i32
    %add3A_97 = arith.addi %mul3A_2, %add3A_96 : i32
    "tpu.region"() ({
      %run_scoped3A = tpu.sem_alloc : memref<!tpu.dma_semaphore, #tpu.memory_space<semaphore_mem>>
      %dma_start3A_145 = tpu.memref_slice %arg2[%add3A_97] : memref<16384xi32, #tpu.memory_space<hbm>> -> memref<64xi32, #tpu.memory_space<hbm>>
      %dma_start3A_146 = tpu.memref_slice %arg2[%add3A_97] : memref<16384xi32, #tpu.memory_space<hbm>> -> memref<64xi32, #tpu.memory_space<hbm>>
      tpu.enqueue_dma source(%dma_start3A_146 : memref<64xi32, #tpu.memory_space<hbm>>) target(%arg5 : memref<64xi32, #tpu.memory_space<vmem>>) target_semaphore(%run_scoped3A : memref<!tpu.dma_semaphore, #tpu.memory_space<semaphore_mem>>)
      %dma_wait3A_147 = tpu.memref_slice %arg2[%add3A_97] : memref<16384xi32, #tpu.memory_space<hbm>> -> memref<64xi32, #tpu.memory_space<hbm>>
      %dma_wait3A_148 = tpu.memref_slice %arg2[%add3A_97] : memref<16384xi32, #tpu.memory_space<hbm>> -> memref<64xi32, #tpu.memory_space<hbm>>
      tpu.wait_dma2 semaphore(%run_scoped3A : memref<!tpu.dma_semaphore, #tpu.memory_space<semaphore_mem>>) src(%dma_wait3A_148 : memref<64xi32, #tpu.memory_space<hbm>>) dst(%arg5 : memref<64xi32, #tpu.memory_space<vmem>>)
      tpu.yield
    }) : () -> ()
    %dma_start3A_98 = arith.constant 0 : i32
    %dma_start3A_99 = arith.constant 0 : i32
    %dma_start3A_100 = tpu.memref_slice %arg3[%dma_start3A_98, %dma_start3A_99] : memref<119547x768xf32, #tpu.memory_space<hbm>> -> memref<119547x768xf32, #tpu.memory_space<hbm>>
    tpu.enqueue_indirect_dma source(%dma_start3A_100 : memref<119547x768xf32, #tpu.memory_space<hbm>>) target(%arg7 : memref<64x768xf32, #tpu.memory_space<vmem>>) offsets(%arg5 : memref<64xi32, #tpu.memory_space<vmem>>) semaphore(%arg9 : memref<!tpu.dma_semaphore, #tpu.memory_space<semaphore_mem>>)
    %dma_wait3A_101 = arith.constant 0 : i32
    %dma_wait3A_102 = arith.constant 0 : i32
    %dma_wait3A_103 = tpu.memref_slice %arg3[%dma_wait3A_101, %dma_wait3A_102] : memref<119547x768xf32, #tpu.memory_space<hbm>> -> memref<119547x768xf32, #tpu.memory_space<hbm>>
    tpu.wait_indirect_dma semaphore(%arg10 : memref<!tpu.dma_semaphore, #tpu.memory_space<semaphore_mem>>) src(%dma_wait3A_103 : memref<119547x768xf32, #tpu.memory_space<hbm>>) dst(%arg8 : memref<64x768xf32, #tpu.memory_space<vmem>>)
    %add3A_104 = arith.constant 320 : i32
    %add3A_105 = arith.addi %mul3A_2, %add3A_104 : i32
    %dma_start3A_106 = arith.constant 0 : i32
    %dma_start3A_107 = tpu.memref_slice %arg4[%add3A_105, %dma_start3A_106] : memref<16384x768xf32, #tpu.memory_space<hbm>> -> memref<64x768xf32, #tpu.memory_space<hbm>>
    %dma_start3A_108 = arith.constant 0 : i32
    %dma_start3A_109 = tpu.memref_slice %arg4[%add3A_105, %dma_start3A_108] : memref<16384x768xf32, #tpu.memory_space<hbm>> -> memref<64x768xf32, #tpu.memory_space<hbm>>
    tpu.enqueue_dma source(%arg8 : memref<64x768xf32, #tpu.memory_space<vmem>>) target(%dma_start3A_109 : memref<64x768xf32, #tpu.memory_space<hbm>>) target_semaphore(%arg12 : memref<!tpu.dma_semaphore, #tpu.memory_space<semaphore_mem>>)
    %dma_wait3A_110 = arith.constant 0 : i32
    %dma_wait3A_111 = tpu.memref_slice %arg4[%add3A_105, %dma_wait3A_110] : memref<16384x768xf32, #tpu.memory_space<hbm>> -> memref<64x768xf32, #tpu.memory_space<hbm>>
    %dma_wait3A_112 = arith.constant 0 : i32
    %dma_wait3A_113 = tpu.memref_slice %arg4[%add3A_105, %dma_wait3A_112] : memref<16384x768xf32, #tpu.memory_space<hbm>> -> memref<64x768xf32, #tpu.memory_space<hbm>>
    tpu.wait_dma2 semaphore(%arg12 : memref<!tpu.dma_semaphore, #tpu.memory_space<semaphore_mem>>) src(%arg8 : memref<64x768xf32, #tpu.memory_space<vmem>>) dst(%dma_wait3A_113 : memref<64x768xf32, #tpu.memory_space<hbm>>)
    %add3A_114 = arith.constant 448 : i32
    %add3A_115 = arith.addi %mul3A_2, %add3A_114 : i32
    "tpu.region"() ({
      %run_scoped3A = tpu.sem_alloc : memref<!tpu.dma_semaphore, #tpu.memory_space<semaphore_mem>>
      %dma_start3A_145 = tpu.memref_slice %arg2[%add3A_115] : memref<16384xi32, #tpu.memory_space<hbm>> -> memref<64xi32, #tpu.memory_space<hbm>>
      %dma_start3A_146 = tpu.memref_slice %arg2[%add3A_115] : memref<16384xi32, #tpu.memory_space<hbm>> -> memref<64xi32, #tpu.memory_space<hbm>>
      tpu.enqueue_dma source(%dma_start3A_146 : memref<64xi32, #tpu.memory_space<hbm>>) target(%arg6 : memref<64xi32, #tpu.memory_space<vmem>>) target_semaphore(%run_scoped3A : memref<!tpu.dma_semaphore, #tpu.memory_space<semaphore_mem>>)
      %dma_wait3A_147 = tpu.memref_slice %arg2[%add3A_115] : memref<16384xi32, #tpu.memory_space<hbm>> -> memref<64xi32, #tpu.memory_space<hbm>>
      %dma_wait3A_148 = tpu.memref_slice %arg2[%add3A_115] : memref<16384xi32, #tpu.memory_space<hbm>> -> memref<64xi32, #tpu.memory_space<hbm>>
      tpu.wait_dma2 semaphore(%run_scoped3A : memref<!tpu.dma_semaphore, #tpu.memory_space<semaphore_mem>>) src(%dma_wait3A_148 : memref<64xi32, #tpu.memory_space<hbm>>) dst(%arg6 : memref<64xi32, #tpu.memory_space<vmem>>)
      tpu.yield
    }) : () -> ()
    %dma_start3A_116 = arith.constant 0 : i32
    %dma_start3A_117 = arith.constant 0 : i32
    %dma_start3A_118 = tpu.memref_slice %arg3[%dma_start3A_116, %dma_start3A_117] : memref<119547x768xf32, #tpu.memory_space<hbm>> -> memref<119547x768xf32, #tpu.memory_space<hbm>>
    tpu.enqueue_indirect_dma source(%dma_start3A_118 : memref<119547x768xf32, #tpu.memory_space<hbm>>) target(%arg8 : memref<64x768xf32, #tpu.memory_space<vmem>>) offsets(%arg6 : memref<64xi32, #tpu.memory_space<vmem>>) semaphore(%arg10 : memref<!tpu.dma_semaphore, #tpu.memory_space<semaphore_mem>>)
    %dma_wait3A_119 = arith.constant 0 : i32
    %dma_wait3A_120 = arith.constant 0 : i32
    %dma_wait3A_121 = tpu.memref_slice %arg3[%dma_wait3A_119, %dma_wait3A_120] : memref<119547x768xf32, #tpu.memory_space<hbm>> -> memref<119547x768xf32, #tpu.memory_space<hbm>>
    tpu.wait_indirect_dma semaphore(%arg9 : memref<!tpu.dma_semaphore, #tpu.memory_space<semaphore_mem>>) src(%dma_wait3A_121 : memref<119547x768xf32, #tpu.memory_space<hbm>>) dst(%arg7 : memref<64x768xf32, #tpu.memory_space<vmem>>)
    %add3A_122 = arith.constant 384 : i32
    %add3A_123 = arith.addi %mul3A_2, %add3A_122 : i32
    %dma_start3A_124 = arith.constant 0 : i32
    %dma_start3A_125 = tpu.memref_slice %arg4[%add3A_123, %dma_start3A_124] : memref<16384x768xf32, #tpu.memory_space<hbm>> -> memref<64x768xf32, #tpu.memory_space<hbm>>
    %dma_start3A_126 = arith.constant 0 : i32
    %dma_start3A_127 = tpu.memref_slice %arg4[%add3A_123, %dma_start3A_126] : memref<16384x768xf32, #tpu.memory_space<hbm>> -> memref<64x768xf32, #tpu.memory_space<hbm>>
    tpu.enqueue_dma source(%arg7 : memref<64x768xf32, #tpu.memory_space<vmem>>) target(%dma_start3A_127 : memref<64x768xf32, #tpu.memory_space<hbm>>) target_semaphore(%arg11 : memref<!tpu.dma_semaphore, #tpu.memory_space<semaphore_mem>>)
    %dma_wait3A_128 = arith.constant 0 : i32
    %dma_wait3A_129 = arith.constant 0 : i32
    %dma_wait3A_130 = tpu.memref_slice %arg3[%dma_wait3A_128, %dma_wait3A_129] : memref<119547x768xf32, #tpu.memory_space<hbm>> -> memref<119547x768xf32, #tpu.memory_space<hbm>>
    tpu.wait_indirect_dma semaphore(%arg10 : memref<!tpu.dma_semaphore, #tpu.memory_space<semaphore_mem>>) src(%dma_wait3A_130 : memref<119547x768xf32, #tpu.memory_space<hbm>>) dst(%arg8 : memref<64x768xf32, #tpu.memory_space<vmem>>)
    %add3A_131 = arith.constant 448 : i32
    %add3A_132 = arith.addi %mul3A_2, %add3A_131 : i32
    %dma_start3A_133 = arith.constant 0 : i32
    %dma_start3A_134 = tpu.memref_slice %arg4[%add3A_132, %dma_start3A_133] : memref<16384x768xf32, #tpu.memory_space<hbm>> -> memref<64x768xf32, #tpu.memory_space<hbm>>
    %dma_start3A_135 = arith.constant 0 : i32
    %dma_start3A_136 = tpu.memref_slice %arg4[%add3A_132, %dma_start3A_135] : memref<16384x768xf32, #tpu.memory_space<hbm>> -> memref<64x768xf32, #tpu.memory_space<hbm>>
    tpu.enqueue_dma source(%arg8 : memref<64x768xf32, #tpu.memory_space<vmem>>) target(%dma_start3A_136 : memref<64x768xf32, #tpu.memory_space<hbm>>) target_semaphore(%arg12 : memref<!tpu.dma_semaphore, #tpu.memory_space<semaphore_mem>>)
    %dma_wait3A_137 = arith.constant 0 : i32
    %dma_wait3A_138 = tpu.memref_slice %arg4[%add3A_123, %dma_wait3A_137] : memref<16384x768xf32, #tpu.memory_space<hbm>> -> memref<64x768xf32, #tpu.memory_space<hbm>>
    %dma_wait3A_139 = arith.constant 0 : i32
    %dma_wait3A_140 = tpu.memref_slice %arg4[%add3A_123, %dma_wait3A_139] : memref<16384x768xf32, #tpu.memory_space<hbm>> -> memref<64x768xf32, #tpu.memory_space<hbm>>
    tpu.wait_dma2 semaphore(%arg11 : memref<!tpu.dma_semaphore, #tpu.memory_space<semaphore_mem>>) src(%arg7 : memref<64x768xf32, #tpu.memory_space<vmem>>) dst(%dma_wait3A_140 : memref<64x768xf32, #tpu.memory_space<hbm>>)
    %dma_wait3A_141 = arith.constant 0 : i32
    %dma_wait3A_142 = tpu.memref_slice %arg4[%add3A_132, %dma_wait3A_141] : memref<16384x768xf32, #tpu.memory_space<hbm>> -> memref<64x768xf32, #tpu.memory_space<hbm>>
    %dma_wait3A_143 = arith.constant 0 : i32
    %dma_wait3A_144 = tpu.memref_slice %arg4[%add3A_132, %dma_wait3A_143] : memref<16384x768xf32, #tpu.memory_space<hbm>> -> memref<64x768xf32, #tpu.memory_space<hbm>>
    tpu.wait_dma2 semaphore(%arg12 : memref<!tpu.dma_semaphore, #tpu.memory_space<semaphore_mem>>) src(%arg8 : memref<64x768xf32, #tpu.memory_space<vmem>>) dst(%dma_wait3A_144 : memref<64x768xf32, #tpu.memory_space<hbm>>)
    return
  }
}

#map = affine_map<(d0, d1) -> (0)>
#map1 = affine_map<(d0, d1) -> (0, 0)>
module attributes {stable_mosaic.version = 14 : i64} {
  func.func @_sc_gather_body(%arg0: i32, %arg1: i32, %arg2: memref<16384xi32, #tpu.memory_space<hbm>>, %arg3: memref<119547x768xf32, #tpu.memory_space<hbm>>, %arg4: memref<16384x768xf32, #tpu.memory_space<hbm>>, %arg5: memref<64xi32, #tpu.memory_space<vmem>>, %arg6: memref<64xi32, #tpu.memory_space<vmem>>, %arg7: memref<64x768xf32, #tpu.memory_space<vmem>>, %arg8: memref<64x768xf32, #tpu.memory_space<vmem>>, %arg9: memref<!tpu.dma_semaphore, #tpu.memory_space<semaphore_mem>>, %arg10: memref<!tpu.dma_semaphore, #tpu.memory_space<semaphore_mem>>, %arg11: memref<!tpu.dma_semaphore, #tpu.memory_space<semaphore_mem>>, %arg12: memref<!tpu.dma_semaphore, #tpu.memory_space<semaphore_mem>>) attributes {dimension_semantics = [#tpu.dimension_semantics<core_parallel>, #tpu.dimension_semantics<subcore_parallel>], iteration_bounds = array<i64: 2, 16>, scalar_prefetch = 0 : i64, scratch_operands = 8 : i64, tpu.core_type = #tpu.core_type<sc_vector_subcore>, window_params = [{transform_indices = #map}, {transform_indices = #map1}, {transform_indices = #map1}]} {
    %mul3A = arith.constant 2 : i32
    %mul3A_0 = arith.muli %arg1, %mul3A : i32
    %add3A = arith.addi %mul3A_0, %arg0 : i32
    %mul3A_1 = arith.constant 512 : i32
    %mul3A_2 = arith.muli %add3A, %mul3A_1 : i32
    %add3A_3 = arith.constant 0 : i32
    %add3A_4 = arith.addi %mul3A_2, %add3A_3 : i32
    "tpu.region"() ({
      %run_scoped3A = tpu.sem_alloc : memref<!tpu.dma_semaphore, #tpu.memory_space<semaphore_mem>>
      %dma_start3A_145 = tpu.memref_slice %arg2[%add3A_4] : memref<16384xi32, #tpu.memory_space<hbm>> -> memref<64xi32, #tpu.memory_space<hbm>>
      %dma_start3A_146 = tpu.memref_slice %arg2[%add3A_4] : memref<16384xi32, #tpu.memory_space<hbm>> -> memref<64xi32, #tpu.memory_space<hbm>>
      tpu.enqueue_dma source(%dma_start3A_146 : memref<64xi32, #tpu.memory_space<hbm>>) target(%arg5 : memref<64xi32, #tpu.memory_space<vmem>>) target_semaphore(%run_scoped3A : memref<!tpu.dma_semaphore, #tpu.memory_space<semaphore_mem>>)
      %dma_wait3A_147 = tpu.memref_slice %arg2[%add3A_4] : memref<16384xi32, #tpu.memory_space<hbm>> -> memref<64xi32, #tpu.memory_space<hbm>>
      %dma_wait3A_148 = tpu.memref_slice %arg2[%add3A_4] : memref<16384xi32, #tpu.memory_space<hbm>> -> memref<64xi32, #tpu.memory_space<hbm>>
      tpu.wait_dma2 semaphore(%run_scoped3A : memref<!tpu.dma_semaphore, #tpu.memory_space<semaphore_mem>>) src(%dma_wait3A_148 : memref<64xi32, #tpu.memory_space<hbm>>) dst(%arg5 : memref<64xi32, #tpu.memory_space<vmem>>)
      tpu.yield
    }) : () -> ()
    %dma_start3A = arith.constant 0 : i32
    %dma_start3A_5 = arith.constant 0 : i32
    %dma_start3A_6 = tpu.memref_slice %arg3[%dma_start3A, %dma_start3A_5] : memref<119547x768xf32, #tpu.memory_space<hbm>> -> memref<119547x768xf32, #tpu.memory_space<hbm>>
    tpu.enqueue_indirect_dma source(%dma_start3A_6 : memref<119547x768xf32, #tpu.memory_space<hbm>>) target(%arg7 : memref<64x768xf32, #tpu.memory_space<vmem>>) offsets(%arg5 : memref<64xi32, #tpu.memory_space<vmem>>) semaphore(%arg9 : memref<!tpu.dma_semaphore, #tpu.memory_space<semaphore_mem>>)
    %add3A_7 = arith.constant 64 : i32
    %add3A_8 = arith.addi %mul3A_2, %add3A_7 : i32
    "tpu.region"() ({
      %run_scoped3A = tpu.sem_alloc : memref<!tpu.dma_semaphore, #tpu.memory_space<semaphore_mem>>
      %dma_start3A_145 = tpu.memref_slice %arg2[%add3A_8] : memref<16384xi32, #tpu.memory_space<hbm>> -> memref<64xi32, #tpu.memory_space<hbm>>
      %dma_start3A_146 = tpu.memref_slice %arg2[%add3A_8] : memref<16384xi32, #tpu.memory_space<hbm>> -> memref<64xi32, #tpu.memory_space<hbm>>
      tpu.enqueue_dma source(%dma_start3A_146 : memref<64xi32, #tpu.memory_space<hbm>>) target(%arg6 : memref<64xi32, #tpu.memory_space<vmem>>) target_semaphore(%run_scoped3A : memref<!tpu.dma_semaphore, #tpu.memory_space<semaphore_mem>>)
      %dma_wait3A_147 = tpu.memref_slice %arg2[%add3A_8] : memref<16384xi32, #tpu.memory_space<hbm>> -> memref<64xi32, #tpu.memory_space<hbm>>
      %dma_wait3A_148 = tpu.memref_slice %arg2[%add3A_8] : memref<16384xi32, #tpu.memory_space<hbm>> -> memref<64xi32, #tpu.memory_space<hbm>>
      tpu.wait_dma2 semaphore(%run_scoped3A : memref<!tpu.dma_semaphore, #tpu.memory_space<semaphore_mem>>) src(%dma_wait3A_148 : memref<64xi32, #tpu.memory_space<hbm>>) dst(%arg6 : memref<64xi32, #tpu.memory_space<vmem>>)
      tpu.yield
    }) : () -> ()
    %dma_start3A_9 = arith.constant 0 : i32
    %dma_start3A_10 = arith.constant 0 : i32
    %dma_start3A_11 = tpu.memref_slice %arg3[%dma_start3A_9, %dma_start3A_10] : memref<119547x768xf32, #tpu.memory_space<hbm>> -> memref<119547x768xf32, #tpu.memory_space<hbm>>
    tpu.enqueue_indirect_dma source(%dma_start3A_11 : memref<119547x768xf32, #tpu.memory_space<hbm>>) target(%arg8 : memref<64x768xf32, #tpu.memory_space<vmem>>) offsets(%arg6 : memref<64xi32, #tpu.memory_space<vmem>>) semaphore(%arg10 : memref<!tpu.dma_semaphore, #tpu.memory_space<semaphore_mem>>)
    %dma_wait3A = arith.constant 0 : i32
    %dma_wait3A_12 = arith.constant 0 : i32
    %dma_wait3A_13 = tpu.memref_slice %arg3[%dma_wait3A, %dma_wait3A_12] : memref<119547x768xf32, #tpu.memory_space<hbm>> -> memref<119547x768xf32, #tpu.memory_space<hbm>>
    tpu.wait_indirect_dma semaphore(%arg9 : memref<!tpu.dma_semaphore, #tpu.memory_space<semaphore_mem>>) src(%dma_wait3A_13 : memref<119547x768xf32, #tpu.memory_space<hbm>>) dst(%arg7 : memref<64x768xf32, #tpu.memory_space<vmem>>)
    %add3A_14 = arith.constant 0 : i32
    %add3A_15 = arith.addi %mul3A_2, %add3A_14 : i32
    %dma_start3A_16 = arith.constant 0 : i32
    %dma_start3A_17 = tpu.memref_slice %arg4[%add3A_15, %dma_start3A_16] : memref<16384x768xf32, #tpu.memory_space<hbm>> -> memref<64x768xf32, #tpu.memory_space<hbm>>
    %dma_start3A_18 = arith.constant 0 : i32
    %dma_start3A_19 = tpu.memref_slice %arg4[%add3A_15, %dma_start3A_18] : memref<16384x768xf32, #tpu.memory_space<hbm>> -> memref<64x768xf32, #tpu.memory_space<hbm>>
    tpu.enqueue_dma source(%arg7 : memref<64x768xf32, #tpu.memory_space<vmem>>) target(%dma_start3A_19 : memref<64x768xf32, #tpu.memory_space<hbm>>) target_semaphore(%arg11 : memref<!tpu.dma_semaphore, #tpu.memory_space<semaphore_mem>>)
    %dma_wait3A_20 = arith.constant 0 : i32
    %dma_wait3A_21 = tpu.memref_slice %arg4[%add3A_15, %dma_wait3A_20] : memref<16384x768xf32, #tpu.memory_space<hbm>> -> memref<64x768xf32, #tpu.memory_space<hbm>>
    %dma_wait3A_22 = arith.constant 0 : i32
    %dma_wait3A_23 = tpu.memref_slice %arg4[%add3A_15, %dma_wait3A_22] : memref<16384x768xf32, #tpu.memory_space<hbm>> -> memref<64x768xf32, #tpu.memory_space<hbm>>
    tpu.wait_dma2 semaphore(%arg11 : memref<!tpu.dma_semaphore, #tpu.memory_space<semaphore_mem>>) src(%arg7 : memref<64x768xf32, #tpu.memory_space<vmem>>) dst(%dma_wait3A_23 : memref<64x768xf32, #tpu.memory_space<hbm>>)
    %add3A_24 = arith.constant 128 : i32
    %add3A_25 = arith.addi %mul3A_2, %add3A_24 : i32
    "tpu.region"() ({
      %run_scoped3A = tpu.sem_alloc : memref<!tpu.dma_semaphore, #tpu.memory_space<semaphore_mem>>
      %dma_start3A_145 = tpu.memref_slice %arg2[%add3A_25] : memref<16384xi32, #tpu.memory_space<hbm>> -> memref<64xi32, #tpu.memory_space<hbm>>
      %dma_start3A_146 = tpu.memref_slice %arg2[%add3A_25] : memref<16384xi32, #tpu.memory_space<hbm>> -> memref<64xi32, #tpu.memory_space<hbm>>
      tpu.enqueue_dma source(%dma_start3A_146 : memref<64xi32, #tpu.memory_space<hbm>>) target(%arg5 : memref<64xi32, #tpu.memory_space<vmem>>) target_semaphore(%run_scoped3A : memref<!tpu.dma_semaphore, #tpu.memory_space<semaphore_mem>>)
      %dma_wait3A_147 = tpu.memref_slice %arg2[%add3A_25] : memref<16384xi32, #tpu.memory_space<hbm>> -> memref<64xi32, #tpu.memory_space<hbm>>
      %dma_wait3A_148 = tpu.memref_slice %arg2[%add3A_25] : memref<16384xi32, #tpu.memory_space<hbm>> -> memref<64xi32, #tpu.memory_space<hbm>>
      tpu.wait_dma2 semaphore(%run_scoped3A : memref<!tpu.dma_semaphore, #tpu.memory_space<semaphore_mem>>) src(%dma_wait3A_148 : memref<64xi32, #tpu.memory_space<hbm>>) dst(%arg5 : memref<64xi32, #tpu.memory_space<vmem>>)
      tpu.yield
    }) : () -> ()
    %dma_start3A_26 = arith.constant 0 : i32
    %dma_start3A_27 = arith.constant 0 : i32
    %dma_start3A_28 = tpu.memref_slice %arg3[%dma_start3A_26, %dma_start3A_27] : memref<119547x768xf32, #tpu.memory_space<hbm>> -> memref<119547x768xf32, #tpu.memory_space<hbm>>
    tpu.enqueue_indirect_dma source(%dma_start3A_28 : memref<119547x768xf32, #tpu.memory_space<hbm>>) target(%arg7 : memref<64x768xf32, #tpu.memory_space<vmem>>) offsets(%arg5 : memref<64xi32, #tpu.memory_space<vmem>>) semaphore(%arg9 : memref<!tpu.dma_semaphore, #tpu.memory_space<semaphore_mem>>)
    %dma_wait3A_29 = arith.constant 0 : i32
    %dma_wait3A_30 = arith.constant 0 : i32
    %dma_wait3A_31 = tpu.memref_slice %arg3[%dma_wait3A_29, %dma_wait3A_30] : memref<119547x768xf32, #tpu.memory_space<hbm>> -> memref<119547x768xf32, #tpu.memory_space<hbm>>
    tpu.wait_indirect_dma semaphore(%arg10 : memref<!tpu.dma_semaphore, #tpu.memory_space<semaphore_mem>>) src(%dma_wait3A_31 : memref<119547x768xf32, #tpu.memory_space<hbm>>) dst(%arg8 : memref<64x768xf32, #tpu.memory_space<vmem>>)
    %add3A_32 = arith.constant 64 : i32
    %add3A_33 = arith.addi %mul3A_2, %add3A_32 : i32
    %dma_start3A_34 = arith.constant 0 : i32
    %dma_start3A_35 = tpu.memref_slice %arg4[%add3A_33, %dma_start3A_34] : memref<16384x768xf32, #tpu.memory_space<hbm>> -> memref<64x768xf32, #tpu.memory_space<hbm>>
    %dma_start3A_36 = arith.constant 0 : i32
    %dma_start3A_37 = tpu.memref_slice %arg4[%add3A_33, %dma_start3A_36] : memref<16384x768xf32, #tpu.memory_space<hbm>> -> memref<64x768xf32, #tpu.memory_space<hbm>>
    tpu.enqueue_dma source(%arg8 : memref<64x768xf32, #tpu.memory_space<vmem>>) target(%dma_start3A_37 : memref<64x768xf32, #tpu.memory_space<hbm>>) target_semaphore(%arg12 : memref<!tpu.dma_semaphore, #tpu.memory_space<semaphore_mem>>)
    %dma_wait3A_38 = arith.constant 0 : i32
    %dma_wait3A_39 = tpu.memref_slice %arg4[%add3A_33, %dma_wait3A_38] : memref<16384x768xf32, #tpu.memory_space<hbm>> -> memref<64x768xf32, #tpu.memory_space<hbm>>
    %dma_wait3A_40 = arith.constant 0 : i32
    %dma_wait3A_41 = tpu.memref_slice %arg4[%add3A_33, %dma_wait3A_40] : memref<16384x768xf32, #tpu.memory_space<hbm>> -> memref<64x768xf32, #tpu.memory_space<hbm>>
    tpu.wait_dma2 semaphore(%arg12 : memref<!tpu.dma_semaphore, #tpu.memory_space<semaphore_mem>>) src(%arg8 : memref<64x768xf32, #tpu.memory_space<vmem>>) dst(%dma_wait3A_41 : memref<64x768xf32, #tpu.memory_space<hbm>>)
    %add3A_42 = arith.constant 192 : i32
    %add3A_43 = arith.addi %mul3A_2, %add3A_42 : i32
    "tpu.region"() ({
      %run_scoped3A = tpu.sem_alloc : memref<!tpu.dma_semaphore, #tpu.memory_space<semaphore_mem>>
      %dma_start3A_145 = tpu.memref_slice %arg2[%add3A_43] : memref<16384xi32, #tpu.memory_space<hbm>> -> memref<64xi32, #tpu.memory_space<hbm>>
      %dma_start3A_146 = tpu.memref_slice %arg2[%add3A_43] : memref<16384xi32, #tpu.memory_space<hbm>> -> memref<64xi32, #tpu.memory_space<hbm>>
      tpu.enqueue_dma source(%dma_start3A_146 : memref<64xi32, #tpu.memory_space<hbm>>) target(%arg6 : memref<64xi32, #tpu.memory_space<vmem>>) target_semaphore(%run_scoped3A : memref<!tpu.dma_semaphore, #tpu.memory_space<semaphore_mem>>)
      %dma_wait3A_147 = tpu.memref_slice %arg2[%add3A_43] : memref<16384xi32, #tpu.memory_space<hbm>> -> memref<64xi32, #tpu.memory_space<hbm>>
      %dma_wait3A_148 = tpu.memref_slice %arg2[%add3A_43] : memref<16384xi32, #tpu.memory_space<hbm>> -> memref<64xi32, #tpu.memory_space<hbm>>
      tpu.wait_dma2 semaphore(%run_scoped3A : memref<!tpu.dma_semaphore, #tpu.memory_space<semaphore_mem>>) src(%dma_wait3A_148 : memref<64xi32, #tpu.memory_space<hbm>>) dst(%arg6 : memref<64xi32, #tpu.memory_space<vmem>>)
      tpu.yield
    }) : () -> ()
    %dma_start3A_44 = arith.constant 0 : i32
    %dma_start3A_45 = arith.constant 0 : i32
    %dma_start3A_46 = tpu.memref_slice %arg3[%dma_start3A_44, %dma_start3A_45] : memref<119547x768xf32, #tpu.memory_space<hbm>> -> memref<119547x768xf32, #tpu.memory_space<hbm>>
    tpu.enqueue_indirect_dma source(%dma_start3A_46 : memref<119547x768xf32, #tpu.memory_space<hbm>>) target(%arg8 : memref<64x768xf32, #tpu.memory_space<vmem>>) offsets(%arg6 : memref<64xi32, #tpu.memory_space<vmem>>) semaphore(%arg10 : memref<!tpu.dma_semaphore, #tpu.memory_space<semaphore_mem>>)
    %dma_wait3A_47 = arith.constant 0 : i32
    %dma_wait3A_48 = arith.constant 0 : i32
    %dma_wait3A_49 = tpu.memref_slice %arg3[%dma_wait3A_47, %dma_wait3A_48] : memref<119547x768xf32, #tpu.memory_space<hbm>> -> memref<119547x768xf32, #tpu.memory_space<hbm>>
    tpu.wait_indirect_dma semaphore(%arg9 : memref<!tpu.dma_semaphore, #tpu.memory_space<semaphore_mem>>) src(%dma_wait3A_49 : memref<119547x768xf32, #tpu.memory_space<hbm>>) dst(%arg7 : memref<64x768xf32, #tpu.memory_space<vmem>>)
    %add3A_50 = arith.constant 128 : i32
    %add3A_51 = arith.addi %mul3A_2, %add3A_50 : i32
    %dma_start3A_52 = arith.constant 0 : i32
    %dma_start3A_53 = tpu.memref_slice %arg4[%add3A_51, %dma_start3A_52] : memref<16384x768xf32, #tpu.memory_space<hbm>> -> memref<64x768xf32, #tpu.memory_space<hbm>>
    %dma_start3A_54 = arith.constant 0 : i32
    %dma_start3A_55 = tpu.memref_slice %arg4[%add3A_51, %dma_start3A_54] : memref<16384x768xf32, #tpu.memory_space<hbm>> -> memref<64x768xf32, #tpu.memory_space<hbm>>
    tpu.enqueue_dma source(%arg7 : memref<64x768xf32, #tpu.memory_space<vmem>>) target(%dma_start3A_55 : memref<64x768xf32, #tpu.memory_space<hbm>>) target_semaphore(%arg11 : memref<!tpu.dma_semaphore, #tpu.memory_space<semaphore_mem>>)
    %dma_wait3A_56 = arith.constant 0 : i32
    %dma_wait3A_57 = tpu.memref_slice %arg4[%add3A_51, %dma_wait3A_56] : memref<16384x768xf32, #tpu.memory_space<hbm>> -> memref<64x768xf32, #tpu.memory_space<hbm>>
    %dma_wait3A_58 = arith.constant 0 : i32
    %dma_wait3A_59 = tpu.memref_slice %arg4[%add3A_51, %dma_wait3A_58] : memref<16384x768xf32, #tpu.memory_space<hbm>> -> memref<64x768xf32, #tpu.memory_space<hbm>>
    tpu.wait_dma2 semaphore(%arg11 : memref<!tpu.dma_semaphore, #tpu.memory_space<semaphore_mem>>) src(%arg7 : memref<64x768xf32, #tpu.memory_space<vmem>>) dst(%dma_wait3A_59 : memref<64x768xf32, #tpu.memory_space<hbm>>)
    %add3A_60 = arith.constant 256 : i32
    %add3A_61 = arith.addi %mul3A_2, %add3A_60 : i32
    "tpu.region"() ({
      %run_scoped3A = tpu.sem_alloc : memref<!tpu.dma_semaphore, #tpu.memory_space<semaphore_mem>>
      %dma_start3A_145 = tpu.memref_slice %arg2[%add3A_61] : memref<16384xi32, #tpu.memory_space<hbm>> -> memref<64xi32, #tpu.memory_space<hbm>>
      %dma_start3A_146 = tpu.memref_slice %arg2[%add3A_61] : memref<16384xi32, #tpu.memory_space<hbm>> -> memref<64xi32, #tpu.memory_space<hbm>>
      tpu.enqueue_dma source(%dma_start3A_146 : memref<64xi32, #tpu.memory_space<hbm>>) target(%arg5 : memref<64xi32, #tpu.memory_space<vmem>>) target_semaphore(%run_scoped3A : memref<!tpu.dma_semaphore, #tpu.memory_space<semaphore_mem>>)
      %dma_wait3A_147 = tpu.memref_slice %arg2[%add3A_61] : memref<16384xi32, #tpu.memory_space<hbm>> -> memref<64xi32, #tpu.memory_space<hbm>>
      %dma_wait3A_148 = tpu.memref_slice %arg2[%add3A_61] : memref<16384xi32, #tpu.memory_space<hbm>> -> memref<64xi32, #tpu.memory_space<hbm>>
      tpu.wait_dma2 semaphore(%run_scoped3A : memref<!tpu.dma_semaphore, #tpu.memory_space<semaphore_mem>>) src(%dma_wait3A_148 : memref<64xi32, #tpu.memory_space<hbm>>) dst(%arg5 : memref<64xi32, #tpu.memory_space<vmem>>)
      tpu.yield
    }) : () -> ()
    %dma_start3A_62 = arith.constant 0 : i32
    %dma_start3A_63 = arith.constant 0 : i32
    %dma_start3A_64 = tpu.memref_slice %arg3[%dma_start3A_62, %dma_start3A_63] : memref<119547x768xf32, #tpu.memory_space<hbm>> -> memref<119547x768xf32, #tpu.memory_space<hbm>>
    tpu.enqueue_indirect_dma source(%dma_start3A_64 : memref<119547x768xf32, #tpu.memory_space<hbm>>) target(%arg7 : memref<64x768xf32, #tpu.memory_space<vmem>>) offsets(%arg5 : memref<64xi32, #tpu.memory_space<vmem>>) semaphore(%arg9 : memref<!tpu.dma_semaphore, #tpu.memory_space<semaphore_mem>>)
    %dma_wait3A_65 = arith.constant 0 : i32
    %dma_wait3A_66 = arith.constant 0 : i32
    %dma_wait3A_67 = tpu.memref_slice %arg3[%dma_wait3A_65, %dma_wait3A_66] : memref<119547x768xf32, #tpu.memory_space<hbm>> -> memref<119547x768xf32, #tpu.memory_space<hbm>>
    tpu.wait_indirect_dma semaphore(%arg10 : memref<!tpu.dma_semaphore, #tpu.memory_space<semaphore_mem>>) src(%dma_wait3A_67 : memref<119547x768xf32, #tpu.memory_space<hbm>>) dst(%arg8 : memref<64x768xf32, #tpu.memory_space<vmem>>)
    %add3A_68 = arith.constant 192 : i32
    %add3A_69 = arith.addi %mul3A_2, %add3A_68 : i32
    %dma_start3A_70 = arith.constant 0 : i32
    %dma_start3A_71 = tpu.memref_slice %arg4[%add3A_69, %dma_start3A_70] : memref<16384x768xf32, #tpu.memory_space<hbm>> -> memref<64x768xf32, #tpu.memory_space<hbm>>
    %dma_start3A_72 = arith.constant 0 : i32
    %dma_start3A_73 = tpu.memref_slice %arg4[%add3A_69, %dma_start3A_72] : memref<16384x768xf32, #tpu.memory_space<hbm>> -> memref<64x768xf32, #tpu.memory_space<hbm>>
    tpu.enqueue_dma source(%arg8 : memref<64x768xf32, #tpu.memory_space<vmem>>) target(%dma_start3A_73 : memref<64x768xf32, #tpu.memory_space<hbm>>) target_semaphore(%arg12 : memref<!tpu.dma_semaphore, #tpu.memory_space<semaphore_mem>>)
    %dma_wait3A_74 = arith.constant 0 : i32
    %dma_wait3A_75 = tpu.memref_slice %arg4[%add3A_69, %dma_wait3A_74] : memref<16384x768xf32, #tpu.memory_space<hbm>> -> memref<64x768xf32, #tpu.memory_space<hbm>>
    %dma_wait3A_76 = arith.constant 0 : i32
    %dma_wait3A_77 = tpu.memref_slice %arg4[%add3A_69, %dma_wait3A_76] : memref<16384x768xf32, #tpu.memory_space<hbm>> -> memref<64x768xf32, #tpu.memory_space<hbm>>
    tpu.wait_dma2 semaphore(%arg12 : memref<!tpu.dma_semaphore, #tpu.memory_space<semaphore_mem>>) src(%arg8 : memref<64x768xf32, #tpu.memory_space<vmem>>) dst(%dma_wait3A_77 : memref<64x768xf32, #tpu.memory_space<hbm>>)
    %add3A_78 = arith.constant 320 : i32
    %add3A_79 = arith.addi %mul3A_2, %add3A_78 : i32
    "tpu.region"() ({
      %run_scoped3A = tpu.sem_alloc : memref<!tpu.dma_semaphore, #tpu.memory_space<semaphore_mem>>
      %dma_start3A_145 = tpu.memref_slice %arg2[%add3A_79] : memref<16384xi32, #tpu.memory_space<hbm>> -> memref<64xi32, #tpu.memory_space<hbm>>
      %dma_start3A_146 = tpu.memref_slice %arg2[%add3A_79] : memref<16384xi32, #tpu.memory_space<hbm>> -> memref<64xi32, #tpu.memory_space<hbm>>
      tpu.enqueue_dma source(%dma_start3A_146 : memref<64xi32, #tpu.memory_space<hbm>>) target(%arg6 : memref<64xi32, #tpu.memory_space<vmem>>) target_semaphore(%run_scoped3A : memref<!tpu.dma_semaphore, #tpu.memory_space<semaphore_mem>>)
      %dma_wait3A_147 = tpu.memref_slice %arg2[%add3A_79] : memref<16384xi32, #tpu.memory_space<hbm>> -> memref<64xi32, #tpu.memory_space<hbm>>
      %dma_wait3A_148 = tpu.memref_slice %arg2[%add3A_79] : memref<16384xi32, #tpu.memory_space<hbm>> -> memref<64xi32, #tpu.memory_space<hbm>>
      tpu.wait_dma2 semaphore(%run_scoped3A : memref<!tpu.dma_semaphore, #tpu.memory_space<semaphore_mem>>) src(%dma_wait3A_148 : memref<64xi32, #tpu.memory_space<hbm>>) dst(%arg6 : memref<64xi32, #tpu.memory_space<vmem>>)
      tpu.yield
    }) : () -> ()
    %dma_start3A_80 = arith.constant 0 : i32
    %dma_start3A_81 = arith.constant 0 : i32
    %dma_start3A_82 = tpu.memref_slice %arg3[%dma_start3A_80, %dma_start3A_81] : memref<119547x768xf32, #tpu.memory_space<hbm>> -> memref<119547x768xf32, #tpu.memory_space<hbm>>
    tpu.enqueue_indirect_dma source(%dma_start3A_82 : memref<119547x768xf32, #tpu.memory_space<hbm>>) target(%arg8 : memref<64x768xf32, #tpu.memory_space<vmem>>) offsets(%arg6 : memref<64xi32, #tpu.memory_space<vmem>>) semaphore(%arg10 : memref<!tpu.dma_semaphore, #tpu.memory_space<semaphore_mem>>)
    %dma_wait3A_83 = arith.constant 0 : i32
    %dma_wait3A_84 = arith.constant 0 : i32
    %dma_wait3A_85 = tpu.memref_slice %arg3[%dma_wait3A_83, %dma_wait3A_84] : memref<119547x768xf32, #tpu.memory_space<hbm>> -> memref<119547x768xf32, #tpu.memory_space<hbm>>
    tpu.wait_indirect_dma semaphore(%arg9 : memref<!tpu.dma_semaphore, #tpu.memory_space<semaphore_mem>>) src(%dma_wait3A_85 : memref<119547x768xf32, #tpu.memory_space<hbm>>) dst(%arg7 : memref<64x768xf32, #tpu.memory_space<vmem>>)
    %add3A_86 = arith.constant 256 : i32
    %add3A_87 = arith.addi %mul3A_2, %add3A_86 : i32
    %dma_start3A_88 = arith.constant 0 : i32
    %dma_start3A_89 = tpu.memref_slice %arg4[%add3A_87, %dma_start3A_88] : memref<16384x768xf32, #tpu.memory_space<hbm>> -> memref<64x768xf32, #tpu.memory_space<hbm>>
    %dma_start3A_90 = arith.constant 0 : i32
    %dma_start3A_91 = tpu.memref_slice %arg4[%add3A_87, %dma_start3A_90] : memref<16384x768xf32, #tpu.memory_space<hbm>> -> memref<64x768xf32, #tpu.memory_space<hbm>>
    tpu.enqueue_dma source(%arg7 : memref<64x768xf32, #tpu.memory_space<vmem>>) target(%dma_start3A_91 : memref<64x768xf32, #tpu.memory_space<hbm>>) target_semaphore(%arg11 : memref<!tpu.dma_semaphore, #tpu.memory_space<semaphore_mem>>)
    %dma_wait3A_92 = arith.constant 0 : i32
    %dma_wait3A_93 = tpu.memref_slice %arg4[%add3A_87, %dma_wait3A_92] : memref<16384x768xf32, #tpu.memory_space<hbm>> -> memref<64x768xf32, #tpu.memory_space<hbm>>
    %dma_wait3A_94 = arith.constant 0 : i32
    %dma_wait3A_95 = tpu.memref_slice %arg4[%add3A_87, %dma_wait3A_94] : memref<16384x768xf32, #tpu.memory_space<hbm>> -> memref<64x768xf32, #tpu.memory_space<hbm>>
    tpu.wait_dma2 semaphore(%arg11 : memref<!tpu.dma_semaphore, #tpu.memory_space<semaphore_mem>>) src(%arg7 : memref<64x768xf32, #tpu.memory_space<vmem>>) dst(%dma_wait3A_95 : memref<64x768xf32, #tpu.memory_space<hbm>>)
    %add3A_96 = arith.constant 384 : i32
    %add3A_97 = arith.addi %mul3A_2, %add3A_96 : i32
    "tpu.region"() ({
      %run_scoped3A = tpu.sem_alloc : memref<!tpu.dma_semaphore, #tpu.memory_space<semaphore_mem>>
      %dma_start3A_145 = tpu.memref_slice %arg2[%add3A_97] : memref<16384xi32, #tpu.memory_space<hbm>> -> memref<64xi32, #tpu.memory_space<hbm>>
      %dma_start3A_146 = tpu.memref_slice %arg2[%add3A_97] : memref<16384xi32, #tpu.memory_space<hbm>> -> memref<64xi32, #tpu.memory_space<hbm>>
      tpu.enqueue_dma source(%dma_start3A_146 : memref<64xi32, #tpu.memory_space<hbm>>) target(%arg5 : memref<64xi32, #tpu.memory_space<vmem>>) target_semaphore(%run_scoped3A : memref<!tpu.dma_semaphore, #tpu.memory_space<semaphore_mem>>)
      %dma_wait3A_147 = tpu.memref_slice %arg2[%add3A_97] : memref<16384xi32, #tpu.memory_space<hbm>> -> memref<64xi32, #tpu.memory_space<hbm>>
      %dma_wait3A_148 = tpu.memref_slice %arg2[%add3A_97] : memref<16384xi32, #tpu.memory_space<hbm>> -> memref<64xi32, #tpu.memory_space<hbm>>
      tpu.wait_dma2 semaphore(%run_scoped3A : memref<!tpu.dma_semaphore, #tpu.memory_space<semaphore_mem>>) src(%dma_wait3A_148 : memref<64xi32, #tpu.memory_space<hbm>>) dst(%arg5 : memref<64xi32, #tpu.memory_space<vmem>>)
      tpu.yield
    }) : () -> ()
    %dma_start3A_98 = arith.constant 0 : i32
    %dma_start3A_99 = arith.constant 0 : i32
    %dma_start3A_100 = tpu.memref_slice %arg3[%dma_start3A_98, %dma_start3A_99] : memref<119547x768xf32, #tpu.memory_space<hbm>> -> memref<119547x768xf32, #tpu.memory_space<hbm>>
    tpu.enqueue_indirect_dma source(%dma_start3A_100 : memref<119547x768xf32, #tpu.memory_space<hbm>>) target(%arg7 : memref<64x768xf32, #tpu.memory_space<vmem>>) offsets(%arg5 : memref<64xi32, #tpu.memory_space<vmem>>) semaphore(%arg9 : memref<!tpu.dma_semaphore, #tpu.memory_space<semaphore_mem>>)
    %dma_wait3A_101 = arith.constant 0 : i32
    %dma_wait3A_102 = arith.constant 0 : i32
    %dma_wait3A_103 = tpu.memref_slice %arg3[%dma_wait3A_101, %dma_wait3A_102] : memref<119547x768xf32, #tpu.memory_space<hbm>> -> memref<119547x768xf32, #tpu.memory_space<hbm>>
    tpu.wait_indirect_dma semaphore(%arg10 : memref<!tpu.dma_semaphore, #tpu.memory_space<semaphore_mem>>) src(%dma_wait3A_103 : memref<119547x768xf32, #tpu.memory_space<hbm>>) dst(%arg8 : memref<64x768xf32, #tpu.memory_space<vmem>>)
    %add3A_104 = arith.constant 320 : i32
    %add3A_105 = arith.addi %mul3A_2, %add3A_104 : i32
    %dma_start3A_106 = arith.constant 0 : i32
    %dma_start3A_107 = tpu.memref_slice %arg4[%add3A_105, %dma_start3A_106] : memref<16384x768xf32, #tpu.memory_space<hbm>> -> memref<64x768xf32, #tpu.memory_space<hbm>>
    %dma_start3A_108 = arith.constant 0 : i32
    %dma_start3A_109 = tpu.memref_slice %arg4[%add3A_105, %dma_start3A_108] : memref<16384x768xf32, #tpu.memory_space<hbm>> -> memref<64x768xf32, #tpu.memory_space<hbm>>
    tpu.enqueue_dma source(%arg8 : memref<64x768xf32, #tpu.memory_space<vmem>>) target(%dma_start3A_109 : memref<64x768xf32, #tpu.memory_space<hbm>>) target_semaphore(%arg12 : memref<!tpu.dma_semaphore, #tpu.memory_space<semaphore_mem>>)
    %dma_wait3A_110 = arith.constant 0 : i32
    %dma_wait3A_111 = tpu.memref_slice %arg4[%add3A_105, %dma_wait3A_110] : memref<16384x768xf32, #tpu.memory_space<hbm>> -> memref<64x768xf32, #tpu.memory_space<hbm>>
    %dma_wait3A_112 = arith.constant 0 : i32
    %dma_wait3A_113 = tpu.memref_slice %arg4[%add3A_105, %dma_wait3A_112] : memref<16384x768xf32, #tpu.memory_space<hbm>> -> memref<64x768xf32, #tpu.memory_space<hbm>>
    tpu.wait_dma2 semaphore(%arg12 : memref<!tpu.dma_semaphore, #tpu.memory_space<semaphore_mem>>) src(%arg8 : memref<64x768xf32, #tpu.memory_space<vmem>>) dst(%dma_wait3A_113 : memref<64x768xf32, #tpu.memory_space<hbm>>)
    %add3A_114 = arith.constant 448 : i32
    %add3A_115 = arith.addi %mul3A_2, %add3A_114 : i32
    "tpu.region"() ({
      %run_scoped3A = tpu.sem_alloc : memref<!tpu.dma_semaphore, #tpu.memory_space<semaphore_mem>>
      %dma_start3A_145 = tpu.memref_slice %arg2[%add3A_115] : memref<16384xi32, #tpu.memory_space<hbm>> -> memref<64xi32, #tpu.memory_space<hbm>>
      %dma_start3A_146 = tpu.memref_slice %arg2[%add3A_115] : memref<16384xi32, #tpu.memory_space<hbm>> -> memref<64xi32, #tpu.memory_space<hbm>>
      tpu.enqueue_dma source(%dma_start3A_146 : memref<64xi32, #tpu.memory_space<hbm>>) target(%arg6 : memref<64xi32, #tpu.memory_space<vmem>>) target_semaphore(%run_scoped3A : memref<!tpu.dma_semaphore, #tpu.memory_space<semaphore_mem>>)
      %dma_wait3A_147 = tpu.memref_slice %arg2[%add3A_115] : memref<16384xi32, #tpu.memory_space<hbm>> -> memref<64xi32, #tpu.memory_space<hbm>>
      %dma_wait3A_148 = tpu.memref_slice %arg2[%add3A_115] : memref<16384xi32, #tpu.memory_space<hbm>> -> memref<64xi32, #tpu.memory_space<hbm>>
      tpu.wait_dma2 semaphore(%run_scoped3A : memref<!tpu.dma_semaphore, #tpu.memory_space<semaphore_mem>>) src(%dma_wait3A_148 : memref<64xi32, #tpu.memory_space<hbm>>) dst(%arg6 : memref<64xi32, #tpu.memory_space<vmem>>)
      tpu.yield
    }) : () -> ()
    %dma_start3A_116 = arith.constant 0 : i32
    %dma_start3A_117 = arith.constant 0 : i32
    %dma_start3A_118 = tpu.memref_slice %arg3[%dma_start3A_116, %dma_start3A_117] : memref<119547x768xf32, #tpu.memory_space<hbm>> -> memref<119547x768xf32, #tpu.memory_space<hbm>>
    tpu.enqueue_indirect_dma source(%dma_start3A_118 : memref<119547x768xf32, #tpu.memory_space<hbm>>) target(%arg8 : memref<64x768xf32, #tpu.memory_space<vmem>>) offsets(%arg6 : memref<64xi32, #tpu.memory_space<vmem>>) semaphore(%arg10 : memref<!tpu.dma_semaphore, #tpu.memory_space<semaphore_mem>>)
    %dma_wait3A_119 = arith.constant 0 : i32
    %dma_wait3A_120 = arith.constant 0 : i32
    %dma_wait3A_121 = tpu.memref_slice %arg3[%dma_wait3A_119, %dma_wait3A_120] : memref<119547x768xf32, #tpu.memory_space<hbm>> -> memref<119547x768xf32, #tpu.memory_space<hbm>>
    tpu.wait_indirect_dma semaphore(%arg9 : memref<!tpu.dma_semaphore, #tpu.memory_space<semaphore_mem>>) src(%dma_wait3A_121 : memref<119547x768xf32, #tpu.memory_space<hbm>>) dst(%arg7 : memref<64x768xf32, #tpu.memory_space<vmem>>)
    %add3A_122 = arith.constant 384 : i32
    %add3A_123 = arith.addi %mul3A_2, %add3A_122 : i32
    %dma_start3A_124 = arith.constant 0 : i32
    %dma_start3A_125 = tpu.memref_slice %arg4[%add3A_123, %dma_start3A_124] : memref<16384x768xf32, #tpu.memory_space<hbm>> -> memref<64x768xf32, #tpu.memory_space<hbm>>
    %dma_start3A_126 = arith.constant 0 : i32
    %dma_start3A_127 = tpu.memref_slice %arg4[%add3A_123, %dma_start3A_126] : memref<16384x768xf32, #tpu.memory_space<hbm>> -> memref<64x768xf32, #tpu.memory_space<hbm>>
    tpu.enqueue_dma source(%arg7 : memref<64x768xf32, #tpu.memory_space<vmem>>) target(%dma_start3A_127 : memref<64x768xf32, #tpu.memory_space<hbm>>) target_semaphore(%arg11 : memref<!tpu.dma_semaphore, #tpu.memory_space<semaphore_mem>>)
    %dma_wait3A_128 = arith.constant 0 : i32
    %dma_wait3A_129 = arith.constant 0 : i32
    %dma_wait3A_130 = tpu.memref_slice %arg3[%dma_wait3A_128, %dma_wait3A_129] : memref<119547x768xf32, #tpu.memory_space<hbm>> -> memref<119547x768xf32, #tpu.memory_space<hbm>>
    tpu.wait_indirect_dma semaphore(%arg10 : memref<!tpu.dma_semaphore, #tpu.memory_space<semaphore_mem>>) src(%dma_wait3A_130 : memref<119547x768xf32, #tpu.memory_space<hbm>>) dst(%arg8 : memref<64x768xf32, #tpu.memory_space<vmem>>)
    %add3A_131 = arith.constant 448 : i32
    %add3A_132 = arith.addi %mul3A_2, %add3A_131 : i32
    %dma_start3A_133 = arith.constant 0 : i32
    %dma_start3A_134 = tpu.memref_slice %arg4[%add3A_132, %dma_start3A_133] : memref<16384x768xf32, #tpu.memory_space<hbm>> -> memref<64x768xf32, #tpu.memory_space<hbm>>
    %dma_start3A_135 = arith.constant 0 : i32
    %dma_start3A_136 = tpu.memref_slice %arg4[%add3A_132, %dma_start3A_135] : memref<16384x768xf32, #tpu.memory_space<hbm>> -> memref<64x768xf32, #tpu.memory_space<hbm>>
    tpu.enqueue_dma source(%arg8 : memref<64x768xf32, #tpu.memory_space<vmem>>) target(%dma_start3A_136 : memref<64x768xf32, #tpu.memory_space<hbm>>) target_semaphore(%arg12 : memref<!tpu.dma_semaphore, #tpu.memory_space<semaphore_mem>>)
    %dma_wait3A_137 = arith.constant 0 : i32
    %dma_wait3A_138 = tpu.memref_slice %arg4[%add3A_123, %dma_wait3A_137] : memref<16384x768xf32, #tpu.memory_space<hbm>> -> memref<64x768xf32, #tpu.memory_space<hbm>>
    %dma_wait3A_139 = arith.constant 0 : i32
    %dma_wait3A_140 = tpu.memref_slice %arg4[%add3A_123, %dma_wait3A_139] : memref<16384x768xf32, #tpu.memory_space<hbm>> -> memref<64x768xf32, #tpu.memory_space<hbm>>
    tpu.wait_dma2 semaphore(%arg11 : memref<!tpu.dma_semaphore, #tpu.memory_space<semaphore_mem>>) src(%arg7 : memref<64x768xf32, #tpu.memory_space<vmem>>) dst(%dma_wait3A_140 : memref<64x768xf32, #tpu.memory_space<hbm>>)
    %dma_wait3A_141 = arith.constant 0 : i32
    %dma_wait3A_142 = tpu.memref_slice %arg4[%add3A_132, %dma_wait3A_141] : memref<16384x768xf32, #tpu.memory_space<hbm>> -> memref<64x768xf32, #tpu.memory_space<hbm>>
    %dma_wait3A_143 = arith.constant 0 : i32
    %dma_wait3A_144 = tpu.memref_slice %arg4[%add3A_132, %dma_wait3A_143] : memref<16384x768xf32, #tpu.memory_space<hbm>> -> memref<64x768xf32, #tpu.memory_space<hbm>>
    tpu.wait_dma2 semaphore(%arg12 : memref<!tpu.dma_semaphore, #tpu.memory_space<semaphore_mem>>) src(%arg8 : memref<64x768xf32, #tpu.memory_space<vmem>>) dst(%dma_wait3A_144 : memref<64x768xf32, #tpu.memory_space<hbm>>)
    return
  }
}

module attributes {stable_mosaic.version = 14 : i64} {
  func.func @_tc_ln_body(%arg0: i32, %arg1: memref<4x512x768xf32, #tpu.memory_space<vmem>>, %arg2: memref<512x768xf32, #tpu.memory_space<vmem>>, %arg3: memref<4x1x512xi32, #tpu.memory_space<vmem>>, %arg4: memref<8x768xf32, #tpu.memory_space<vmem>>, %arg5: memref<8x768xf32, #tpu.memory_space<vmem>>, %arg6: memref<8x768xf32, #tpu.memory_space<vmem>>, %arg7: memref<8x768xf32, #tpu.memory_space<vmem>>, %arg8: memref<4x512x768xf32, #tpu.memory_space<vmem>>) attributes {dimension_semantics = [#tpu.dimension_semantics<arbitrary>], iteration_bounds = array<i64: 8>, scalar_prefetch = 0 : i64, scratch_operands = 0 : i64, tpu.core_type = #tpu.core_type<tc>, window_params = [{transform_indices = @transform_0, window_bounds = array<i64: 4, 512, 768>}, {pipeline_mode = #tpu.pipeline_mode<synchronous>, transform_indices = @transform_1, window_bounds = array<i64: 512, 768>}, {transform_indices = @transform_2, window_bounds = array<i64: 4, 1, 512>}, {pipeline_mode = #tpu.pipeline_mode<synchronous>, transform_indices = @transform_3, window_bounds = array<i64: 8, 768>}, {pipeline_mode = #tpu.pipeline_mode<synchronous>, transform_indices = @transform_4, window_bounds = array<i64: 8, 768>}, {pipeline_mode = #tpu.pipeline_mode<synchronous>, transform_indices = @transform_5, window_bounds = array<i64: 8, 768>}, {pipeline_mode = #tpu.pipeline_mode<synchronous>, transform_indices = @transform_6, window_bounds = array<i64: 8, 768>}, {transform_indices = @transform_7, window_bounds = array<i64: 4, 512, 768>}]} {
    %get3A = arith.constant 0 : index
    %get3A_0 = arith.constant 0 : index
    %get3A_1 = arith.constant 0 : index
    %get3A_2 = vector.load %arg3[%get3A, %get3A_0, %get3A_1] : memref<4x1x512xi32, #tpu.memory_space<vmem>>, vector<4x1x512xi32>
    %convert_element_type3A = arith.sitofp %get3A_2 : vector<4x1x512xi32> to vector<4x1x512xf32>
    %transpose3A = tpu.transpose %convert_element_type3A, [0, 2, 1] : vector<4x1x512xf32> -> vector<4x512x1xf32>
    %get3A_3 = arith.constant 0 : index
    %get3A_4 = arith.constant 0 : index
    %get3A_5 = arith.constant 0 : index
    %get3A_6 = vector.load %arg1[%get3A_3, %get3A_4, %get3A_5] : memref<4x512x768xf32, #tpu.memory_space<vmem>>, vector<4x512x768xf32>
    %get3A_7 = arith.constant 0 : index
    %get3A_8 = arith.constant 0 : index
    %get3A_9 = vector.load %arg2[%get3A_7, %get3A_8] : memref<512x768xf32, #tpu.memory_space<vmem>>, vector<512x768xf32>
    %get3A_10 = arith.constant 0 : index
    %get3A_11 = arith.constant 0 : index
    %get3A_12 = vector.load %arg4[%get3A_10, %get3A_11] : memref<8x768xf32, #tpu.memory_space<vmem>>, vector<1x768xf32>
    %add3A = vector.broadcast %get3A_12 : vector<1x768xf32> to vector<512x768xf32>
    %add3A_13 = arith.addf %get3A_9, %add3A : vector<512x768xf32>
    %broadcast_in_dim3A = vector.shape_cast %add3A_13 : vector<512x768xf32> to vector<1x512x768xf32>
    %add3A_14 = vector.broadcast %broadcast_in_dim3A : vector<1x512x768xf32> to vector<4x512x768xf32>
    %add3A_15 = arith.addf %get3A_6, %add3A_14 : vector<4x512x768xf32>
    %get3A_16 = arith.constant 0 : index
    %get3A_17 = arith.constant 0 : index
    %get3A_18 = vector.load %arg5[%get3A_16, %get3A_17] : memref<8x768xf32, #tpu.memory_space<vmem>>, vector<1x768xf32>
    %broadcast_in_dim3A_19 = vector.shape_cast %get3A_18 : vector<1x768xf32> to vector<1x1x768xf32>
    %mul3A = vector.broadcast %transpose3A : vector<4x512x1xf32> to vector<4x512x768xf32>
    %mul3A_20 = vector.broadcast %broadcast_in_dim3A_19 : vector<1x1x768xf32> to vector<4x512x768xf32>
    %mul3A_21 = arith.mulf %mul3A, %mul3A_20 : vector<4x512x768xf32>
    %add3A_22 = arith.addf %add3A_15, %mul3A_21 : vector<4x512x768xf32>
    %reduce_sum3A = arith.constant dense<0.000000e+00> : vector<4x512xf32>
    %reduce_sum3A_23 = vector.multi_reduction <add>, %add3A_22, %reduce_sum3A [2] : vector<4x512x768xf32> to vector<4x512xf32>
    %broadcast_in_dim3A_24 = vector.shape_cast %reduce_sum3A_23 : vector<4x512xf32> to vector<4x512x1xf32>
    %div3A = arith.constant 7.680000e+02 : f32
    %div3A_25 = vector.broadcast %div3A : f32 to vector<4x512x1xf32>
    %div3A_26 = arith.divf %broadcast_in_dim3A_24, %div3A_25 : vector<4x512x1xf32>
    %mul3A_27 = arith.mulf %add3A_22, %add3A_22 : vector<4x512x768xf32>
    %reduce_sum3A_28 = arith.constant dense<0.000000e+00> : vector<4x512xf32>
    %reduce_sum3A_29 = vector.multi_reduction <add>, %mul3A_27, %reduce_sum3A_28 [2] : vector<4x512x768xf32> to vector<4x512xf32>
    %broadcast_in_dim3A_30 = vector.shape_cast %reduce_sum3A_29 : vector<4x512xf32> to vector<4x512x1xf32>
    %div3A_31 = arith.constant 7.680000e+02 : f32
    %div3A_32 = vector.broadcast %div3A_31 : f32 to vector<4x512x1xf32>
    %div3A_33 = arith.divf %broadcast_in_dim3A_30, %div3A_32 : vector<4x512x1xf32>
    %mul3A_34 = arith.mulf %div3A_26, %div3A_26 : vector<4x512x1xf32>
    %sub3A = arith.subf %div3A_33, %mul3A_34 : vector<4x512x1xf32>
    %add3A_35 = arith.constant 9.99999996E-13 : f32
    %add3A_36 = vector.broadcast %add3A_35 : f32 to vector<4x512x1xf32>
    %add3A_37 = arith.addf %sub3A, %add3A_36 : vector<4x512x1xf32>
    %rsqrt3A = math.rsqrt %add3A_37 : vector<4x512x1xf32>
    %sub3A_38 = vector.broadcast %div3A_26 : vector<4x512x1xf32> to vector<4x512x768xf32>
    %sub3A_39 = arith.subf %add3A_22, %sub3A_38 : vector<4x512x768xf32>
    %mul3A_40 = vector.broadcast %rsqrt3A : vector<4x512x1xf32> to vector<4x512x768xf32>
    %mul3A_41 = arith.mulf %sub3A_39, %mul3A_40 : vector<4x512x768xf32>
    %get3A_42 = arith.constant 0 : index
    %get3A_43 = arith.constant 0 : index
    %get3A_44 = vector.load %arg6[%get3A_42, %get3A_43] : memref<8x768xf32, #tpu.memory_space<vmem>>, vector<1x768xf32>
    %broadcast_in_dim3A_45 = vector.shape_cast %get3A_44 : vector<1x768xf32> to vector<1x1x768xf32>
    %mul3A_46 = vector.broadcast %broadcast_in_dim3A_45 : vector<1x1x768xf32> to vector<4x512x768xf32>
    %mul3A_47 = arith.mulf %mul3A_41, %mul3A_46 : vector<4x512x768xf32>
    %get3A_48 = arith.constant 0 : index
    %get3A_49 = arith.constant 0 : index
    %get3A_50 = vector.load %arg7[%get3A_48, %get3A_49] : memref<8x768xf32, #tpu.memory_space<vmem>>, vector<1x768xf32>
    %broadcast_in_dim3A_51 = vector.shape_cast %get3A_50 : vector<1x768xf32> to vector<1x1x768xf32>
    %add3A_52 = vector.broadcast %broadcast_in_dim3A_51 : vector<1x1x768xf32> to vector<4x512x768xf32>
    %add3A_53 = arith.addf %mul3A_47, %add3A_52 : vector<4x512x768xf32>
    %swap3A = arith.constant 0 : index
    %swap3A_54 = arith.constant 0 : index
    %swap3A_55 = arith.constant 0 : index
    %swap3A_56 = vector.load %arg8[%swap3A, %swap3A_54, %swap3A_55] : memref<4x512x768xf32, #tpu.memory_space<vmem>>, vector<4x512x768xf32>
    tpu.vector_store %arg8[%swap3A, %swap3A_54, %swap3A_55], %add3A_53 {strides = array<i32>} : memref<4x512x768xf32, #tpu.memory_space<vmem>>, vector<4x512x768xf32>,
    return
  }
  func.func @transform_0(%arg0: i32) -> (i32, i32, i32) {
    %c0_i32 = arith.constant 0 : i32
    %c0_i32_0 = arith.constant 0 : i32
    %c0_i32_1 = arith.constant 0 : i32
    return %arg0, %c0_i32, %c0_i32_0 : i32, i32, i32
  }
  func.func @transform_1(%arg0: i32) -> (i32, i32) {
    %c0_i32 = arith.constant 0 : i32
    %c0_i32_0 = arith.constant 0 : i32
    %c0_i32_1 = arith.constant 0 : i32
    return %c0_i32, %c0_i32_0 : i32, i32
  }
  func.func @transform_2(%arg0: i32) -> (i32, i32, i32) {
    %c0_i32 = arith.constant 0 : i32
    %c0_i32_0 = arith.constant 0 : i32
    %c0_i32_1 = arith.constant 0 : i32
    return %arg0, %c0_i32, %c0_i32_0 : i32, i32, i32
  }
  func.func @transform_3(%arg0: i32) -> (i32, i32) {
    %c0_i32 = arith.constant 0 : i32
    %c0_i32_0 = arith.constant 0 : i32
    %c0_i32_1 = arith.constant 0 : i32
    return %c0_i32, %c0_i32_0 : i32, i32
  }
  func.func @transform_4(%arg0: i32) -> (i32, i32) {
    %c0_i32 = arith.constant 0 : i32
    %c0_i32_0 = arith.constant 0 : i32
    %c0_i32_1 = arith.constant 0 : i32
    return %c0_i32, %c0_i32_0 : i32, i32
  }
  func.func @transform_5(%arg0: i32) -> (i32, i32) {
    %c0_i32 = arith.constant 0 : i32
    %c0_i32_0 = arith.constant 0 : i32
    %c0_i32_1 = arith.constant 0 : i32
    return %c0_i32, %c0_i32_0 : i32, i32
  }
  func.func @transform_6(%arg0: i32) -> (i32, i32) {
    %c0_i32 = arith.constant 0 : i32
    %c0_i32_0 = arith.constant 0 : i32
    %c0_i32_1 = arith.constant 0 : i32
    return %c0_i32, %c0_i32_0 : i32, i32
  }
  func.func @transform_7(%arg0: i32) -> (i32, i32, i32) {
    %add3A = arith.constant 0 : i32
    %add3A_0 = arith.addi %arg0, %add3A : i32
    %c0_i32 = arith.constant 0 : i32
    %c0_i32_1 = arith.constant 0 : i32
    %c0_i32_2 = arith.constant 0 : i32
    return %add3A_0, %c0_i32, %c0_i32_1 : i32, i32, i32
  }
}

module attributes {stable_mosaic.version = 14 : i64} {
  func.func @_tc_ln_part_body(%arg0: i32, %arg1: memref<4x512x768xf32, #tpu.memory_space<vmem>>, %arg2: memref<512x768xf32, #tpu.memory_space<vmem>>, %arg3: memref<4x1x512xi32, #tpu.memory_space<vmem>>, %arg4: memref<8x768xf32, #tpu.memory_space<vmem>>, %arg5: memref<8x768xf32, #tpu.memory_space<vmem>>, %arg6: memref<8x768xf32, #tpu.memory_space<vmem>>, %arg7: memref<8x768xf32, #tpu.memory_space<vmem>>, %arg8: memref<64x512x768xf32, #tpu.memory_space<any>>, %arg9: memref<4x512x768xf32, #tpu.memory_space<vmem>>) attributes {dimension_semantics = [#tpu.dimension_semantics<arbitrary>], iteration_bounds = array<i64: 8>, scalar_prefetch = 0 : i64, scratch_operands = 0 : i64, tpu.core_type = #tpu.core_type<tc>, window_params = [{transform_indices = @transform_0, window_bounds = array<i64: 4, 512, 768>}, {pipeline_mode = #tpu.pipeline_mode<synchronous>, transform_indices = @transform_1, window_bounds = array<i64: 512, 768>}, {transform_indices = @transform_2, window_bounds = array<i64: 4, 1, 512>}, {pipeline_mode = #tpu.pipeline_mode<synchronous>, transform_indices = @transform_3, window_bounds = array<i64: 8, 768>}, {pipeline_mode = #tpu.pipeline_mode<synchronous>, transform_indices = @transform_4, window_bounds = array<i64: 8, 768>}, {pipeline_mode = #tpu.pipeline_mode<synchronous>, transform_indices = @transform_5, window_bounds = array<i64: 8, 768>}, {pipeline_mode = #tpu.pipeline_mode<synchronous>, transform_indices = @transform_6, window_bounds = array<i64: 8, 768>}, {}, {transform_indices = @transform_8, window_bounds = array<i64: 4, 512, 768>}]} {
    %get3A = arith.constant 0 : index
    %get3A_0 = arith.constant 0 : index
    %get3A_1 = arith.constant 0 : index
    %get3A_2 = vector.load %arg3[%get3A, %get3A_0, %get3A_1] : memref<4x1x512xi32, #tpu.memory_space<vmem>>, vector<4x1x512xi32>
    %convert_element_type3A = arith.sitofp %get3A_2 : vector<4x1x512xi32> to vector<4x1x512xf32>
    %transpose3A = tpu.transpose %convert_element_type3A, [0, 2, 1] : vector<4x1x512xf32> -> vector<4x512x1xf32>
    %get3A_3 = arith.constant 0 : index
    %get3A_4 = arith.constant 0 : index
    %get3A_5 = arith.constant 0 : index
    %get3A_6 = vector.load %arg1[%get3A_3, %get3A_4, %get3A_5] : memref<4x512x768xf32, #tpu.memory_space<vmem>>, vector<4x512x768xf32>
    %get3A_7 = arith.constant 0 : index
    %get3A_8 = arith.constant 0 : index
    %get3A_9 = vector.load %arg2[%get3A_7, %get3A_8] : memref<512x768xf32, #tpu.memory_space<vmem>>, vector<512x768xf32>
    %get3A_10 = arith.constant 0 : index
    %get3A_11 = arith.constant 0 : index
    %get3A_12 = vector.load %arg4[%get3A_10, %get3A_11] : memref<8x768xf32, #tpu.memory_space<vmem>>, vector<1x768xf32>
    %add3A = vector.broadcast %get3A_12 : vector<1x768xf32> to vector<512x768xf32>
    %add3A_13 = arith.addf %get3A_9, %add3A : vector<512x768xf32>
    %broadcast_in_dim3A = vector.shape_cast %add3A_13 : vector<512x768xf32> to vector<1x512x768xf32>
    %add3A_14 = vector.broadcast %broadcast_in_dim3A : vector<1x512x768xf32> to vector<4x512x768xf32>
    %add3A_15 = arith.addf %get3A_6, %add3A_14 : vector<4x512x768xf32>
    %get3A_16 = arith.constant 0 : index
    %get3A_17 = arith.constant 0 : index
    %get3A_18 = vector.load %arg5[%get3A_16, %get3A_17] : memref<8x768xf32, #tpu.memory_space<vmem>>, vector<1x768xf32>
    %broadcast_in_dim3A_19 = vector.shape_cast %get3A_18 : vector<1x768xf32> to vector<1x1x768xf32>
    %mul3A = vector.broadcast %transpose3A : vector<4x512x1xf32> to vector<4x512x768xf32>
    %mul3A_20 = vector.broadcast %broadcast_in_dim3A_19 : vector<1x1x768xf32> to vector<4x512x768xf32>
    %mul3A_21 = arith.mulf %mul3A, %mul3A_20 : vector<4x512x768xf32>
    %add3A_22 = arith.addf %add3A_15, %mul3A_21 : vector<4x512x768xf32>
    %reduce_sum3A = arith.constant dense<0.000000e+00> : vector<4x512xf32>
    %reduce_sum3A_23 = vector.multi_reduction <add>, %add3A_22, %reduce_sum3A [2] : vector<4x512x768xf32> to vector<4x512xf32>
    %broadcast_in_dim3A_24 = vector.shape_cast %reduce_sum3A_23 : vector<4x512xf32> to vector<4x512x1xf32>
    %div3A = arith.constant 7.680000e+02 : f32
    %div3A_25 = vector.broadcast %div3A : f32 to vector<4x512x1xf32>
    %div3A_26 = arith.divf %broadcast_in_dim3A_24, %div3A_25 : vector<4x512x1xf32>
    %mul3A_27 = arith.mulf %add3A_22, %add3A_22 : vector<4x512x768xf32>
    %reduce_sum3A_28 = arith.constant dense<0.000000e+00> : vector<4x512xf32>
    %reduce_sum3A_29 = vector.multi_reduction <add>, %mul3A_27, %reduce_sum3A_28 [2] : vector<4x512x768xf32> to vector<4x512xf32>
    %broadcast_in_dim3A_30 = vector.shape_cast %reduce_sum3A_29 : vector<4x512xf32> to vector<4x512x1xf32>
    %div3A_31 = arith.constant 7.680000e+02 : f32
    %div3A_32 = vector.broadcast %div3A_31 : f32 to vector<4x512x1xf32>
    %div3A_33 = arith.divf %broadcast_in_dim3A_30, %div3A_32 : vector<4x512x1xf32>
    %mul3A_34 = arith.mulf %div3A_26, %div3A_26 : vector<4x512x1xf32>
    %sub3A = arith.subf %div3A_33, %mul3A_34 : vector<4x512x1xf32>
    %add3A_35 = arith.constant 9.99999996E-13 : f32
    %add3A_36 = vector.broadcast %add3A_35 : f32 to vector<4x512x1xf32>
    %add3A_37 = arith.addf %sub3A, %add3A_36 : vector<4x512x1xf32>
    %rsqrt3A = math.rsqrt %add3A_37 : vector<4x512x1xf32>
    %sub3A_38 = vector.broadcast %div3A_26 : vector<4x512x1xf32> to vector<4x512x768xf32>
    %sub3A_39 = arith.subf %add3A_22, %sub3A_38 : vector<4x512x768xf32>
    %mul3A_40 = vector.broadcast %rsqrt3A : vector<4x512x1xf32> to vector<4x512x768xf32>
    %mul3A_41 = arith.mulf %sub3A_39, %mul3A_40 : vector<4x512x768xf32>
    %get3A_42 = arith.constant 0 : index
    %get3A_43 = arith.constant 0 : index
    %get3A_44 = vector.load %arg6[%get3A_42, %get3A_43] : memref<8x768xf32, #tpu.memory_space<vmem>>, vector<1x768xf32>
    %broadcast_in_dim3A_45 = vector.shape_cast %get3A_44 : vector<1x768xf32> to vector<1x1x768xf32>
    %mul3A_46 = vector.broadcast %broadcast_in_dim3A_45 : vector<1x1x768xf32> to vector<4x512x768xf32>
    %mul3A_47 = arith.mulf %mul3A_41, %mul3A_46 : vector<4x512x768xf32>
    %get3A_48 = arith.constant 0 : index
    %get3A_49 = arith.constant 0 : index
    %get3A_50 = vector.load %arg7[%get3A_48, %get3A_49] : memref<8x768xf32, #tpu.memory_space<vmem>>, vector<1x768xf32>
    %broadcast_in_dim3A_51 = vector.shape_cast %get3A_50 : vector<1x768xf32> to vector<1x1x768xf32>
    %add3A_52 = vector.broadcast %broadcast_in_dim3A_51 : vector<1x1x768xf32> to vector<4x512x768xf32>
    %add3A_53 = arith.addf %mul3A_47, %add3A_52 : vector<4x512x768xf32>
    %swap3A = arith.constant 0 : index
    %swap3A_54 = arith.constant 0 : index
    %swap3A_55 = arith.constant 0 : index
    %swap3A_56 = vector.load %arg9[%swap3A, %swap3A_54, %swap3A_55] : memref<4x512x768xf32, #tpu.memory_space<vmem>>, vector<4x512x768xf32>
    tpu.vector_store %arg9[%swap3A, %swap3A_54, %swap3A_55], %add3A_53 {strides = array<i32>} : memref<4x512x768xf32, #tpu.memory_space<vmem>>, vector<4x512x768xf32>,
    return
  }
  func.func @transform_0(%arg0: i32) -> (i32, i32, i32) {
    %c0_i32 = arith.constant 0 : i32
    %c0_i32_0 = arith.constant 0 : i32
    %c0_i32_1 = arith.constant 0 : i32
    return %arg0, %c0_i32, %c0_i32_0 : i32, i32, i32
  }
  func.func @transform_1(%arg0: i32) -> (i32, i32) {
    %c0_i32 = arith.constant 0 : i32
    %c0_i32_0 = arith.constant 0 : i32
    %c0_i32_1 = arith.constant 0 : i32
    return %c0_i32, %c0_i32_0 : i32, i32
  }
  func.func @transform_2(%arg0: i32) -> (i32, i32, i32) {
    %c0_i32 = arith.constant 0 : i32
    %c0_i32_0 = arith.constant 0 : i32
    %c0_i32_1 = arith.constant 0 : i32
    return %arg0, %c0_i32, %c0_i32_0 : i32, i32, i32
  }
  func.func @transform_3(%arg0: i32) -> (i32, i32) {
    %c0_i32 = arith.constant 0 : i32
    %c0_i32_0 = arith.constant 0 : i32
    %c0_i32_1 = arith.constant 0 : i32
    return %c0_i32, %c0_i32_0 : i32, i32
  }
  func.func @transform_4(%arg0: i32) -> (i32, i32) {
    %c0_i32 = arith.constant 0 : i32
    %c0_i32_0 = arith.constant 0 : i32
    %c0_i32_1 = arith.constant 0 : i32
    return %c0_i32, %c0_i32_0 : i32, i32
  }
  func.func @transform_5(%arg0: i32) -> (i32, i32) {
    %c0_i32 = arith.constant 0 : i32
    %c0_i32_0 = arith.constant 0 : i32
    %c0_i32_1 = arith.constant 0 : i32
    return %c0_i32, %c0_i32_0 : i32, i32
  }
  func.func @transform_6(%arg0: i32) -> (i32, i32) {
    %c0_i32 = arith.constant 0 : i32
    %c0_i32_0 = arith.constant 0 : i32
    %c0_i32_1 = arith.constant 0 : i32
    return %c0_i32, %c0_i32_0 : i32, i32
  }
  func.func @transform_8(%arg0: i32) -> (i32, i32, i32) {
    %add3A = arith.constant 8 : i32
    %add3A_0 = arith.addi %arg0, %add3A : i32
    %c0_i32 = arith.constant 0 : i32
    %c0_i32_1 = arith.constant 0 : i32
    %c0_i32_2 = arith.constant 0 : i32
    return %add3A_0, %c0_i32, %c0_i32_1 : i32, i32, i32
  }
}

</mosaic_0001>

<sc_bundles>
// kernel: kernel.6.cloned.1.call-start
scs
__scs_entry_jumppad:
0x0: {  	(pc) =	sbr.rel $0x88, $3  }
0x1: {  	(tag) =	ssettag $0x0;
	lr =	simm.s32 $0x1  }
0x2: {  	[smem:$0x3F9A] =	sst lr;
	_ =	strace $0xD0000000  }
0x3: {  	_ = 	snop  }
0x4: {  	_ = 	snop  }
0x5: {  	_ = 	snop  }
0x6: {  	_ = 	snop  }
0x7: {  	_ = 	snop  }
__scs_overlays_trampoline_lowered:
0x8: {  	[smem:$0x3FA9] =	sst s0  }
0x9: {  	[smem:$0x3FAA] =	sst s1  }
0xa: {  	[smem:$0x3FAB] =	sst s2  }
0xb: {  	[smem:$0x3FAC] =	sst s3  }
0xc: {  	[smem:$0x3FAD] =	sst s4  }
0xd: {  	[smem:$0x3FAE] =	sst s5  }
0xe: {  	[smem:$0x3FAF] =	sst s6  }
0xf: {  	[smem:$0x3FB0] =	sst s7  }
0x10: {  	[smem:$0x3FB1] =	sst s8  }
0x11: {  	[smem:$0x3FB2] =	sst s9;
	s0 =	simm.s32 @!p0 $0x0  }
0x12: {  	s1 =	sld [smem:$0x3F98];
	s0 =	simm.s32 @p0 $0x1  }
0x13: {  	[smem:$0x3FB3] =	sst s0;
	s0 =	simm.s32 @!p1 $0x0  }
0x14: {  	s2 =	sld [smem:$0x3F97];
	s0 =	simm.s32 @p1 $0x1  }
0x15: {  	[smem:$0x3FB4] =	sst s0;
	s0 =	simm.s32 @!p2 $0x0  }
0x16: {  	s3 =	sld [smem:$0x3FDB];
	s0 =	simm.s32 @p2 $0x1  }
0x17: {  	s4 =	simm.s32 $0x1BF5;
	[smem:$0x3FB6] =	sst s0  }
0x18: {  	s0 =	sld [smem:$0x3F99];
	_ =	swait.ge [sflag:s4], $0x0  }
0x19: {  	s7 =	sld [smem:$0x3F9A]  }
0x1a: {  	s8 =	sadd.s32 $0xFFFFE003, lr  }
0x1b: {  	s9 =	sadd.s32 $0xFFFFFEF7, lr;
	s5 =	simm.s32 $0xFFFFFFFF;
	p2 =	slt.u32 s8, $0xFFFFF086  }
0x1c: {  	p1 =	slt.u32 s9, $0xF7A;
	s5 =	simm.s32 @!p2 $0x0  }
0x1d: {  	s5 =	simm.s32 @p1 $0x1;
	p0 =	seq.s32 s7, s2  }
0x1e: {  	s7 =	smul.u32 @!p0 $0xF7A, s2;
	p2 =	seq.s32 @!p0 s5, $0x0  }
0x1f: {  	s9 =	smul.u32 $0xF7A, s1;
	s8 =	simm.s32 @!p0 $0x1BF5;
	p2 =	por !p2, p0  }
0x20: {  	[sflag:s8] =	ssyncset.s32 @!p0 $0xFFFFF086;
	s6 =	sadd.s32 @!p0 s3, s7;
	s7 =	simm.s32 @!p0 $0x108  }
0x21: {  	s3 =	sadd.s32 s3, s9;
	s6 =	sadd.s32 @!p0 $0x88, s6;
	s7 =	simm.s32 @p2 $0x1082  }
0x22: {  	[simem:s7], [sflag:s8] =	dma.local @!p0 [hbm:s6], $0xF7A  }
0x23: {  	s9 =	sor.u32 $0xD0000000, s2;
	s6 =	simm.s32 $0x108;
	_ =	swait.ge @!p0 [sflag:s8], $0x0  }
0x24: {  	s3 =	sadd.s32 $0x88, s3;
	s6 =	simm.s32 @!p1 $0x1082;
	[sflag:s4] =	ssyncset.s32 $0xFFFFF086  }
0x25: {  	[simem:s6], [sflag:s4] =	dma.local [hbm:s3], $0xF7A  }
0x26: {  	[smem:$0x3F9A] =	sst s1;
	(tag) =	ssettag s2;
	_ =	strace s9  }
0x27: {  	s1 =	sld [smem:$0x3FAA]  }
0x28: {  	s2 =	sld [smem:$0x3FAB]  }
0x29: {  	s4 =	sld [smem:$0x3FAD]  }
0x2a: {  	p0 =	seq.s32 s5, $0x0;
	s5 =	sld [smem:$0x3FAE]  }
0x2b: {  	s6 =	sld [smem:$0x3FAF]  }
0x2c: {  	s7 =	sld [smem:$0x3FB0]  }
0x2d: {  	s3 =	simm.s32 $0x108;
	s8 =	sld [smem:$0x3FB1]  }
0x2e: {  	s3 =	simm.s32 @!p0 $0x1082;
	s9 =	sld [smem:$0x3FB2]  }
0x2f: {  	lr =	sadd.s32 s0, s3;
	s0 =	sld [smem:$0x3FA9]  }
0x30: {  	s3 =	sld [smem:$0x3FAC]  }
0x31: {  	[smem:$0x3FB5] =	sst s10  }
0x32: {  	s10 =	sld [smem:$0x3FB3];
	_ =	sdelay $0x3  }
0x33: {  	p0 =	seq.s32 s10, $0x1;
	s10 =	sld [smem:$0x3FB5];
	_ =	sdelay $0x3  }
0x34: {  	[smem:$0x3FB5] =	sst s10  }
0x35: {  	s10 =	sld [smem:$0x3FB4];
	_ =	sdelay $0x3  }
0x36: {  	p1 =	seq.s32 s10, $0x1;
	s10 =	sld [smem:$0x3FB5];
	_ =	sdelay $0x3  }
0x37: {  	[smem:$0x3FB5] =	sst s10  }
0x38: {  	s10 =	sld [smem:$0x3FB6]  }
0x39: {  	_ = 	snop;
	(pc) =	sbr.ind lr, $3  }
0x3a: {  	_ = 	snop  }
0x3b: {  	_ = 	snop  }
0x3c: {  	p2 =	seq.s32 s10, $0x1;
	s10 =	sld [smem:$0x3FB5]  }
0x3d: {  	_ =	shalt  }
0x3e: {  	_ =	shalt  }
0x3f: {  	_ =	shalt  }
0x40: {  	_ =	shalt  }
0x41: {  	_ =	shalt  }
0x42: {  	_ =	shalt  }
0x43: {  	_ =	shalt  }
0x44: {  	_ =	shalt  }
0x45: {  	_ =	shalt  }
0x46: {  	_ =	shalt  }
0x47: {  	_ =	shalt  }
0x48: {  	_ =	shalt  }
0x49: {  	_ =	shalt  }
0x4a: {  	_ =	shalt  }
0x4b: {  	_ =	shalt  }
0x4c: {  	_ =	shalt  }
0x4d: {  	_ =	shalt  }
0x4e: {  	_ =	shalt  }
0x4f: {  	_ =	shalt  }
0x50: {  	_ =	shalt  }
0x51: {  	_ =	shalt  }
0x52: {  	_ =	shalt  }
0x53: {  	_ =	shalt  }
0x54: {  	_ =	shalt  }
0x55: {  	_ =	shalt  }
0x56: {  	_ =	shalt  }
0x57: {  	_ =	shalt  }
0x58: {  	_ =	shalt  }
0x59: {  	_ =	shalt  }
0x5a: {  	_ =	shalt  }
0x5b: {  	_ =	shalt  }
0x5c: {  	_ =	shalt  }
0x5d: {  	_ =	shalt  }
0x5e: {  	_ =	shalt  }
0x5f: {  	_ =	shalt  }
0x60: {  	_ =	shalt  }
0x61: {  	_ =	shalt  }
0x62: {  	_ =	shalt  }
0x63: {  	_ =	shalt  }
0x64: {  	_ =	shalt  }
0x65: {  	_ =	shalt  }
0x66: {  	_ =	shalt  }
0x67: {  	_ =	shalt  }
0x68: {  	_ =	shalt  }
0x69: {  	_ =	shalt  }
0x6a: {  	_ =	shalt  }
0x6b: {  	_ =	shalt  }
0x6c: {  	_ =	shalt  }
0x6d: {  	_ =	shalt  }
0x6e: {  	_ =	shalt  }
0x6f: {  	_ =	shalt  }
0x70: {  	_ =	shalt  }
0x71: {  	_ =	shalt  }
0x72: {  	_ =	shalt  }
0x73: {  	_ =	shalt  }
0x74: {  	_ =	shalt  }
0x75: {  	_ =	shalt  }
0x76: {  	_ =	shalt  }
0x77: {  	_ =	shalt  }
0x78: {  	_ =	shalt  }
0x79: {  	_ =	shalt  }
0x7a: {  	_ =	shalt  }
0x7b: {  	_ =	shalt  }
0x7c: {  	_ =	shalt  }
0x7d: {  	_ =	shalt  }
0x7e: {  	_ =	shalt  }
0x7f: {  	_ =	shalt  }
0x80: {  	_ =	shalt  }
0x81: {  	_ =	shalt  }
0x82: {  	_ =	shalt  }
0x83: {  	_ =	shalt  }
0x84: {  	_ =	shalt  }
0x85: {  	_ =	shalt  }
0x86: {  	_ =	shalt  }
0x87: {  	_ =	shalt  }
.Lfunc_end0:
.L_simem_size_0:
called_computation_lowered:
.L_overlay_start_0:
0x88: {  	s2 =	sld [smem:$0x3FD9]  }
0x89: {  	s3 =	sld [smem:$0x3FFE];
	_ =	sdelay $0x1  }
0x8a: {  	s1 =	srdreg.scid  }
0x8b: {  	s0 =	sand.u32 $0x1, s1  }
0x8c: {  	s14 =	sshll.u32 s0, $0xA;
	s2 =	sadd.s32 s3, s2  }
0x8d: {  	s2 =	sadd.s32 s2, s14  }
0x8e: {  	[smem:$0x3FC1] =	sst s2  }
0x8f: {  	_ = 	snop  }
0x90: {  	s2 =	sld [smem:$0x3FD0];
	_ =	sdelay $0x2  }
0x91: {  	s4 =	simm.s32 $0xB;
	s5 =	simm.s32 $0x10;
	s15 =	sld [smem:$0x3FC7]  }
0x92: {  	[smem:s5], [sflag:s4] =	dma.local [hbm:s2], $0x1  }
0x93: {  	_ =	swait.eq [sflag:s4], $0x1  }
0x94: {  	[sflag:s4] =	ssyncset.done $0x0  }
0x95: {  	[sflag:s4] =	ssyncadd.s32 $0xFFFFFFFF  }
0x96: {  	s16 =	sld [smem:$0x10];
	(tm) =	ssettm $0x1  }
0x97: {  	s17 =	sld [smem:$0x3FFB];
	_ =	sdelay $0x3  }
0x98: {  	_ =	strace s17  }
0x99: {  	s4 =	sld [smem:$0x3FFC];
	_ =	sdelay $0x3  }
0x9a: {  	_ =	strace s4  }
0x9b: {  	s4 =	sld [smem:$0x3FFD];
	_ =	sdelay $0x3  }
0x9c: {  	_ =	strace s4  }
0x9d: {  	_ =	strace $0x8FFFFFFF  }
0x9e: {  	s18 =	sld [smem:$0x3FDB];
	_ =	sdelay $0x1  }
0x9f: {  	s19 =	simm.s32 $_scs_section_size  }
0xa0: {  	s6 =	simm.s32 $_size__tile_overlayer_lowered;
	s7 =	simm.s32 $_tile_overlayer_lowered  }
0xa1: {  	s22 =	simm.s32 $0x1BFF;
	s21 =	sshll.u32 s7, $0x1;
	s4 =	sadd.s32 s19, s18  }
0xa2: {  	s8 =	simm.s32 $0x0;
	s20 =	sshll.u32 s6, $0x1;
	s6 =	sadd.s32 s21, s4  }
0xa3: {  	[timem:s8], [sflag:s22] =	dma.local [hbm:s6], s20  }
0xa4: {  	_ =	swait.ge [sflag:s22], s20  }
0xa5: {  	s5 =	ssub.s32 $0x0, s20;
	[sflag:s22] =	ssyncset.done $0x0  }
0xa6: {  	[sflag:s22] =	ssyncadd.s32 s5;
	_ =	sdelay $0x1  }
0xa7: {  	s23 =	simm.s32 $0x1B8B  }
0xa8: {  	_ =	swait.ge [sflag:s23], $0x1  }
0xa9: {  	[sflag:s23] =	ssyncset.done $0x0  }
0xaa: {  	s25 =	simm.s32 $0x1B8E;
	s24 =	sld [smem:$0x3FFE];
	[sflag:s23] =	ssyncadd.s32 $0xFFFFFFFF  }
0xab: {  	s26 =	simm.s32 $execute0_lowered;
	[smem:$0x3FD2] =	sst s25  }
0xac: {  	s6 =	sshll.u32 s26, $0x1;
	_ =	strace $0x80000046;
	[dreg:$0x1] =	wrdreg $0xFFFFFFFF  }
0xad: {  	s28 =	simm.s32 $_size_execute0_lowered;
	s4 =	sadd.s32 s4, s6;
	[dreg:$0x0] =	wrdreg $0x0  }
0xae: {  	s6 =	sshll.u32 s28, $0x1;
	[dreg:$0x2] =	wrdreg s4  }
0xaf: {  	[dreg:$0x3] =	wrdreg s6  }
0xb0: {  	[dreg:$0x4] =	wrdreg $0xC0  }
0xb1: {  	_ =	task [dreg:s8], $0x5FFFF  }
0xb2: {  	[dreg:$0x1] =	wrdreg $0xFFFFFFFF  }
0xb3: {  	[dreg:$0x0] =	wrdreg $0x60  }
0xb4: {  	[dreg:$0x2] =	wrdreg s16  }
0xb5: {  	[dreg:$0x3] =	wrdreg s15  }
0xb6: {  	[dreg:$0x4] =	wrdreg s24  }
0xb7: {  	[dreg:$0x5] =	wrdreg $0x9  }
0xb8: {  	_ =	task.clear_ibuf [dreg:s8], $0x6FFFF;
	_ =	strace $0x90000046  }
0xb9: {  	s29 =	simm.s32 $0x9;
	_ =	strace $0x80000048  }
0xba: {  	_ =	swait.ge [sflag:s29], $0x1  }
0xbb: {  	[sflag:s29] =	ssyncadd.s32 $0xFFFFFFFF  }
0xbc: {  	_ =	strace $0x90000048  }
0xbd: {  	_ =	sfence  }
0xbe: {  	s30 =	sld [smem:$0x0];
	_ =	sdelay $0x2  }
0xbf: {  	s31 =	sshll.u32 s1, $0xD;
	s1 =	sshrl.u32 s1, $0x2  }
0xc0: {  	s3 =	sand.u32 $0x4000, s31;
	s1 =	sadd.s32 s1, s30  }
0xc1: {  	s0 =	sor.u32 s3, s0;
	s1 =	sshll.u32 s1, $0x11  }
0xc2: {  	s0 =	sor.u32 s1, s0  }
0xc3: {  	s0 =	sadd.s32 $0x8F2B, s0  }
0xc4: {  	[sflag:s0] =	ssyncadd.remote.s32 $0x1  }
0xc5: {  	_ =	sfence.sel $0xFFFF  }
0xc6: {  	[dreg:$0x0] =	wrdreg $0xFFFFFFFF;
	(pc) =	sbr.abs _section_cstart, $3  }
0xc7: {  	[dreg:$0x1] =	wrdreg $0xFFFFFFFF  }
0xc8: {  	_ =	task.clear_ibuf [dreg:s8], $0x2FFFF;
	_ =	strace $0x9FFFFFFF  }
0xc9: {  	(tm) =	ssettm $0x7FFFFFFF  }
tec
execute0_lowered:
.L_overlay_start_1:
0x0: {  	(tag) =	ssettag $0x1  }
0x1: {  	s0 =	rddreg [dreg:$0x0]  }
0x2: {  	s1 =	rddreg [dreg:$0x1]  }
0x3: {  	s2 =	rddreg [dreg:$0x2];
	s4 =	srdreg.scid;
	s3 =	simm.s32 $0x0  }
0x4: {  	s5 =	stileid.u32;
	s4 =	sand.u32 $0x1, s4;
	[smem:$0x7FF] =	sst s3  }
0x5: {  	s5 =	sshll.u32 s5, $0x7;
	s2 =	sadd.s32 $0xE00, s2;
	s6 =	sshll.u32 s4, $0x6  }
0x6: {  	_ =	strace $0x80000047;
	s4 =	ssub.s32 $0x2, s4;
	s5 =	sor.u32 s6, s5  }
0x7: {  	s9 =	sshrl.u32 s4, $0x1;
	s6 =	sadd.s32 s0, s5;
	s7 =	sor.u32 $0x8, s5  }
0x8: {  	s8 =	smul.u32 $0x300, s5;
	s12 =	sor.u32 $0x10, s5;
	s15 =	sor.u32 $0x18, s5  }
0x9: {  	s18 =	sor.u32 $0x20, s5;
	s21 =	sor.u32 $0x28, s5;
	s24 =	sor.u32 $0x30, s5  }
0xa: {  	s5 =	sor.u32 $0x38, s5;
	[dreg:$0x4] =	wrdreg s6;
	s10 =	sadd.s32 s0, s7  }
0xb: {  	s29 =	ssub.s32 s4, s9;
	s13 =	sadd.s32 s0, s12;
	[dreg:$0x5] =	wrdreg s10  }
0xc: {  	s4 =	sadd.s32 $0x100, s1;
	s16 =	sadd.s32 s0, s15;
	[dreg:$0x7] =	wrdreg s13  }
0xd: {  	s7 =	smul.u32 $0x300, s7;
	s19 =	sadd.s32 s0, s18;
	[dreg:$0x9] =	wrdreg s16  }
0xe: {  	s22 =	sadd.s32 s0, s21;
	s25 =	sadd.s32 s0, s24;
	[dreg:$0xb] =	wrdreg s19  }
0xf: {  	s28 =	smul.u32 $0x300, s24;
	s0 =	sadd.s32 s0, s5;
	[dreg:$0xd] =	wrdreg s22  }
0x10: {  	s5 =	smul.u32 $0x300, s5;
	s6 =	smax.u32 s29, $0x1;
	[dreg:$0xf] =	wrdreg s25  }
0x11: {  	s11 =	sadd.s32 s2, s8;
	s8 =	smul.u32 $0x300, s12;
	[dreg:$0x11] =	wrdreg s0  }
0x12: {  	s10 =	simm.s32 $0x1;
	[dreg:$0x6] =	wrdreg s11;
	s14 =	sadd.s32 s2, s7  }
0x13: {  	s12 =	simm.s32 $0x2;
	s30 =	sadd.s32 s2, s28;
	[dreg:$0x8] =	wrdreg s14  }
0x14: {  	s7 =	smul.u32 $0x300, s15;
	s31 =	sadd.s32 s2, s5;
	[dreg:$0x12] =	wrdreg s30  }
0x15: {  	s17 =	sadd.s32 s2, s8;
	s8 =	smul.u32 $0x300, s18;
	[dreg:$0x13] =	wrdreg s31  }
0x16: {  	[dreg:$0xa] =	wrdreg s17;
	s20 =	sadd.s32 s2, s7;
	s7 =	smul.u32 $0x300, s21  }
0x17: {  	v2 =	vlaneseq.u32;
	s13 =	simm.s32 $0x4;
	[dreg:$0xc] =	wrdreg s20;
	s23 =	sadd.s32 s2, s8  }
0x18: {  	vm0 =	vmmov $0xffff;
	v1 =	vshrl.u32 v2, $0x3;
	s5 =	sadd.s32 $0x200, s1;
	[dreg:$0xe] =	wrdreg s23;
	s26 =	sadd.s32 s2, s7  }
0x19: {  	v0 =	vand.u32 $0x7, v2;
	v2 =	vor.u32 $0x8, v2;
	v1 =	vmul.u32 $0x8, v1;
	s11 =	simm.s32 $0x3;
	s7 =	simm.s32 $0x5;
	[dreg:$0x10] =	wrdreg s26  }
.LBB2_1:
0x1a: {  	s14 =	rddreg [dreg:$0x4]  }
0x1b: {  	[tilespmem:s3], [sflag:$0x5] =	stream.linear.gather [hbm4b:s14+s3], $0x40, $0x38;
	[tilespmem:$0x18100] =	vst v63  }
0x1c: {  	_ =	swait.ge [sflag:s7], $0x40  }
0x1d: {  	[sflag:s7] =	ssyncset.done $0x0  }
0x1e: {  	[sflag:s7] =	ssyncadd.s32 $0xFFFFFFC0  }
0x1f: {  	v3 =	vld [tilespmem:$0x0];
	_ =	sdelay $0x4  }
0x20: {  	v4 =	vshrl.u32 v3, $0x3  }
0x21: {  	v4 =	vmul.u32 $0x30, v4  }
0x22: {  	v3 =	vand.u32 $0x7, v3  }
0x23: {  	v3 =	vor.u32 v3, v4  }
0x24: {  	v4 =	vperm.xlane v3, v0;
	_ =	sdelay $0x1  }
0x25: {  	v4 =	vadd.s32 v1, v4;
	_ =	sdelay $0x3  }
0x26: {  	s0 =	simm.s32 $0x100;
	v3 =	vperm.xlane v3, v2  }
0x27: {  	[tilespmem:s0], [sflag:$0x1] =	stream.indirect_vreg.gather [hbm4b:s1+s3], $0x80, v4, vm0, $0xb8;
	[tilespmem:$0x18100] =	vst v63  }
0x28: {  	s29 =	simm.s32 $0x900;
	v3 =	vadd.s32 v1, v3  }
0x29: {  	[tilespmem:s29], [sflag:$0x1] =	stream.indirect_vreg.gather [hbm4b:s4+s3], $0x80, v4, vm0, $0xb8;
	[tilespmem:$0x18100] =	vst v63  }
0x2a: {  	s30 =	simm.s32 $0x1100  }
0x2b: {  	[tilespmem:s30], [sflag:$0x1] =	stream.indirect_vreg.gather [hbm4b:s5+s3], $0x80, v4, vm0, $0xb8;
	[tilespmem:$0x18100] =	vst v63  }
0x2c: {  	s31 =	simm.s32 $0x1900  }
0x2d: {  	[tilespmem:s31], [sflag:$0x1] =	stream.indirect_vreg.gather [hbm4b:s1+s3], $0x80, v3, vm0, $0xb8;
	[tilespmem:$0x18100] =	vst v63  }
0x2e: {  	s2 =	simm.s32 $0x2100  }
0x2f: {  	[tilespmem:s2], [sflag:$0x1] =	stream.indirect_vreg.gather [hbm4b:s4+s3], $0x80, v3, vm0, $0xb8;
	[tilespmem:$0x18100] =	vst v63  }
0x30: {  	s8 =	simm.s32 $0x2900  }
0x31: {  	[tilespmem:s8], [sflag:$0x1] =	stream.indirect_vreg.gather [hbm4b:s5+s3], $0x80, v3, vm0, $0xb8;
	[tilespmem:$0x18100] =	vst v63  }
0x32: {  	v3 =	vld [tilespmem:$0x10];
	_ =	sdelay $0x4  }
0x33: {  	v33 =	vshrl.u32 v3, $0x3  }
0x34: {  	v4 =	vmul.u32 $0x30, v33  }
0x35: {  	v3 =	vand.u32 $0x7, v3  }
0x36: {  	v3 =	vor.u32 v3, v4  }
0x37: {  	v4 =	vperm.xlane v3, v0;
	_ =	sdelay $0x1  }
0x38: {  	v4 =	vadd.s32 v1, v4;
	_ =	sdelay $0x3  }
0x39: {  	s9 =	simm.s32 $0x3100;
	v3 =	vperm.xlane v3, v2  }
0x3a: {  	[tilespmem:s9], [sflag:$0x1] =	stream.indirect_vreg.gather [hbm4b:s1+s3], $0x80, v4, vm0, $0xb8;
	[tilespmem:$0x18100] =	vst v63  }
0x3b: {  	s14 =	simm.s32 $0x3900;
	v3 =	vadd.s32 v1, v3  }
0x3c: {  	[tilespmem:s14], [sflag:$0x1] =	stream.indirect_vreg.gather [hbm4b:s4+s3], $0x80, v4, vm0, $0xb8;
	[tilespmem:$0x18100] =	vst v63  }
0x3d: {  	s17 =	simm.s32 $0x4100  }
0x3e: {  	[tilespmem:s17], [sflag:$0x1] =	stream.indirect_vreg.gather [hbm4b:s5+s3], $0x80, v4, vm0, $0xb8;
	[tilespmem:$0x18100] =	vst v63  }
0x3f: {  	s18 =	simm.s32 $0x4900  }
0x40: {  	[tilespmem:s18], [sflag:$0x1] =	stream.indirect_vreg.gather [hbm4b:s1+s3], $0x80, v3, vm0, $0xb8;
	[tilespmem:$0x18100] =	vst v63  }
0x41: {  	s19 =	simm.s32 $0x5100  }
0x42: {  	[tilespmem:s19], [sflag:$0x1] =	stream.indirect_vreg.gather [hbm4b:s4+s3], $0x80, v3, vm0, $0xb8;
	[tilespmem:$0x18100] =	vst v63  }
0x43: {  	s20 =	simm.s32 $0x5900  }
0x44: {  	[tilespmem:s20], [sflag:$0x1] =	stream.indirect_vreg.gather [hbm4b:s5+s3], $0x80, v3, vm0, $0xb8;
	[tilespmem:$0x18100] =	vst v63  }
0x45: {  	v3 =	vld [tilespmem:$0x20];
	_ =	sdelay $0x4  }
0x46: {  	v34 =	vshrl.u32 v3, $0x3  }
0x47: {  	v4 =	vmul.u32 $0x30, v34  }
0x48: {  	v3 =	vand.u32 $0x7, v3  }
0x49: {  	v3 =	vor.u32 v3, v4  }
0x4a: {  	v4 =	vperm.xlane v3, v0;
	_ =	sdelay $0x1  }
0x4b: {  	v4 =	vadd.s32 v1, v4;
	_ =	sdelay $0x3  }
0x4c: {  	s21 =	simm.s32 $0x6100;
	v3 =	vperm.xlane v3, v2  }
0x4d: {  	[tilespmem:s21], [sflag:$0x1] =	stream.indirect_vreg.gather [hbm4b:s1+s3], $0x80, v4, vm0, $0xb8;
	[tilespmem:$0x18100] =	vst v63  }
0x4e: {  	s22 =	simm.s32 $0x6900;
	v3 =	vadd.s32 v1, v3  }
0x4f: {  	[tilespmem:s22], [sflag:$0x1] =	stream.indirect_vreg.gather [hbm4b:s4+s3], $0x80, v4, vm0, $0xb8;
	[tilespmem:$0x18100] =	vst v63  }
0x50: {  	s23 =	simm.s32 $0x7100  }
0x51: {  	[tilespmem:s23], [sflag:$0x1] =	stream.indirect_vreg.gather [hbm4b:s5+s3], $0x80, v4, vm0, $0xb8;
	[tilespmem:$0x18100] =	vst v63  }
0x52: {  	s24 =	simm.s32 $0x7900  }
0x53: {  	[tilespmem:s24], [sflag:$0x1] =	stream.indirect_vreg.gather [hbm4b:s1+s3], $0x80, v3, vm0, $0xb8;
	[tilespmem:$0x18100] =	vst v63  }
0x54: {  	s25 =	simm.s32 $0x8100  }
0x55: {  	[tilespmem:s25], [sflag:$0x1] =	stream.indirect_vreg.gather [hbm4b:s4+s3], $0x80, v3, vm0, $0xb8;
	[tilespmem:$0x18100] =	vst v63  }
0x56: {  	s26 =	simm.s32 $0x8900  }
0x57: {  	[tilespmem:s26], [sflag:$0x1] =	stream.indirect_vreg.gather [hbm4b:s5+s3], $0x80, v3, vm0, $0xb8;
	[tilespmem:$0x18100] =	vst v63  }
0x58: {  	v3 =	vld [tilespmem:$0x30];
	_ =	sdelay $0x4  }
0x59: {  	v35 =	vshrl.u32 v3, $0x3  }
0x5a: {  	v4 =	vmul.u32 $0x30, v35  }
0x5b: {  	v3 =	vand.u32 $0x7, v3  }
0x5c: {  	v3 =	vor.u32 v3, v4  }
0x5d: {  	v4 =	vperm.xlane v3, v0;
	_ =	sdelay $0x1  }
0x5e: {  	v4 =	vadd.s32 v1, v4;
	_ =	sdelay $0x3  }
0x5f: {  	s28 =	simm.s32 $0x9100;
	v3 =	vperm.xlane v3, v2  }
0x60: {  	[tilespmem:s28], [sflag:$0x1] =	stream.indirect_vreg.gather [hbm4b:s1+s3], $0x80, v4, vm0, $0xb8;
	[tilespmem:$0x18100] =	vst v63  }
0x61: {  	s29 =	simm.s32 $0x9900;
	v3 =	vadd.s32 v1, v3  }
0x62: {  	[tilespmem:s29], [sflag:$0x1] =	stream.indirect_vreg.gather [hbm4b:s4+s3], $0x80, v4, vm0, $0xb8;
	[tilespmem:$0x18100] =	vst v63  }
0x63: {  	s30 =	simm.s32 $0xA100  }
0x64: {  	[tilespmem:s30], [sflag:$0x1] =	stream.indirect_vreg.gather [hbm4b:s5+s3], $0x80, v4, vm0, $0xb8;
	[tilespmem:$0x18100] =	vst v63  }
0x65: {  	s31 =	simm.s32 $0xA900  }
0x66: {  	[tilespmem:s31], [sflag:$0x1] =	stream.indirect_vreg.gather [hbm4b:s1+s3], $0x80, v3, vm0, $0xb8;
	[tilespmem:$0x18100] =	vst v63  }
0x67: {  	s2 =	simm.s32 $0xB100  }
0x68: {  	[tilespmem:s2], [sflag:$0x1] =	stream.indirect_vreg.gather [hbm4b:s4+s3], $0x80, v3, vm0, $0xb8;
	[tilespmem:$0x18100] =	vst v63  }
0x69: {  	s9 =	simm.s32 $0xB900  }
0x6a: {  	[tilespmem:s9], [sflag:$0x1] =	stream.indirect_vreg.gather [hbm4b:s5+s3], $0x80, v3, vm0, $0xb8;
	[tilespmem:$0x18100] =	vst v63  }
0x6b: {  	s8 =	rddreg [dreg:$0x5];
	s2 =	simm.s32 $0x80  }
0x6c: {  	[tilespmem:s2], [sflag:$0x5] =	stream.linear.gather [hbm4b:s8+s3], $0x40, $0x38;
	[tilespmem:$0x18100] =	vst v63  }
0x6d: {  	_ =	swait.ge [sflag:s7], $0x40  }
0x6e: {  	[sflag:s7] =	ssyncset.done $0x0  }
0x6f: {  	[sflag:s7] =	ssyncadd.s32 $0xFFFFFFC0  }
0x70: {  	v3 =	vld [tilespmem:$0x80];
	_ =	sdelay $0x4  }
0x71: {  	v36 =	vshrl.u32 v3, $0x3  }
0x72: {  	v4 =	vmul.u32 $0x30, v36  }
0x73: {  	v3 =	vand.u32 $0x7, v3  }
0x74: {  	v3 =	vor.u32 v3, v4  }
0x75: {  	v4 =	vperm.xlane v3, v0;
	_ =	sdelay $0x1  }
0x76: {  	v4 =	vadd.s32 v1, v4;
	_ =	sdelay $0x3  }
0x77: {  	s19 =	simm.s32 $0xC100;
	v3 =	vperm.xlane v3, v2  }
0x78: {  	[tilespmem:s19], [sflag:$0x2] =	stream.indirect_vreg.gather [hbm4b:s1+s3], $0x80, v4, vm0, $0xb8;
	[tilespmem:$0x18100] =	vst v63  }
0x79: {  	s20 =	simm.s32 $0xC900;
	v3 =	vadd.s32 v1, v3  }
0x7a: {  	[tilespmem:s20], [sflag:$0x2] =	stream.indirect_vreg.gather [hbm4b:s4+s3], $0x80, v4, vm0, $0xb8;
	[tilespmem:$0x18100] =	vst v63  }
0x7b: {  	s21 =	simm.s32 $0xD100  }
0x7c: {  	[tilespmem:s21], [sflag:$0x2] =	stream.indirect_vreg.gather [hbm4b:s5+s3], $0x80, v4, vm0, $0xb8;
	[tilespmem:$0x18100] =	vst v63  }
0x7d: {  	s22 =	simm.s32 $0xD900  }
0x7e: {  	[tilespmem:s22], [sflag:$0x2] =	stream.indirect_vreg.gather [hbm4b:s1+s3], $0x80, v3, vm0, $0xb8;
	[tilespmem:$0x18100] =	vst v63  }
0x7f: {  	s23 =	simm.s32 $0xE100  }
0x80: {  	[tilespmem:s23], [sflag:$0x2] =	stream.indirect_vreg.gather [hbm4b:s4+s3], $0x80, v3, vm0, $0xb8;
	[tilespmem:$0x18100] =	vst v63  }
0x81: {  	s24 =	simm.s32 $0xE900  }
0x82: {  	[tilespmem:s24], [sflag:$0x2] =	stream.indirect_vreg.gather [hbm4b:s5+s3], $0x80, v3, vm0, $0xb8;
	[tilespmem:$0x18100] =	vst v63  }
0x83: {  	v3 =	vld [tilespmem:$0x90];
	_ =	sdelay $0x4  }
0x84: {  	v37 =	vshrl.u32 v3, $0x3  }
0x85: {  	v4 =	vmul.u32 $0x30, v37  }
0x86: {  	v3 =	vand.u32 $0x7, v3  }
0x87: {  	v3 =	vor.u32 v3, v4  }
0x88: {  	v4 =	vperm.xlane v3, v0;
	_ =	sdelay $0x1  }
0x89: {  	v4 =	vadd.s32 v1, v4;
	_ =	sdelay $0x3  }
0x8a: {  	s25 =	simm.s32 $0xF100;
	v3 =	vperm.xlane v3, v2  }
0x8b: {  	[tilespmem:s25], [sflag:$0x2] =	stream.indirect_vreg.gather [hbm4b:s1+s3], $0x80, v4, vm0, $0xb8;
	[tilespmem:$0x18100] =	vst v63  }
0x8c: {  	s26 =	simm.s32 $0xF900;
	v3 =	vadd.s32 v1, v3  }
0x8d: {  	[tilespmem:s26], [sflag:$0x2] =	stream.indirect_vreg.gather [hbm4b:s4+s3], $0x80, v4, vm0, $0xb8;
	[tilespmem:$0x18100] =	vst v63  }
0x8e: {  	s28 =	simm.s32 $0x10100  }
0x8f: {  	[tilespmem:s28], [sflag:$0x2] =	stream.indirect_vreg.gather [hbm4b:s5+s3], $0x80, v4, vm0, $0xb8;
	[tilespmem:$0x18100] =	vst v63  }
0x90: {  	s29 =	simm.s32 $0x10900  }
0x91: {  	[tilespmem:s29], [sflag:$0x2] =	stream.indirect_vreg.gather [hbm4b:s1+s3], $0x80, v3, vm0, $0xb8;
	[tilespmem:$0x18100] =	vst v63  }
0x92: {  	s30 =	simm.s32 $0x11100  }
0x93: {  	[tilespmem:s30], [sflag:$0x2] =	stream.indirect_vreg.gather [hbm4b:s4+s3], $0x80, v3, vm0, $0xb8;
	[tilespmem:$0x18100] =	vst v63  }
0x94: {  	s31 =	simm.s32 $0x11900  }
0x95: {  	[tilespmem:s31], [sflag:$0x2] =	stream.indirect_vreg.gather [hbm4b:s5+s3], $0x80, v3, vm0, $0xb8;
	[tilespmem:$0x18100] =	vst v63  }
0x96: {  	v3 =	vld [tilespmem:$0xA0];
	_ =	sdelay $0x4  }
0x97: {  	v38 =	vshrl.u32 v3, $0x3  }
0x98: {  	v4 =	vmul.u32 $0x30, v38  }
0x99: {  	v3 =	vand.u32 $0x7, v3  }
0x9a: {  	v3 =	vor.u32 v3, v4  }
0x9b: {  	v4 =	vperm.xlane v3, v0;
	_ =	sdelay $0x1  }
0x9c: {  	v4 =	vadd.s32 v1, v4;
	_ =	sdelay $0x3  }
0x9d: {  	s0 =	simm.s32 $0x12100;
	v3 =	vperm.xlane v3, v2  }
0x9e: {  	[tilespmem:s0], [sflag:$0x2] =	stream.indirect_vreg.gather [hbm4b:s1+s3], $0x80, v4, vm0, $0xb8;
	[tilespmem:$0x18100] =	vst v63  }
0x9f: {  	s2 =	simm.s32 $0x12900;
	v3 =	vadd.s32 v1, v3  }
0xa0: {  	[tilespmem:s2], [sflag:$0x2] =	stream.indirect_vreg.gather [hbm4b:s4+s3], $0x80, v4, vm0, $0xb8;
	[tilespmem:$0x18100] =	vst v63  }
0xa1: {  	s8 =	simm.s32 $0x13100  }
0xa2: {  	[tilespmem:s8], [sflag:$0x2] =	stream.indirect_vreg.gather [hbm4b:s5+s3], $0x80, v4, vm0, $0xb8;
	[tilespmem:$0x18100] =	vst v63  }
0xa3: {  	s9 =	simm.s32 $0x13900  }
0xa4: {  	[tilespmem:s9], [sflag:$0x2] =	stream.indirect_vreg.gather [hbm4b:s1+s3], $0x80, v3, vm0, $0xb8;
	[tilespmem:$0x18100] =	vst v63  }
0xa5: {  	s19 =	simm.s32 $0x14100  }
0xa6: {  	[tilespmem:s19], [sflag:$0x2] =	stream.indirect_vreg.gather [hbm4b:s4+s3], $0x80, v3, vm0, $0xb8;
	[tilespmem:$0x18100] =	vst v63  }
0xa7: {  	s20 =	simm.s32 $0x14900  }
0xa8: {  	[tilespmem:s20], [sflag:$0x2] =	stream.indirect_vreg.gather [hbm4b:s5+s3], $0x80, v3, vm0, $0xb8;
	[tilespmem:$0x18100] =	vst v63  }
0xa9: {  	v3 =	vld [tilespmem:$0xB0];
	_ =	sdelay $0x4  }
0xaa: {  	v39 =	vshrl.u32 v3, $0x3  }
0xab: {  	v4 =	vmul.u32 $0x30, v39  }
0xac: {  	v3 =	vand.u32 $0x7, v3  }
0xad: {  	v3 =	vor.u32 v3, v4  }
0xae: {  	v4 =	vperm.xlane v3, v0;
	_ =	sdelay $0x1  }
0xaf: {  	v4 =	vadd.s32 v1, v4;
	_ =	sdelay $0x3  }
0xb0: {  	s21 =	simm.s32 $0x15100;
	v3 =	vperm.xlane v3, v2  }
0xb1: {  	[tilespmem:s21], [sflag:$0x2] =	stream.indirect_vreg.gather [hbm4b:s1+s3], $0x80, v4, vm0, $0xb8;
	[tilespmem:$0x18100] =	vst v63  }
0xb2: {  	s22 =	simm.s32 $0x15900;
	v3 =	vadd.s32 v1, v3  }
0xb3: {  	[tilespmem:s22], [sflag:$0x2] =	stream.indirect_vreg.gather [hbm4b:s4+s3], $0x80, v4, vm0, $0xb8;
	[tilespmem:$0x18100] =	vst v63  }
0xb4: {  	s23 =	simm.s32 $0x16100  }
0xb5: {  	[tilespmem:s23], [sflag:$0x2] =	stream.indirect_vreg.gather [hbm4b:s5+s3], $0x80, v4, vm0, $0xb8;
	[tilespmem:$0x18100] =	vst v63  }
0xb6: {  	s24 =	simm.s32 $0x16900  }
0xb7: {  	[tilespmem:s24], [sflag:$0x2] =	stream.indirect_vreg.gather [hbm4b:s1+s3], $0x80, v3, vm0, $0xb8;
	[tilespmem:$0x18100] =	vst v63  }
0xb8: {  	s25 =	simm.s32 $0x17100  }
0xb9: {  	[tilespmem:s25], [sflag:$0x2] =	stream.indirect_vreg.gather [hbm4b:s4+s3], $0x80, v3, vm0, $0xb8;
	[tilespmem:$0x18100] =	vst v63  }
0xba: {  	s26 =	simm.s32 $0x17900  }
0xbb: {  	[tilespmem:s26], [sflag:$0x2] =	stream.indirect_vreg.gather [hbm4b:s5+s3], $0x80, v3, vm0, $0xb8;
	[tilespmem:$0x18100] =	vst v63  }
0xbc: {  	_ =	swait.ge [sflag:s10], $0xC000  }
0xbd: {  	[sflag:s10] =	ssyncset.done $0x0  }
0xbe: {  	s29 =	simm.s32 $0x100;
	s28 =	rddreg [dreg:$0x6];
	[sflag:s10] =	ssyncadd.s32 $0xFFFF4000  }
0xbf: {  	[hbm4b:s28+s3] =	stream.linear.scatter [tilespmem:s29], [sflag:$0x3], $0xC000, $0x38;
	[tilespmem:$0x18100] =	vst v63  }
0xc0: {  	_ =	swait.ge [sflag:s11], $0xC000  }
0xc1: {  	[sflag:s11] =	ssyncset.done $0x0  }
0xc2: {  	s30 =	rddreg [dreg:$0x7];
	[sflag:s11] =	ssyncadd.s32 $0xFFFF4000  }
0xc3: {  	[tilespmem:s3], [sflag:$0x5] =	stream.linear.gather [hbm4b:s30+s3], $0x40, $0x38;
	[tilespmem:$0x18100] =	vst v63  }
0xc4: {  	_ =	swait.ge [sflag:s7], $0x40  }
0xc5: {  	[sflag:s7] =	ssyncset.done $0x0  }
0xc6: {  	[sflag:s7] =	ssyncadd.s32 $0xFFFFFFC0  }
0xc7: {  	v3 =	vld [tilespmem:$0x0];
	_ =	sdelay $0x4  }
0xc8: {  	v40 =	vshrl.u32 v3, $0x3  }
0xc9: {  	v4 =	vmul.u32 $0x30, v40  }
0xca: {  	v3 =	vand.u32 $0x7, v3  }
0xcb: {  	v3 =	vor.u32 v3, v4  }
0xcc: {  	v4 =	vperm.xlane v3, v0;
	_ =	sdelay $0x1  }
0xcd: {  	v4 =	vadd.s32 v1, v4;
	_ =	sdelay $0x3  }
0xce: {  	v3 =	vperm.xlane v3, v2  }
0xcf: {  	[tilespmem:s29], [sflag:$0x1] =	stream.indirect_vreg.gather [hbm4b:s1+s3], $0x80, v4, vm0, $0xb8;
	[tilespmem:$0x18100] =	vst v63  }
0xd0: {  	s31 =	simm.s32 $0x900;
	v3 =	vadd.s32 v1, v3  }
0xd1: {  	[tilespmem:s31], [sflag:$0x1] =	stream.indirect_vreg.gather [hbm4b:s4+s3], $0x80, v4, vm0, $0xb8;
	[tilespmem:$0x18100] =	vst v63  }
0xd2: {  	s8 =	simm.s32 $0x1100  }
0xd3: {  	[tilespmem:s8], [sflag:$0x1] =	stream.indirect_vreg.gather [hbm4b:s5+s3], $0x80, v4, vm0, $0xb8;
	[tilespmem:$0x18100] =	vst v63  }
0xd4: {  	s22 =	simm.s32 $0x1900  }
0xd5: {  	[tilespmem:s22], [sflag:$0x1] =	stream.indirect_vreg.gather [hbm4b:s1+s3], $0x80, v3, vm0, $0xb8;
	[tilespmem:$0x18100] =	vst v63  }
0xd6: {  	s23 =	simm.s32 $0x2100  }
0xd7: {  	[tilespmem:s23], [sflag:$0x1] =	stream.indirect_vreg.gather [hbm4b:s4+s3], $0x80, v3, vm0, $0xb8;
	[tilespmem:$0x18100] =	vst v63  }
0xd8: {  	s15 =	simm.s32 $0x2900  }
0xd9: {  	[tilespmem:s15], [sflag:$0x1] =	stream.indirect_vreg.gather [hbm4b:s5+s3], $0x80, v3, vm0, $0xb8;
	[tilespmem:$0x18100] =	vst v63  }
0xda: {  	v3 =	vld [tilespmem:$0x10];
	_ =	sdelay $0x4  }
0xdb: {  	v41 =	vshrl.u32 v3, $0x3  }
0xdc: {  	v4 =	vmul.u32 $0x30, v41  }
0xdd: {  	v3 =	vand.u32 $0x7, v3  }
0xde: {  	v3 =	vor.u32 v3, v4  }
0xdf: {  	v4 =	vperm.xlane v3, v0;
	_ =	sdelay $0x1  }
0xe0: {  	v4 =	vadd.s32 v1, v4;
	_ =	sdelay $0x3  }
0xe1: {  	s16 =	simm.s32 $0x3100;
	v3 =	vperm.xlane v3, v2  }
0xe2: {  	[tilespmem:s16], [sflag:$0x1] =	stream.indirect_vreg.gather [hbm4b:s1+s3], $0x80, v4, vm0, $0xb8;
	[tilespmem:$0x18100] =	vst v63  }
0xe3: {  	s24 =	simm.s32 $0x3900;
	v3 =	vadd.s32 v1, v3  }
0xe4: {  	[tilespmem:s24], [sflag:$0x1] =	stream.indirect_vreg.gather [hbm4b:s4+s3], $0x80, v4, vm0, $0xb8;
	[tilespmem:$0x18100] =	vst v63  }
0xe5: {  	s25 =	simm.s32 $0x4100  }
0xe6: {  	[tilespmem:s25], [sflag:$0x1] =	stream.indirect_vreg.gather [hbm4b:s5+s3], $0x80, v4, vm0, $0xb8;
	[tilespmem:$0x18100] =	vst v63  }
0xe7: {  	s26 =	simm.s32 $0x4900  }
0xe8: {  	[tilespmem:s26], [sflag:$0x1] =	stream.indirect_vreg.gather [hbm4b:s1+s3], $0x80, v3, vm0, $0xb8;
	[tilespmem:$0x18100] =	vst v63  }
0xe9: {  	s28 =	simm.s32 $0x5100  }
0xea: {  	[tilespmem:s28], [sflag:$0x1] =	stream.indirect_vreg.gather [hbm4b:s4+s3], $0x80, v3, vm0, $0xb8;
	[tilespmem:$0x18100] =	vst v63  }
0xeb: {  	s17 =	simm.s32 $0x5900  }
0xec: {  	[tilespmem:s17], [sflag:$0x1] =	stream.indirect_vreg.gather [hbm4b:s5+s3], $0x80, v3, vm0, $0xb8;
	[tilespmem:$0x18100] =	vst v63  }
0xed: {  	v3 =	vld [tilespmem:$0x20];
	_ =	sdelay $0x4  }
0xee: {  	v42 =	vshrl.u32 v3, $0x3  }
0xef: {  	v4 =	vmul.u32 $0x30, v42  }
0xf0: {  	v3 =	vand.u32 $0x7, v3  }
0xf1: {  	v3 =	vor.u32 v3, v4  }
0xf2: {  	v4 =	vperm.xlane v3, v0;
	_ =	sdelay $0x1  }
0xf3: {  	v4 =	vadd.s32 v1, v4;
	_ =	sdelay $0x3  }
0xf4: {  	s18 =	simm.s32 $0x6100;
	v3 =	vperm.xlane v3, v2  }
0xf5: {  	[tilespmem:s18], [sflag:$0x1] =	stream.indirect_vreg.gather [hbm4b:s1+s3], $0x80, v4, vm0, $0xb8;
	[tilespmem:$0x18100] =	vst v63  }
0xf6: {  	s29 =	simm.s32 $0x6900;
	v3 =	vadd.s32 v1, v3  }
0xf7: {  	[tilespmem:s29], [sflag:$0x1] =	stream.indirect_vreg.gather [hbm4b:s4+s3], $0x80, v4, vm0, $0xb8;
	[tilespmem:$0x18100] =	vst v63  }
0xf8: {  	s30 =	simm.s32 $0x7100  }
0xf9: {  	[tilespmem:s30], [sflag:$0x1] =	stream.indirect_vreg.gather [hbm4b:s5+s3], $0x80, v4, vm0, $0xb8;
	[tilespmem:$0x18100] =	vst v63  }
0xfa: {  	s31 =	simm.s32 $0x7900  }
0xfb: {  	[tilespmem:s31], [sflag:$0x1] =	stream.indirect_vreg.gather [hbm4b:s1+s3], $0x80, v3, vm0, $0xb8;
	[tilespmem:$0x18100] =	vst v63  }
0xfc: {  	s15 =	simm.s32 $0x8100  }
0xfd: {  	[tilespmem:s15], [sflag:$0x1] =	stream.indirect_vreg.gather [hbm4b:s4+s3], $0x80, v3, vm0, $0xb8;
	[tilespmem:$0x18100] =	vst v63  }
0xfe: {  	s19 =	simm.s32 $0x8900  }
0xff: {  	[tilespmem:s19], [sflag:$0x1] =	stream.indirect_vreg.gather [hbm4b:s5+s3], $0x80, v3, vm0, $0xb8;
	[tilespmem:$0x18100] =	vst v63  }
0x100: {  	v3 =	vld [tilespmem:$0x30];
	_ =	sdelay $0x4  }
0x101: {  	v43 =	vshrl.u32 v3, $0x3  }
0x102: {  	v4 =	vmul.u32 $0x30, v43  }
0x103: {  	v3 =	vand.u32 $0x7, v3  }
0x104: {  	v3 =	vor.u32 v3, v4  }
0x105: {  	v4 =	vperm.xlane v3, v0;
	_ =	sdelay $0x1  }
0x106: {  	v4 =	vadd.s32 v1, v4;
	_ =	sdelay $0x3  }
0x107: {  	s20 =	simm.s32 $0x9100;
	v3 =	vperm.xlane v3, v2  }
0x108: {  	[tilespmem:s20], [sflag:$0x1] =	stream.indirect_vreg.gather [hbm4b:s1+s3], $0x80, v4, vm0, $0xb8;
	[tilespmem:$0x18100] =	vst v63  }
0x109: {  	s16 =	simm.s32 $0x9900;
	v3 =	vadd.s32 v1, v3  }
0x10a: {  	[tilespmem:s16], [sflag:$0x1] =	stream.indirect_vreg.gather [hbm4b:s4+s3], $0x80, v4, vm0, $0xb8;
	[tilespmem:$0x18100] =	vst v63  }
0x10b: {  	s17 =	simm.s32 $0xA100  }
0x10c: {  	[tilespmem:s17], [sflag:$0x1] =	stream.indirect_vreg.gather [hbm4b:s5+s3], $0x80, v4, vm0, $0xb8;
	[tilespmem:$0x18100] =	vst v63  }
0x10d: {  	s18 =	simm.s32 $0xA900  }
0x10e: {  	[tilespmem:s18], [sflag:$0x1] =	stream.indirect_vreg.gather [hbm4b:s1+s3], $0x80, v3, vm0, $0xb8;
	[tilespmem:$0x18100] =	vst v63  }
0x10f: {  	s21 =	simm.s32 $0xB100  }
0x110: {  	[tilespmem:s21], [sflag:$0x1] =	stream.indirect_vreg.gather [hbm4b:s4+s3], $0x80, v3, vm0, $0xb8;
	[tilespmem:$0x18100] =	vst v63  }
0x111: {  	s9 =	simm.s32 $0xB900  }
0x112: {  	[tilespmem:s9], [sflag:$0x1] =	stream.indirect_vreg.gather [hbm4b:s5+s3], $0x80, v3, vm0, $0xb8;
	[tilespmem:$0x18100] =	vst v63  }
0x113: {  	_ =	swait.ge [sflag:s12], $0xC000  }
0x114: {  	[sflag:s12] =	ssyncset.done $0x0  }
0x115: {  	s0 =	simm.s32 $0xC100;
	s2 =	rddreg [dreg:$0x8];
	[sflag:s12] =	ssyncadd.s32 $0xFFFF4000  }
0x116: {  	[hbm4b:s2+s3] =	stream.linear.scatter [tilespmem:s0], [sflag:$0x4], $0xC000, $0x38;
	[tilespmem:$0x18100] =	vst v63  }
0x117: {  	_ =	swait.ge [sflag:s13], $0xC000  }
0x118: {  	[sflag:s13] =	ssyncset.done $0x0  }
0x119: {  	s2 =	simm.s32 $0x80;
	s14 =	rddreg [dreg:$0x9];
	[sflag:s13] =	ssyncadd.s32 $0xFFFF4000  }
0x11a: {  	[tilespmem:s2], [sflag:$0x5] =	stream.linear.gather [hbm4b:s14+s3], $0x40, $0x38;
	[tilespmem:$0x18100] =	vst v63  }
0x11b: {  	_ =	swait.ge [sflag:s7], $0x40  }
0x11c: {  	[sflag:s7] =	ssyncset.done $0x0  }
0x11d: {  	[sflag:s7] =	ssyncadd.s32 $0xFFFFFFC0  }
0x11e: {  	v3 =	vld [tilespmem:$0x80];
	_ =	sdelay $0x4  }
0x11f: {  	v44 =	vshrl.u32 v3, $0x3  }
0x120: {  	v4 =	vmul.u32 $0x30, v44  }
0x121: {  	v3 =	vand.u32 $0x7, v3  }
0x122: {  	v3 =	vor.u32 v3, v4  }
0x123: {  	v4 =	vperm.xlane v3, v0;
	_ =	sdelay $0x1  }
0x124: {  	v4 =	vadd.s32 v1, v4;
	_ =	sdelay $0x3  }
0x125: {  	v3 =	vperm.xlane v3, v2  }
0x126: {  	[tilespmem:s0], [sflag:$0x2] =	stream.indirect_vreg.gather [hbm4b:s1+s3], $0x80, v4, vm0, $0xb8;
	[tilespmem:$0x18100] =	vst v63  }
0x127: {  	s14 =	simm.s32 $0xC900;
	v3 =	vadd.s32 v1, v3  }
0x128: {  	[tilespmem:s14], [sflag:$0x2] =	stream.indirect_vreg.gather [hbm4b:s4+s3], $0x80, v4, vm0, $0xb8;
	[tilespmem:$0x18100] =	vst v63  }
0x129: {  	s14 =	simm.s32 $0xD100  }
0x12a: {  	[tilespmem:s14], [sflag:$0x2] =	stream.indirect_vreg.gather [hbm4b:s5+s3], $0x80, v4, vm0, $0xb8;
	[tilespmem:$0x18100] =	vst v63  }
0x12b: {  	s14 =	simm.s32 $0xD900  }
0x12c: {  	[tilespmem:s14], [sflag:$0x2] =	stream.indirect_vreg.gather [hbm4b:s1+s3], $0x80, v3, vm0, $0xb8;
	[tilespmem:$0x18100] =	vst v63  }
0x12d: {  	s14 =	simm.s32 $0xE100  }
0x12e: {  	[tilespmem:s14], [sflag:$0x2] =	stream.indirect_vreg.gather [hbm4b:s4+s3], $0x80, v3, vm0, $0xb8;
	[tilespmem:$0x18100] =	vst v63  }
0x12f: {  	s14 =	simm.s32 $0xE900  }
0x130: {  	[tilespmem:s14], [sflag:$0x2] =	stream.indirect_vreg.gather [hbm4b:s5+s3], $0x80, v3, vm0, $0xb8;
	[tilespmem:$0x18100] =	vst v63  }
0x131: {  	v3 =	vld [tilespmem:$0x90];
	_ =	sdelay $0x4  }
0x132: {  	v45 =	vshrl.u32 v3, $0x3  }
0x133: {  	v4 =	vmul.u32 $0x30, v45  }
0x134: {  	v3 =	vand.u32 $0x7, v3  }
0x135: {  	v3 =	vor.u32 v3, v4  }
0x136: {  	v4 =	vperm.xlane v3, v0;
	_ =	sdelay $0x1  }
0x137: {  	v4 =	vadd.s32 v1, v4;
	_ =	sdelay $0x3  }
0x138: {  	s14 =	simm.s32 $0xF100;
	v3 =	vperm.xlane v3, v2  }
0x139: {  	[tilespmem:s14], [sflag:$0x2] =	stream.indirect_vreg.gather [hbm4b:s1+s3], $0x80, v4, vm0, $0xb8;
	[tilespmem:$0x18100] =	vst v63  }
0x13a: {  	v3 =	vadd.s32 v1, v3;
	s14 =	simm.s32 $0xF900  }
0x13b: {  	[tilespmem:s14], [sflag:$0x2] =	stream.indirect_vreg.gather [hbm4b:s4+s3], $0x80, v4, vm0, $0xb8;
	[tilespmem:$0x18100] =	vst v63  }
0x13c: {  	s14 =	simm.s32 $0x10100  }
0x13d: {  	[tilespmem:s14], [sflag:$0x2] =	stream.indirect_vreg.gather [hbm4b:s5+s3], $0x80, v4, vm0, $0xb8;
	[tilespmem:$0x18100] =	vst v63  }
0x13e: {  	s14 =	simm.s32 $0x10900  }
0x13f: {  	[tilespmem:s14], [sflag:$0x2] =	stream.indirect_vreg.gather [hbm4b:s1+s3], $0x80, v3, vm0, $0xb8;
	[tilespmem:$0x18100] =	vst v63  }
0x140: {  	s14 =	simm.s32 $0x11100  }
0x141: {  	[tilespmem:s14], [sflag:$0x2] =	stream.indirect_vreg.gather [hbm4b:s4+s3], $0x80, v3, vm0, $0xb8;
	[tilespmem:$0x18100] =	vst v63  }
0x142: {  	s14 =	simm.s32 $0x11900  }
0x143: {  	[tilespmem:s14], [sflag:$0x2] =	stream.indirect_vreg.gather [hbm4b:s5+s3], $0x80, v3, vm0, $0xb8;
	[tilespmem:$0x18100] =	vst v63  }
0x144: {  	v3 =	vld [tilespmem:$0xA0];
	_ =	sdelay $0x4  }
0x145: {  	v46 =	vshrl.u32 v3, $0x3  }
0x146: {  	v4 =	vmul.u32 $0x30, v46  }
0x147: {  	v3 =	vand.u32 $0x7, v3  }
0x148: {  	v3 =	vor.u32 v3, v4  }
0x149: {  	v4 =	vperm.xlane v3, v0;
	_ =	sdelay $0x1  }
0x14a: {  	v4 =	vadd.s32 v1, v4;
	_ =	sdelay $0x3  }
0x14b: {  	s14 =	simm.s32 $0x12100;
	v3 =	vperm.xlane v3, v2  }
0x14c: {  	[tilespmem:s14], [sflag:$0x2] =	stream.indirect_vreg.gather [hbm4b:s1+s3], $0x80, v4, vm0, $0xb8;
	[tilespmem:$0x18100] =	vst v63  }
0x14d: {  	v3 =	vadd.s32 v1, v3;
	s14 =	simm.s32 $0x12900  }
0x14e: {  	[tilespmem:s14], [sflag:$0x2] =	stream.indirect_vreg.gather [hbm4b:s4+s3], $0x80, v4, vm0, $0xb8;
	[tilespmem:$0x18100] =	vst v63  }
0x14f: {  	s14 =	simm.s32 $0x13100  }
0x150: {  	[tilespmem:s14], [sflag:$0x2] =	stream.indirect_vreg.gather [hbm4b:s5+s3], $0x80, v4, vm0, $0xb8;
	[tilespmem:$0x18100] =	vst v63  }
0x151: {  	s14 =	simm.s32 $0x13900  }
0x152: {  	[tilespmem:s14], [sflag:$0x2] =	stream.indirect_vreg.gather [hbm4b:s1+s3], $0x80, v3, vm0, $0xb8;
	[tilespmem:$0x18100] =	vst v63  }
0x153: {  	s14 =	simm.s32 $0x14100  }
0x154: {  	[tilespmem:s14], [sflag:$0x2] =	stream.indirect_vreg.gather [hbm4b:s4+s3], $0x80, v3, vm0, $0xb8;
	[tilespmem:$0x18100] =	vst v63  }
0x155: {  	s14 =	simm.s32 $0x14900  }
0x156: {  	[tilespmem:s14], [sflag:$0x2] =	stream.indirect_vreg.gather [hbm4b:s5+s3], $0x80, v3, vm0, $0xb8;
	[tilespmem:$0x18100] =	vst v63  }
0x157: {  	v3 =	vld [tilespmem:$0xB0];
	_ =	sdelay $0x4  }
0x158: {  	v47 =	vshrl.u32 v3, $0x3  }
0x159: {  	v4 =	vmul.u32 $0x30, v47  }
0x15a: {  	v3 =	vand.u32 $0x7, v3  }
0x15b: {  	v3 =	vor.u32 v3, v4  }
0x15c: {  	v4 =	vperm.xlane v3, v0;
	_ =	sdelay $0x1  }
0x15d: {  	v4 =	vadd.s32 v1, v4;
	_ =	sdelay $0x3  }
0x15e: {  	s14 =	simm.s32 $0x15100;
	v3 =	vperm.xlane v3, v2  }
0x15f: {  	[tilespmem:s14], [sflag:$0x2] =	stream.indirect_vreg.gather [hbm4b:s1+s3], $0x80, v4, vm0, $0xb8;
	[tilespmem:$0x18100] =	vst v63  }
0x160: {  	v3 =	vadd.s32 v1, v3;
	s14 =	simm.s32 $0x15900  }
0x161: {  	[tilespmem:s14], [sflag:$0x2] =	stream.indirect_vreg.gather [hbm4b:s4+s3], $0x80, v4, vm0, $0xb8;
	[tilespmem:$0x18100] =	vst v63  }
0x162: {  	s14 =	simm.s32 $0x16100  }
0x163: {  	[tilespmem:s14], [sflag:$0x2] =	stream.indirect_vreg.gather [hbm4b:s5+s3], $0x80, v4, vm0, $0xb8;
	[tilespmem:$0x18100] =	vst v63  }
0x164: {  	s14 =	simm.s32 $0x16900  }
0x165: {  	[tilespmem:s14], [sflag:$0x2] =	stream.indirect_vreg.gather [hbm4b:s1+s3], $0x80, v3, vm0, $0xb8;
	[tilespmem:$0x18100] =	vst v63  }
0x166: {  	s14 =	simm.s32 $0x17100  }
0x167: {  	[tilespmem:s14], [sflag:$0x2] =	stream.indirect_vreg.gather [hbm4b:s4+s3], $0x80, v3, vm0, $0xb8;
	[tilespmem:$0x18100] =	vst v63  }
0x168: {  	s14 =	simm.s32 $0x17900  }
0x169: {  	[tilespmem:s14], [sflag:$0x2] =	stream.indirect_vreg.gather [hbm4b:s5+s3], $0x80, v3, vm0, $0xb8;
	[tilespmem:$0x18100] =	vst v63  }
0x16a: {  	_ =	swait.ge [sflag:s10], $0xC000  }
0x16b: {  	[sflag:s10] =	ssyncset.done $0x0  }
0x16c: {  	s0 =	simm.s32 $0x100;
	s14 =	rddreg [dreg:$0xa];
	[sflag:s10] =	ssyncadd.s32 $0xFFFF4000  }
0x16d: {  	[hbm4b:s14+s3] =	stream.linear.scatter [tilespmem:s0], [sflag:$0x3], $0xC000, $0x38;
	[tilespmem:$0x18100] =	vst v63  }
0x16e: {  	_ =	swait.ge [sflag:s11], $0xC000  }
0x16f: {  	[sflag:s11] =	ssyncset.done $0x0  }
0x170: {  	s14 =	rddreg [dreg:$0xb];
	[sflag:s11] =	ssyncadd.s32 $0xFFFF4000  }
0x171: {  	[tilespmem:s3], [sflag:$0x5] =	stream.linear.gather [hbm4b:s14+s3], $0x40, $0x38;
	[tilespmem:$0x18100] =	vst v63  }
0x172: {  	_ =	swait.ge [sflag:s7], $0x40  }
0x173: {  	[sflag:s7] =	ssyncset.done $0x0  }
0x174: {  	[sflag:s7] =	ssyncadd.s32 $0xFFFFFFC0  }
0x175: {  	v3 =	vld [tilespmem:$0x0];
	_ =	sdelay $0x4  }
0x176: {  	v48 =	vshrl.u32 v3, $0x3  }
0x177: {  	v4 =	vmul.u32 $0x30, v48  }
0x178: {  	v3 =	vand.u32 $0x7, v3  }
0x179: {  	v3 =	vor.u32 v3, v4  }
0x17a: {  	v4 =	vperm.xlane v3, v0;
	_ =	sdelay $0x1  }
0x17b: {  	v4 =	vadd.s32 v1, v4;
	_ =	sdelay $0x3  }
0x17c: {  	v3 =	vperm.xlane v3, v2  }
0x17d: {  	[tilespmem:s0], [sflag:$0x1] =	stream.indirect_vreg.gather [hbm4b:s1+s3], $0x80, v4, vm0, $0xb8;
	[tilespmem:$0x18100] =	vst v63  }
0x17e: {  	s14 =	simm.s32 $0x900;
	v3 =	vadd.s32 v1, v3  }
0x17f: {  	[tilespmem:s14], [sflag:$0x1] =	stream.indirect_vreg.gather [hbm4b:s4+s3], $0x80, v4, vm0, $0xb8;
	[tilespmem:$0x18100] =	vst v63  }
0x180: {  	_ = 	snop  }
0x181: {  	[tilespmem:s8], [sflag:$0x1] =	stream.indirect_vreg.gather [hbm4b:s5+s3], $0x80, v4, vm0, $0xb8;
	[tilespmem:$0x18100] =	vst v63  }
0x182: {  	_ = 	snop  }
0x183: {  	[tilespmem:s22], [sflag:$0x1] =	stream.indirect_vreg.gather [hbm4b:s1+s3], $0x80, v3, vm0, $0xb8;
	[tilespmem:$0x18100] =	vst v63  }
0x184: {  	_ = 	snop  }
0x185: {  	[tilespmem:s23], [sflag:$0x1] =	stream.indirect_vreg.gather [hbm4b:s4+s3], $0x80, v3, vm0, $0xb8;
	[tilespmem:$0x18100] =	vst v63  }
0x186: {  	s23 =	simm.s32 $0x2900  }
0x187: {  	[tilespmem:s23], [sflag:$0x1] =	stream.indirect_vreg.gather [hbm4b:s5+s3], $0x80, v3, vm0, $0xb8;
	[tilespmem:$0x18100] =	vst v63  }
0x188: {  	v3 =	vld [tilespmem:$0x10];
	_ =	sdelay $0x4  }
0x189: {  	v49 =	vshrl.u32 v3, $0x3  }
0x18a: {  	v4 =	vmul.u32 $0x30, v49  }
0x18b: {  	v3 =	vand.u32 $0x7, v3  }
0x18c: {  	v3 =	vor.u32 v3, v4  }
0x18d: {  	v4 =	vperm.xlane v3, v0;
	_ =	sdelay $0x1  }
0x18e: {  	v4 =	vadd.s32 v1, v4;
	_ =	sdelay $0x3  }
0x18f: {  	s8 =	simm.s32 $0x3100;
	v3 =	vperm.xlane v3, v2  }
0x190: {  	[tilespmem:s8], [sflag:$0x1] =	stream.indirect_vreg.gather [hbm4b:s1+s3], $0x80, v4, vm0, $0xb8;
	[tilespmem:$0x18100] =	vst v63  }
0x191: {  	v3 =	vadd.s32 v1, v3  }
0x192: {  	[tilespmem:s24], [sflag:$0x1] =	stream.indirect_vreg.gather [hbm4b:s4+s3], $0x80, v4, vm0, $0xb8;
	[tilespmem:$0x18100] =	vst v63  }
0x193: {  	_ = 	snop  }
0x194: {  	[tilespmem:s25], [sflag:$0x1] =	stream.indirect_vreg.gather [hbm4b:s5+s3], $0x80, v4, vm0, $0xb8;
	[tilespmem:$0x18100] =	vst v63  }
0x195: {  	_ = 	snop  }
0x196: {  	[tilespmem:s26], [sflag:$0x1] =	stream.indirect_vreg.gather [hbm4b:s1+s3], $0x80, v3, vm0, $0xb8;
	[tilespmem:$0x18100] =	vst v63  }
0x197: {  	_ = 	snop  }
0x198: {  	[tilespmem:s28], [sflag:$0x1] =	stream.indirect_vreg.gather [hbm4b:s4+s3], $0x80, v3, vm0, $0xb8;
	[tilespmem:$0x18100] =	vst v63  }
0x199: {  	s14 =	simm.s32 $0x5900  }
0x19a: {  	[tilespmem:s14], [sflag:$0x1] =	stream.indirect_vreg.gather [hbm4b:s5+s3], $0x80, v3, vm0, $0xb8;
	[tilespmem:$0x18100] =	vst v63  }
0x19b: {  	v3 =	vld [tilespmem:$0x20];
	_ =	sdelay $0x4  }
0x19c: {  	v50 =	vshrl.u32 v3, $0x3  }
0x19d: {  	v4 =	vmul.u32 $0x30, v50  }
0x19e: {  	v3 =	vand.u32 $0x7, v3  }
0x19f: {  	v3 =	vor.u32 v3, v4  }
0x1a0: {  	v4 =	vperm.xlane v3, v0;
	_ =	sdelay $0x1  }
0x1a1: {  	v4 =	vadd.s32 v1, v4;
	_ =	sdelay $0x3  }
0x1a2: {  	s28 =	simm.s32 $0x6100;
	v3 =	vperm.xlane v3, v2  }
0x1a3: {  	[tilespmem:s28], [sflag:$0x1] =	stream.indirect_vreg.gather [hbm4b:s1+s3], $0x80, v4, vm0, $0xb8;
	[tilespmem:$0x18100] =	vst v63  }
0x1a4: {  	v3 =	vadd.s32 v1, v3  }
0x1a5: {  	[tilespmem:s29], [sflag:$0x1] =	stream.indirect_vreg.gather [hbm4b:s4+s3], $0x80, v4, vm0, $0xb8;
	[tilespmem:$0x18100] =	vst v63  }
0x1a6: {  	_ = 	snop  }
0x1a7: {  	[tilespmem:s30], [sflag:$0x1] =	stream.indirect_vreg.gather [hbm4b:s5+s3], $0x80, v4, vm0, $0xb8;
	[tilespmem:$0x18100] =	vst v63  }
0x1a8: {  	_ = 	snop  }
0x1a9: {  	[tilespmem:s31], [sflag:$0x1] =	stream.indirect_vreg.gather [hbm4b:s1+s3], $0x80, v3, vm0, $0xb8;
	[tilespmem:$0x18100] =	vst v63  }
0x1aa: {  	_ = 	snop  }
0x1ab: {  	[tilespmem:s15], [sflag:$0x1] =	stream.indirect_vreg.gather [hbm4b:s4+s3], $0x80, v3, vm0, $0xb8;
	[tilespmem:$0x18100] =	vst v63  }
0x1ac: {  	_ = 	snop  }
0x1ad: {  	[tilespmem:s19], [sflag:$0x1] =	stream.indirect_vreg.gather [hbm4b:s5+s3], $0x80, v3, vm0, $0xb8;
	[tilespmem:$0x18100] =	vst v63  }
0x1ae: {  	v3 =	vld [tilespmem:$0x30];
	_ =	sdelay $0x4  }
0x1af: {  	v51 =	vshrl.u32 v3, $0x3  }
0x1b0: {  	v4 =	vmul.u32 $0x30, v51  }
0x1b1: {  	v3 =	vand.u32 $0x7, v3  }
0x1b2: {  	v3 =	vor.u32 v3, v4  }
0x1b3: {  	v4 =	vperm.xlane v3, v0;
	_ =	sdelay $0x1  }
0x1b4: {  	v4 =	vadd.s32 v1, v4;
	_ =	sdelay $0x3  }
0x1b5: {  	v3 =	vperm.xlane v3, v2  }
0x1b6: {  	[tilespmem:s20], [sflag:$0x1] =	stream.indirect_vreg.gather [hbm4b:s1+s3], $0x80, v4, vm0, $0xb8;
	[tilespmem:$0x18100] =	vst v63  }
0x1b7: {  	v3 =	vadd.s32 v1, v3  }
0x1b8: {  	[tilespmem:s16], [sflag:$0x1] =	stream.indirect_vreg.gather [hbm4b:s4+s3], $0x80, v4, vm0, $0xb8;
	[tilespmem:$0x18100] =	vst v63  }
0x1b9: {  	_ = 	snop  }
0x1ba: {  	[tilespmem:s17], [sflag:$0x1] =	stream.indirect_vreg.gather [hbm4b:s5+s3], $0x80, v4, vm0, $0xb8;
	[tilespmem:$0x18100] =	vst v63  }
0x1bb: {  	_ = 	snop  }
0x1bc: {  	[tilespmem:s18], [sflag:$0x1] =	stream.indirect_vreg.gather [hbm4b:s1+s3], $0x80, v3, vm0, $0xb8;
	[tilespmem:$0x18100] =	vst v63  }
0x1bd: {  	_ = 	snop  }
0x1be: {  	[tilespmem:s21], [sflag:$0x1] =	stream.indirect_vreg.gather [hbm4b:s4+s3], $0x80, v3, vm0, $0xb8;
	[tilespmem:$0x18100] =	vst v63  }
0x1bf: {  	_ = 	snop  }
0x1c0: {  	[tilespmem:s9], [sflag:$0x1] =	stream.indirect_vreg.gather [hbm4b:s5+s3], $0x80, v3, vm0, $0xb8;
	[tilespmem:$0x18100] =	vst v63  }
0x1c1: {  	_ =	swait.ge [sflag:s12], $0xC000  }
0x1c2: {  	[sflag:s12] =	ssyncset.done $0x0  }
0x1c3: {  	s2 =	simm.s32 $0xC100;
	s31 =	rddreg [dreg:$0xc];
	[sflag:s12] =	ssyncadd.s32 $0xFFFF4000  }
0x1c4: {  	[hbm4b:s31+s3] =	stream.linear.scatter [tilespmem:s2], [sflag:$0x4], $0xC000, $0x38;
	[tilespmem:$0x18100] =	vst v63  }
0x1c5: {  	_ =	swait.ge [sflag:s13], $0xC000  }
0x1c6: {  	[sflag:s13] =	ssyncset.done $0x0  }
0x1c7: {  	s8 =	simm.s32 $0x80;
	s0 =	rddreg [dreg:$0xd];
	[sflag:s13] =	ssyncadd.s32 $0xFFFF4000  }
0x1c8: {  	[tilespmem:s8], [sflag:$0x5] =	stream.linear.gather [hbm4b:s0+s3], $0x40, $0x38;
	[tilespmem:$0x18100] =	vst v63  }
0x1c9: {  	_ =	swait.ge [sflag:s7], $0x40  }
0x1ca: {  	[sflag:s7] =	ssyncset.done $0x0  }
0x1cb: {  	[sflag:s7] =	ssyncadd.s32 $0xFFFFFFC0  }
0x1cc: {  	v3 =	vld [tilespmem:$0x80];
	_ =	sdelay $0x4  }
0x1cd: {  	v52 =	vshrl.u32 v3, $0x3  }
0x1ce: {  	v4 =	vmul.u32 $0x30, v52  }
0x1cf: {  	v3 =	vand.u32 $0x7, v3  }
0x1d0: {  	v3 =	vor.u32 v3, v4  }
0x1d1: {  	v4 =	vperm.xlane v3, v0;
	_ =	sdelay $0x1  }
0x1d2: {  	v4 =	vadd.s32 v1, v4;
	_ =	sdelay $0x3  }
0x1d3: {  	v3 =	vperm.xlane v3, v2  }
0x1d4: {  	[tilespmem:s2], [sflag:$0x2] =	stream.indirect_vreg.gather [hbm4b:s1+s3], $0x80, v4, vm0, $0xb8;
	[tilespmem:$0x18100] =	vst v63  }
0x1d5: {  	s31 =	simm.s32 $0xC900;
	v3 =	vadd.s32 v1, v3  }
0x1d6: {  	[tilespmem:s31], [sflag:$0x2] =	stream.indirect_vreg.gather [hbm4b:s4+s3], $0x80, v4, vm0, $0xb8;
	[tilespmem:$0x18100] =	vst v63  }
0x1d7: {  	s8 =	simm.s32 $0xD100  }
0x1d8: {  	[tilespmem:s8], [sflag:$0x2] =	stream.indirect_vreg.gather [hbm4b:s5+s3], $0x80, v4, vm0, $0xb8;
	[tilespmem:$0x18100] =	vst v63  }
0x1d9: {  	s14 =	simm.s32 $0xD900  }
0x1da: {  	[tilespmem:s14], [sflag:$0x2] =	stream.indirect_vreg.gather [hbm4b:s1+s3], $0x80, v3, vm0, $0xb8;
	[tilespmem:$0x18100] =	vst v63  }
0x1db: {  	s8 =	simm.s32 $0xE100  }
0x1dc: {  	[tilespmem:s8], [sflag:$0x2] =	stream.indirect_vreg.gather [hbm4b:s4+s3], $0x80, v3, vm0, $0xb8;
	[tilespmem:$0x18100] =	vst v63  }
0x1dd: {  	s14 =	simm.s32 $0xE900  }
0x1de: {  	[tilespmem:s14], [sflag:$0x2] =	stream.indirect_vreg.gather [hbm4b:s5+s3], $0x80, v3, vm0, $0xb8;
	[tilespmem:$0x18100] =	vst v63  }
0x1df: {  	v3 =	vld [tilespmem:$0x90];
	_ =	sdelay $0x4  }
0x1e0: {  	v53 =	vshrl.u32 v3, $0x3  }
0x1e1: {  	v4 =	vmul.u32 $0x30, v53  }
0x1e2: {  	v3 =	vand.u32 $0x7, v3  }
0x1e3: {  	v3 =	vor.u32 v3, v4  }
0x1e4: {  	v4 =	vperm.xlane v3, v0;
	_ =	sdelay $0x1  }
0x1e5: {  	v4 =	vadd.s32 v1, v4;
	_ =	sdelay $0x3  }
0x1e6: {  	s8 =	simm.s32 $0xF100;
	v3 =	vperm.xlane v3, v2  }
0x1e7: {  	[tilespmem:s8], [sflag:$0x2] =	stream.indirect_vreg.gather [hbm4b:s1+s3], $0x80, v4, vm0, $0xb8;
	[tilespmem:$0x18100] =	vst v63  }
0x1e8: {  	s14 =	simm.s32 $0xF900;
	v3 =	vadd.s32 v1, v3  }
0x1e9: {  	[tilespmem:s14], [sflag:$0x2] =	stream.indirect_vreg.gather [hbm4b:s4+s3], $0x80, v4, vm0, $0xb8;
	[tilespmem:$0x18100] =	vst v63  }
0x1ea: {  	s8 =	simm.s32 $0x10100  }
0x1eb: {  	[tilespmem:s8], [sflag:$0x2] =	stream.indirect_vreg.gather [hbm4b:s5+s3], $0x80, v4, vm0, $0xb8;
	[tilespmem:$0x18100] =	vst v63  }
0x1ec: {  	s14 =	simm.s32 $0x10900  }
0x1ed: {  	[tilespmem:s14], [sflag:$0x2] =	stream.indirect_vreg.gather [hbm4b:s1+s3], $0x80, v3, vm0, $0xb8;
	[tilespmem:$0x18100] =	vst v63  }
0x1ee: {  	s8 =	simm.s32 $0x11100  }
0x1ef: {  	[tilespmem:s8], [sflag:$0x2] =	stream.indirect_vreg.gather [hbm4b:s4+s3], $0x80, v3, vm0, $0xb8;
	[tilespmem:$0x18100] =	vst v63  }
0x1f0: {  	s14 =	simm.s32 $0x11900  }
0x1f1: {  	[tilespmem:s14], [sflag:$0x2] =	stream.indirect_vreg.gather [hbm4b:s5+s3], $0x80, v3, vm0, $0xb8;
	[tilespmem:$0x18100] =	vst v63  }
0x1f2: {  	v3 =	vld [tilespmem:$0xA0];
	_ =	sdelay $0x4  }
0x1f3: {  	v54 =	vshrl.u32 v3, $0x3  }
0x1f4: {  	v4 =	vmul.u32 $0x30, v54  }
0x1f5: {  	v3 =	vand.u32 $0x7, v3  }
0x1f6: {  	v3 =	vor.u32 v3, v4  }
0x1f7: {  	v4 =	vperm.xlane v3, v0;
	_ =	sdelay $0x1  }
0x1f8: {  	v4 =	vadd.s32 v1, v4;
	_ =	sdelay $0x3  }
0x1f9: {  	s8 =	simm.s32 $0x12100;
	v3 =	vperm.xlane v3, v2  }
0x1fa: {  	[tilespmem:s8], [sflag:$0x2] =	stream.indirect_vreg.gather [hbm4b:s1+s3], $0x80, v4, vm0, $0xb8;
	[tilespmem:$0x18100] =	vst v63  }
0x1fb: {  	s14 =	simm.s32 $0x12900;
	v3 =	vadd.s32 v1, v3  }
0x1fc: {  	[tilespmem:s14], [sflag:$0x2] =	stream.indirect_vreg.gather [hbm4b:s4+s3], $0x80, v4, vm0, $0xb8;
	[tilespmem:$0x18100] =	vst v63  }
0x1fd: {  	s8 =	simm.s32 $0x13100  }
0x1fe: {  	[tilespmem:s8], [sflag:$0x2] =	stream.indirect_vreg.gather [hbm4b:s5+s3], $0x80, v4, vm0, $0xb8;
	[tilespmem:$0x18100] =	vst v63  }
0x1ff: {  	s14 =	simm.s32 $0x13900  }
0x200: {  	[tilespmem:s14], [sflag:$0x2] =	stream.indirect_vreg.gather [hbm4b:s1+s3], $0x80, v3, vm0, $0xb8;
	[tilespmem:$0x18100] =	vst v63  }
0x201: {  	s8 =	simm.s32 $0x14100  }
0x202: {  	[tilespmem:s8], [sflag:$0x2] =	stream.indirect_vreg.gather [hbm4b:s4+s3], $0x80, v3, vm0, $0xb8;
	[tilespmem:$0x18100] =	vst v63  }
0x203: {  	s14 =	simm.s32 $0x14900  }
0x204: {  	[tilespmem:s14], [sflag:$0x2] =	stream.indirect_vreg.gather [hbm4b:s5+s3], $0x80, v3, vm0, $0xb8;
	[tilespmem:$0x18100] =	vst v63  }
0x205: {  	v3 =	vld [tilespmem:$0xB0];
	_ =	sdelay $0x4  }
0x206: {  	v55 =	vshrl.u32 v3, $0x3  }
0x207: {  	v4 =	vmul.u32 $0x30, v55  }
0x208: {  	v3 =	vand.u32 $0x7, v3  }
0x209: {  	v3 =	vor.u32 v3, v4  }
0x20a: {  	v4 =	vperm.xlane v3, v0;
	_ =	sdelay $0x1  }
0x20b: {  	v4 =	vadd.s32 v1, v4;
	_ =	sdelay $0x3  }
0x20c: {  	s8 =	simm.s32 $0x15100;
	v3 =	vperm.xlane v3, v2  }
0x20d: {  	[tilespmem:s8], [sflag:$0x2] =	stream.indirect_vreg.gather [hbm4b:s1+s3], $0x80, v4, vm0, $0xb8;
	[tilespmem:$0x18100] =	vst v63  }
0x20e: {  	s14 =	simm.s32 $0x15900;
	v3 =	vadd.s32 v1, v3  }
0x20f: {  	[tilespmem:s14], [sflag:$0x2] =	stream.indirect_vreg.gather [hbm4b:s4+s3], $0x80, v4, vm0, $0xb8;
	[tilespmem:$0x18100] =	vst v63  }
0x210: {  	s8 =	simm.s32 $0x16100  }
0x211: {  	[tilespmem:s8], [sflag:$0x2] =	stream.indirect_vreg.gather [hbm4b:s5+s3], $0x80, v4, vm0, $0xb8;
	[tilespmem:$0x18100] =	vst v63  }
0x212: {  	s14 =	simm.s32 $0x16900  }
0x213: {  	[tilespmem:s14], [sflag:$0x2] =	stream.indirect_vreg.gather [hbm4b:s1+s3], $0x80, v3, vm0, $0xb8;
	[tilespmem:$0x18100] =	vst v63  }
0x214: {  	s8 =	simm.s32 $0x17100  }
0x215: {  	[tilespmem:s8], [sflag:$0x2] =	stream.indirect_vreg.gather [hbm4b:s4+s3], $0x80, v3, vm0, $0xb8;
	[tilespmem:$0x18100] =	vst v63  }
0x216: {  	s14 =	simm.s32 $0x17900  }
0x217: {  	[tilespmem:s14], [sflag:$0x2] =	stream.indirect_vreg.gather [hbm4b:s5+s3], $0x80, v3, vm0, $0xb8;
	[tilespmem:$0x18100] =	vst v63  }
0x218: {  	_ =	swait.ge [sflag:s10], $0xC000  }
0x219: {  	[sflag:s10] =	ssyncset.done $0x0  }
0x21a: {  	s2 =	simm.s32 $0x100;
	s8 =	rddreg [dreg:$0xe];
	[sflag:s10] =	ssyncadd.s32 $0xFFFF4000  }
0x21b: {  	[hbm4b:s8+s3] =	stream.linear.scatter [tilespmem:s2], [sflag:$0x3], $0xC000, $0x38;
	[tilespmem:$0x18100] =	vst v63  }
0x21c: {  	_ =	swait.ge [sflag:s11], $0xC000  }
0x21d: {  	[sflag:s11] =	ssyncset.done $0x0  }
0x21e: {  	s8 =	rddreg [dreg:$0xf];
	[sflag:s11] =	ssyncadd.s32 $0xFFFF4000  }
0x21f: {  	[tilespmem:s3], [sflag:$0x5] =	stream.linear.gather [hbm4b:s8+s3], $0x40, $0x38;
	[tilespmem:$0x18100] =	vst v63  }
0x220: {  	_ =	swait.ge [sflag:s7], $0x40  }
0x221: {  	[sflag:s7] =	ssyncset.done $0x0  }
0x222: {  	[sflag:s7] =	ssyncadd.s32 $0xFFFFFFC0  }
0x223: {  	v3 =	vld [tilespmem:$0x0];
	_ =	sdelay $0x4  }
0x224: {  	v56 =	vshrl.u32 v3, $0x3  }
0x225: {  	v4 =	vmul.u32 $0x30, v56  }
0x226: {  	v3 =	vand.u32 $0x7, v3  }
0x227: {  	v3 =	vor.u32 v3, v4  }
0x228: {  	v4 =	vperm.xlane v3, v0;
	_ =	sdelay $0x1  }
0x229: {  	v4 =	vadd.s32 v1, v4;
	_ =	sdelay $0x3  }
0x22a: {  	v3 =	vperm.xlane v3, v2  }
0x22b: {  	[tilespmem:s2], [sflag:$0x1] =	stream.indirect_vreg.gather [hbm4b:s1+s3], $0x80, v4, vm0, $0xb8;
	[tilespmem:$0x18100] =	vst v63  }
0x22c: {  	s14 =	simm.s32 $0x900;
	v3 =	vadd.s32 v1, v3  }
0x22d: {  	[tilespmem:s14], [sflag:$0x1] =	stream.indirect_vreg.gather [hbm4b:s4+s3], $0x80, v4, vm0, $0xb8;
	[tilespmem:$0x18100] =	vst v63  }
0x22e: {  	s14 =	simm.s32 $0x1100  }
0x22f: {  	[tilespmem:s14], [sflag:$0x1] =	stream.indirect_vreg.gather [hbm4b:s5+s3], $0x80, v4, vm0, $0xb8;
	[tilespmem:$0x18100] =	vst v63  }
0x230: {  	s14 =	simm.s32 $0x1900  }
0x231: {  	[tilespmem:s14], [sflag:$0x1] =	stream.indirect_vreg.gather [hbm4b:s1+s3], $0x80, v3, vm0, $0xb8;
	[tilespmem:$0x18100] =	vst v63  }
0x232: {  	s22 =	simm.s32 $0x2100  }
0x233: {  	[tilespmem:s22], [sflag:$0x1] =	stream.indirect_vreg.gather [hbm4b:s4+s3], $0x80, v3, vm0, $0xb8;
	[tilespmem:$0x18100] =	vst v63  }
0x234: {  	s14 =	simm.s32 $0x2900  }
0x235: {  	[tilespmem:s14], [sflag:$0x1] =	stream.indirect_vreg.gather [hbm4b:s5+s3], $0x80, v3, vm0, $0xb8;
	[tilespmem:$0x18100] =	vst v63  }
0x236: {  	v3 =	vld [tilespmem:$0x10];
	_ =	sdelay $0x4  }
0x237: {  	v57 =	vshrl.u32 v3, $0x3  }
0x238: {  	v4 =	vmul.u32 $0x30, v57  }
0x239: {  	v3 =	vand.u32 $0x7, v3  }
0x23a: {  	v3 =	vor.u32 v3, v4  }
0x23b: {  	v4 =	vperm.xlane v3, v0;
	_ =	sdelay $0x1  }
0x23c: {  	v4 =	vadd.s32 v1, v4;
	_ =	sdelay $0x3  }
0x23d: {  	s22 =	simm.s32 $0x3100;
	v3 =	vperm.xlane v3, v2  }
0x23e: {  	[tilespmem:s22], [sflag:$0x1] =	stream.indirect_vreg.gather [hbm4b:s1+s3], $0x80, v4, vm0, $0xb8;
	[tilespmem:$0x18100] =	vst v63  }
0x23f: {  	s23 =	simm.s32 $0x3900;
	v3 =	vadd.s32 v1, v3  }
0x240: {  	[tilespmem:s23], [sflag:$0x1] =	stream.indirect_vreg.gather [hbm4b:s4+s3], $0x80, v4, vm0, $0xb8;
	[tilespmem:$0x18100] =	vst v63  }
0x241: {  	s24 =	simm.s32 $0x4100  }
0x242: {  	[tilespmem:s24], [sflag:$0x1] =	stream.indirect_vreg.gather [hbm4b:s5+s3], $0x80, v4, vm0, $0xb8;
	[tilespmem:$0x18100] =	vst v63  }
0x243: {  	s25 =	simm.s32 $0x4900  }
0x244: {  	[tilespmem:s25], [sflag:$0x1] =	stream.indirect_vreg.gather [hbm4b:s1+s3], $0x80, v3, vm0, $0xb8;
	[tilespmem:$0x18100] =	vst v63  }
0x245: {  	s26 =	simm.s32 $0x5100  }
0x246: {  	[tilespmem:s26], [sflag:$0x1] =	stream.indirect_vreg.gather [hbm4b:s4+s3], $0x80, v3, vm0, $0xb8;
	[tilespmem:$0x18100] =	vst v63  }
0x247: {  	s26 =	simm.s32 $0x5900  }
0x248: {  	[tilespmem:s26], [sflag:$0x1] =	stream.indirect_vreg.gather [hbm4b:s5+s3], $0x80, v3, vm0, $0xb8;
	[tilespmem:$0x18100] =	vst v63  }
0x249: {  	v3 =	vld [tilespmem:$0x20];
	_ =	sdelay $0x4  }
0x24a: {  	v58 =	vshrl.u32 v3, $0x3  }
0x24b: {  	v4 =	vmul.u32 $0x30, v58  }
0x24c: {  	v3 =	vand.u32 $0x7, v3  }
0x24d: {  	v3 =	vor.u32 v3, v4  }
0x24e: {  	v4 =	vperm.xlane v3, v0;
	_ =	sdelay $0x1  }
0x24f: {  	v4 =	vadd.s32 v1, v4;
	_ =	sdelay $0x3  }
0x250: {  	s14 =	simm.s32 $0x6100;
	v3 =	vperm.xlane v3, v2  }
0x251: {  	[tilespmem:s14], [sflag:$0x1] =	stream.indirect_vreg.gather [hbm4b:s1+s3], $0x80, v4, vm0, $0xb8;
	[tilespmem:$0x18100] =	vst v63  }
0x252: {  	s28 =	simm.s32 $0x6900;
	v3 =	vadd.s32 v1, v3  }
0x253: {  	[tilespmem:s28], [sflag:$0x1] =	stream.indirect_vreg.gather [hbm4b:s4+s3], $0x80, v4, vm0, $0xb8;
	[tilespmem:$0x18100] =	vst v63  }
0x254: {  	s29 =	simm.s32 $0x7100  }
0x255: {  	[tilespmem:s29], [sflag:$0x1] =	stream.indirect_vreg.gather [hbm4b:s5+s3], $0x80, v4, vm0, $0xb8;
	[tilespmem:$0x18100] =	vst v63  }
0x256: {  	s30 =	simm.s32 $0x7900  }
0x257: {  	[tilespmem:s30], [sflag:$0x1] =	stream.indirect_vreg.gather [hbm4b:s1+s3], $0x80, v3, vm0, $0xb8;
	[tilespmem:$0x18100] =	vst v63  }
0x258: {  	s15 =	simm.s32 $0x8100  }
0x259: {  	[tilespmem:s15], [sflag:$0x1] =	stream.indirect_vreg.gather [hbm4b:s4+s3], $0x80, v3, vm0, $0xb8;
	[tilespmem:$0x18100] =	vst v63  }
0x25a: {  	s19 =	simm.s32 $0x8900  }
0x25b: {  	[tilespmem:s19], [sflag:$0x1] =	stream.indirect_vreg.gather [hbm4b:s5+s3], $0x80, v3, vm0, $0xb8;
	[tilespmem:$0x18100] =	vst v63  }
0x25c: {  	v3 =	vld [tilespmem:$0x30];
	_ =	sdelay $0x4  }
0x25d: {  	v59 =	vshrl.u32 v3, $0x3  }
0x25e: {  	v4 =	vmul.u32 $0x30, v59  }
0x25f: {  	v3 =	vand.u32 $0x7, v3  }
0x260: {  	v3 =	vor.u32 v3, v4  }
0x261: {  	v4 =	vperm.xlane v3, v0;
	_ =	sdelay $0x1  }
0x262: {  	v4 =	vadd.s32 v1, v4;
	_ =	sdelay $0x3  }
0x263: {  	s20 =	simm.s32 $0x9100;
	v3 =	vperm.xlane v3, v2  }
0x264: {  	[tilespmem:s20], [sflag:$0x1] =	stream.indirect_vreg.gather [hbm4b:s1+s3], $0x80, v4, vm0, $0xb8;
	[tilespmem:$0x18100] =	vst v63  }
0x265: {  	s16 =	simm.s32 $0x9900;
	v3 =	vadd.s32 v1, v3  }
0x266: {  	[tilespmem:s16], [sflag:$0x1] =	stream.indirect_vreg.gather [hbm4b:s4+s3], $0x80, v4, vm0, $0xb8;
	[tilespmem:$0x18100] =	vst v63  }
0x267: {  	s17 =	simm.s32 $0xA100  }
0x268: {  	[tilespmem:s17], [sflag:$0x1] =	stream.indirect_vreg.gather [hbm4b:s5+s3], $0x80, v4, vm0, $0xb8;
	[tilespmem:$0x18100] =	vst v63  }
0x269: {  	s18 =	simm.s32 $0xA900  }
0x26a: {  	[tilespmem:s18], [sflag:$0x1] =	stream.indirect_vreg.gather [hbm4b:s1+s3], $0x80, v3, vm0, $0xb8;
	[tilespmem:$0x18100] =	vst v63  }
0x26b: {  	s21 =	simm.s32 $0xB100  }
0x26c: {  	[tilespmem:s21], [sflag:$0x1] =	stream.indirect_vreg.gather [hbm4b:s4+s3], $0x80, v3, vm0, $0xb8;
	[tilespmem:$0x18100] =	vst v63  }
0x26d: {  	s9 =	simm.s32 $0xB900  }
0x26e: {  	[tilespmem:s9], [sflag:$0x1] =	stream.indirect_vreg.gather [hbm4b:s5+s3], $0x80, v3, vm0, $0xb8;
	[tilespmem:$0x18100] =	vst v63  }
0x26f: {  	_ =	swait.ge [sflag:s12], $0xC000  }
0x270: {  	[sflag:s12] =	ssyncset.done $0x0  }
0x271: {  	s23 =	simm.s32 $0xC100;
	s22 =	rddreg [dreg:$0x10];
	[sflag:s12] =	ssyncadd.s32 $0xFFFF4000  }
0x272: {  	[hbm4b:s22+s3] =	stream.linear.scatter [tilespmem:s23], [sflag:$0x4], $0xC000, $0x38;
	[tilespmem:$0x18100] =	vst v63  }
0x273: {  	_ =	swait.ge [sflag:s13], $0xC000  }
0x274: {  	[sflag:s13] =	ssyncset.done $0x0  }
0x275: {  	s0 =	simm.s32 $0x80;
	s24 =	rddreg [dreg:$0x11];
	[sflag:s13] =	ssyncadd.s32 $0xFFFF4000  }
0x276: {  	[tilespmem:s0], [sflag:$0x5] =	stream.linear.gather [hbm4b:s24+s3], $0x40, $0x38;
	[tilespmem:$0x18100] =	vst v63  }
0x277: {  	_ =	swait.ge [sflag:s7], $0x40  }
0x278: {  	[sflag:s7] =	ssyncset.done $0x0  }
0x279: {  	[sflag:s7] =	ssyncadd.s32 $0xFFFFFFC0  }
0x27a: {  	v3 =	vld [tilespmem:$0x80];
	_ =	sdelay $0x4  }
0x27b: {  	v60 =	vshrl.u32 v3, $0x3  }
0x27c: {  	v4 =	vmul.u32 $0x30, v60  }
0x27d: {  	v3 =	vand.u32 $0x7, v3  }
0x27e: {  	v3 =	vor.u32 v3, v4  }
0x27f: {  	v4 =	vperm.xlane v3, v0;
	_ =	sdelay $0x1  }
0x280: {  	v4 =	vadd.s32 v1, v4;
	_ =	sdelay $0x3  }
0x281: {  	v3 =	vperm.xlane v3, v2  }
0x282: {  	[tilespmem:s23], [sflag:$0x2] =	stream.indirect_vreg.gather [hbm4b:s1+s3], $0x80, v4, vm0, $0xb8;
	[tilespmem:$0x18100] =	vst v63  }
0x283: {  	s25 =	simm.s32 $0xC900;
	v3 =	vadd.s32 v1, v3  }
0x284: {  	[tilespmem:s25], [sflag:$0x2] =	stream.indirect_vreg.gather [hbm4b:s4+s3], $0x80, v4, vm0, $0xb8;
	[tilespmem:$0x18100] =	vst v63  }
0x285: {  	s31 =	simm.s32 $0xD100  }
0x286: {  	[tilespmem:s31], [sflag:$0x2] =	stream.indirect_vreg.gather [hbm4b:s5+s3], $0x80, v4, vm0, $0xb8;
	[tilespmem:$0x18100] =	vst v63  }
0x287: {  	s26 =	simm.s32 $0xD900  }
0x288: {  	[tilespmem:s26], [sflag:$0x2] =	stream.indirect_vreg.gather [hbm4b:s1+s3], $0x80, v3, vm0, $0xb8;
	[tilespmem:$0x18100] =	vst v63  }
0x289: {  	s28 =	simm.s32 $0xE100  }
0x28a: {  	[tilespmem:s28], [sflag:$0x2] =	stream.indirect_vreg.gather [hbm4b:s4+s3], $0x80, v3, vm0, $0xb8;
	[tilespmem:$0x18100] =	vst v63  }
0x28b: {  	s29 =	simm.s32 $0xE900  }
0x28c: {  	[tilespmem:s29], [sflag:$0x2] =	stream.indirect_vreg.gather [hbm4b:s5+s3], $0x80, v3, vm0, $0xb8;
	[tilespmem:$0x18100] =	vst v63  }
0x28d: {  	v3 =	vld [tilespmem:$0x90];
	_ =	sdelay $0x4  }
0x28e: {  	v61 =	vshrl.u32 v3, $0x3  }
0x28f: {  	v4 =	vmul.u32 $0x30, v61  }
0x290: {  	v3 =	vand.u32 $0x7, v3  }
0x291: {  	v3 =	vor.u32 v3, v4  }
0x292: {  	v4 =	vperm.xlane v3, v0;
	_ =	sdelay $0x1  }
0x293: {  	v4 =	vadd.s32 v1, v4;
	_ =	sdelay $0x3  }
0x294: {  	s30 =	simm.s32 $0xF100;
	v3 =	vperm.xlane v3, v2  }
0x295: {  	[tilespmem:s30], [sflag:$0x2] =	stream.indirect_vreg.gather [hbm4b:s1+s3], $0x80, v4, vm0, $0xb8;
	[tilespmem:$0x18100] =	vst v63  }
0x296: {  	s31 =	simm.s32 $0xF900;
	v3 =	vadd.s32 v1, v3  }
0x297: {  	[tilespmem:s31], [sflag:$0x2] =	stream.indirect_vreg.gather [hbm4b:s4+s3], $0x80, v4, vm0, $0xb8;
	[tilespmem:$0x18100] =	vst v63  }
0x298: {  	s9 =	simm.s32 $0x10100  }
0x299: {  	[tilespmem:s9], [sflag:$0x2] =	stream.indirect_vreg.gather [hbm4b:s5+s3], $0x80, v4, vm0, $0xb8;
	[tilespmem:$0x18100] =	vst v63  }
0x29a: {  	s14 =	simm.s32 $0x10900  }
0x29b: {  	[tilespmem:s14], [sflag:$0x2] =	stream.indirect_vreg.gather [hbm4b:s1+s3], $0x80, v3, vm0, $0xb8;
	[tilespmem:$0x18100] =	vst v63  }
0x29c: {  	s15 =	simm.s32 $0x11100  }
0x29d: {  	[tilespmem:s15], [sflag:$0x2] =	stream.indirect_vreg.gather [hbm4b:s4+s3], $0x80, v3, vm0, $0xb8;
	[tilespmem:$0x18100] =	vst v63  }
0x29e: {  	s16 =	simm.s32 $0x11900  }
0x29f: {  	[tilespmem:s16], [sflag:$0x2] =	stream.indirect_vreg.gather [hbm4b:s5+s3], $0x80, v3, vm0, $0xb8;
	[tilespmem:$0x18100] =	vst v63  }
0x2a0: {  	v3 =	vld [tilespmem:$0xA0];
	_ =	sdelay $0x4  }
0x2a1: {  	v62 =	vshrl.u32 v3, $0x3  }
0x2a2: {  	v4 =	vmul.u32 $0x30, v62  }
0x2a3: {  	v3 =	vand.u32 $0x7, v3  }
0x2a4: {  	v3 =	vor.u32 v3, v4  }
0x2a5: {  	v4 =	vperm.xlane v3, v0;
	_ =	sdelay $0x1  }
0x2a6: {  	v4 =	vadd.s32 v1, v4;
	_ =	sdelay $0x3  }
0x2a7: {  	s17 =	simm.s32 $0x12100;
	v3 =	vperm.xlane v3, v2  }
0x2a8: {  	[tilespmem:s17], [sflag:$0x2] =	stream.indirect_vreg.gather [hbm4b:s1+s3], $0x80, v4, vm0, $0xb8;
	[tilespmem:$0x18100] =	vst v63  }
0x2a9: {  	s18 =	simm.s32 $0x12900;
	v3 =	vadd.s32 v1, v3  }
0x2aa: {  	[tilespmem:s18], [sflag:$0x2] =	stream.indirect_vreg.gather [hbm4b:s4+s3], $0x80, v4, vm0, $0xb8;
	[tilespmem:$0x18100] =	vst v63  }
0x2ab: {  	s19 =	simm.s32 $0x13100  }
0x2ac: {  	[tilespmem:s19], [sflag:$0x2] =	stream.indirect_vreg.gather [hbm4b:s5+s3], $0x80, v4, vm0, $0xb8;
	[tilespmem:$0x18100] =	vst v63  }
0x2ad: {  	s20 =	simm.s32 $0x13900  }
0x2ae: {  	[tilespmem:s20], [sflag:$0x2] =	stream.indirect_vreg.gather [hbm4b:s1+s3], $0x80, v3, vm0, $0xb8;
	[tilespmem:$0x18100] =	vst v63  }
0x2af: {  	s21 =	simm.s32 $0x14100  }
0x2b0: {  	[tilespmem:s21], [sflag:$0x2] =	stream.indirect_vreg.gather [hbm4b:s4+s3], $0x80, v3, vm0, $0xb8;
	[tilespmem:$0x18100] =	vst v63  }
0x2b1: {  	s22 =	simm.s32 $0x14900  }
0x2b2: {  	[tilespmem:s22], [sflag:$0x2] =	stream.indirect_vreg.gather [hbm4b:s5+s3], $0x80, v3, vm0, $0xb8;
	[tilespmem:$0x18100] =	vst v63  }
0x2b3: {  	v3 =	vld [tilespmem:$0xB0];
	_ =	sdelay $0x4  }
0x2b4: {  	v63 =	vshrl.u32 v3, $0x3  }
0x2b5: {  	v4 =	vmul.u32 $0x30, v63  }
0x2b6: {  	v3 =	vand.u32 $0x7, v3  }
0x2b7: {  	v3 =	vor.u32 v3, v4  }
0x2b8: {  	v4 =	vperm.xlane v3, v0;
	_ =	sdelay $0x1  }
0x2b9: {  	v4 =	vadd.s32 v1, v4;
	_ =	sdelay $0x3  }
0x2ba: {  	s23 =	simm.s32 $0x15100;
	v3 =	vperm.xlane v3, v2  }
0x2bb: {  	[tilespmem:s23], [sflag:$0x2] =	stream.indirect_vreg.gather [hbm4b:s1+s3], $0x80, v4, vm0, $0xb8;
	[tilespmem:$0x18100] =	vst v63  }
0x2bc: {  	s24 =	simm.s32 $0x15900;
	v3 =	vadd.s32 v1, v3  }
0x2bd: {  	[tilespmem:s24], [sflag:$0x2] =	stream.indirect_vreg.gather [hbm4b:s4+s3], $0x80, v4, vm0, $0xb8;
	[tilespmem:$0x18100] =	vst v63  }
0x2be: {  	s25 =	simm.s32 $0x16100  }
0x2bf: {  	[tilespmem:s25], [sflag:$0x2] =	stream.indirect_vreg.gather [hbm4b:s5+s3], $0x80, v4, vm0, $0xb8;
	[tilespmem:$0x18100] =	vst v63  }
0x2c0: {  	s26 =	simm.s32 $0x16900  }
0x2c1: {  	[tilespmem:s26], [sflag:$0x2] =	stream.indirect_vreg.gather [hbm4b:s1+s3], $0x80, v3, vm0, $0xb8;
	[tilespmem:$0x18100] =	vst v63  }
0x2c2: {  	s28 =	simm.s32 $0x17100  }
0x2c3: {  	[tilespmem:s28], [sflag:$0x2] =	stream.indirect_vreg.gather [hbm4b:s4+s3], $0x80, v3, vm0, $0xb8;
	[tilespmem:$0x18100] =	vst v63  }
0x2c4: {  	s29 =	simm.s32 $0x17900  }
0x2c5: {  	[tilespmem:s29], [sflag:$0x2] =	stream.indirect_vreg.gather [hbm4b:s5+s3], $0x80, v3, vm0, $0xb8;
	[tilespmem:$0x18100] =	vst v63  }
0x2c6: {  	_ =	swait.ge [sflag:s10], $0xC000  }
0x2c7: {  	[sflag:s10] =	ssyncset.done $0x0  }
0x2c8: {  	s8 =	simm.s32 $0x100;
	s30 =	rddreg [dreg:$0x12];
	[sflag:s10] =	ssyncadd.s32 $0xFFFF4000  }
0x2c9: {  	[hbm4b:s30+s3] =	stream.linear.scatter [tilespmem:s8], [sflag:$0x3], $0xC000, $0x38;
	[tilespmem:$0x18100] =	vst v63  }
0x2ca: {  	_ =	swait.ge [sflag:s12], $0xC000  }
0x2cb: {  	[sflag:s12] =	ssyncset.done $0x0  }
0x2cc: {  	s0 =	simm.s32 $0xC100;
	s31 =	rddreg [dreg:$0x13];
	[sflag:s12] =	ssyncadd.s32 $0xFFFF4000  }
0x2cd: {  	[hbm4b:s31+s3] =	stream.linear.scatter [tilespmem:s0], [sflag:$0x4], $0xC000, $0x38;
	[tilespmem:$0x18100] =	vst v63  }
0x2ce: {  	p0 =	sne.s32 s6, $0x1;
	_ =	swait.ge [sflag:s11], $0xC000  }
.Ltmp0:
0x2cf: {  	[sflag:s11] =	ssyncset.done $0x0;
	(pc) =	sbr.rel @p0 .LBB2_1-.Ltmp0, $4  }
0x2d0: {  	[sflag:s11] =	ssyncadd.s32 $0xFFFF4000  }
0x2d1: {  	_ =	swait.ge [sflag:s13], $0xC000  }
0x2d2: {  	[sflag:s13] =	ssyncset.done $0x0  }
0x2d3: {  	s6 =	sadd.s32 $0xFFFFFFFF, s6;
	[sflag:s13] =	ssyncadd.s32 $0xFFFF4000  }
0x2d4: {  	_ =	sfence.sel $0x180000  }
0x2d5: {  	[bflag:$0x0] =	sbarrier.arrive $0xFFFF  }
0x2d6: {  	_ =	strace $0x90000047  }
0x2d7: {  	s0 =	stileid.u32;
	[bflag:$0x2] =	sbarrier.arrive $0xFFFF  }
0x2d8: {  	p0 =	sne.s32 s0, $0x0;
	s0 =	rddreg [dreg:$0x3]  }
0x2d9: {  	s0 =	sadd.s32 @!p0 $0x100000, s0  }
0x2da: {  	[sflag:s0] =	ssyncadd.tile.s32 @!p0 $0x1;
	_ =	shalt  }
.Lfunc_end2:
_tile_overlayer_lowered:
.L_overlay_start_2:
0x2db: {  	(tag) =	ssettag $0x2  }
0x2dc: {  	s0 =	rddreg [dreg:$0x0];
	s2 =	stileid.u32  }
0x2dd: {  	s1 =	rddreg [dreg:$0x1];
	p0 =	sne.s32 s2, $0x0  }
0x2de: {  	s3 =	rddreg [dreg:$0x2];
	[bflag:$0x3] =	sbarrier.arrive $0xFFFF;
	s2 =	simm.s32 @!p0 $0x1C05  }
0x2df: {  	[timem:s3], [sflag:s2] =	dma.local @!p0 [hbm:s0], s1  }
0x2e0: {  	s0 =	simm.s32 @!p0 $0x5  }
0x2e1: {  	_ =	swait.ge @!p0 [sflag:s0], s1  }
0x2e2: {  	s1 =	ssub.s32 @!p0 $0x0, s1;
	[sflag:s0] =	ssyncset.done @!p0 $0x0  }
0x2e3: {  	[sflag:s0] =	ssyncadd.s32 @!p0 s1  }
0x2e4: {  	[bflag:$0x3] =	sbarrier.arrive $0xFFFF  }
0x2e5: {  	_ =	shalt  }

// kernel: kernel.9.cloned.1.call-start
scs
__scs_entry_jumppad:
0x0: {  	(pc) =	sbr.rel $0x88, $3  }
0x1: {  	(tag) =	ssettag $0x0;
	lr =	simm.s32 $0x1  }
0x2: {  	[smem:$0x3F9A] =	sst lr;
	_ =	strace $0xD0000000  }
0x3: {  	_ = 	snop  }
0x4: {  	_ = 	snop  }
0x5: {  	_ = 	snop  }
0x6: {  	_ = 	snop  }
0x7: {  	_ = 	snop  }
__scs_overlays_trampoline_lowered:
0x8: {  	[smem:$0x3FA9] =	sst s0  }
0x9: {  	[smem:$0x3FAA] =	sst s1  }
0xa: {  	[smem:$0x3FAB] =	sst s2  }
0xb: {  	[smem:$0x3FAC] =	sst s3  }
0xc: {  	[smem:$0x3FAD] =	sst s4  }
0xd: {  	[smem:$0x3FAE] =	sst s5  }
0xe: {  	[smem:$0x3FAF] =	sst s6  }
0xf: {  	[smem:$0x3FB0] =	sst s7  }
0x10: {  	[smem:$0x3FB1] =	sst s8  }
0x11: {  	[smem:$0x3FB2] =	sst s9;
	s0 =	simm.s32 @!p0 $0x0  }
0x12: {  	s1 =	sld [smem:$0x3F98];
	s0 =	simm.s32 @p0 $0x1  }
0x13: {  	[smem:$0x3FB3] =	sst s0;
	s0 =	simm.s32 @!p1 $0x0  }
0x14: {  	s2 =	sld [smem:$0x3F97];
	s0 =	simm.s32 @p1 $0x1  }
0x15: {  	[smem:$0x3FB4] =	sst s0;
	s0 =	simm.s32 @!p2 $0x0  }
0x16: {  	s3 =	sld [smem:$0x3FDB];
	s0 =	simm.s32 @p2 $0x1  }
0x17: {  	s4 =	simm.s32 $0x1BF5;
	[smem:$0x3FB6] =	sst s0  }
0x18: {  	s0 =	sld [smem:$0x3F99];
	_ =	swait.ge [sflag:s4], $0x0  }
0x19: {  	s7 =	sld [smem:$0x3F9A]  }
0x1a: {  	s8 =	sadd.s32 $0xFFFFE003, lr  }
0x1b: {  	s9 =	sadd.s32 $0xFFFFFEF7, lr;
	s5 =	simm.s32 $0xFFFFFFFF;
	p2 =	slt.u32 s8, $0xFFFFF086  }
0x1c: {  	p1 =	slt.u32 s9, $0xF7A;
	s5 =	simm.s32 @!p2 $0x0  }
0x1d: {  	s5 =	simm.s32 @p1 $0x1;
	p0 =	seq.s32 s7, s2  }
0x1e: {  	s7 =	smul.u32 @!p0 $0xF7A, s2;
	p2 =	seq.s32 @!p0 s5, $0x0  }
0x1f: {  	s9 =	smul.u32 $0xF7A, s1;
	s8 =	simm.s32 @!p0 $0x1BF5;
	p2 =	por !p2, p0  }
0x20: {  	[sflag:s8] =	ssyncset.s32 @!p0 $0xFFFFF086;
	s6 =	sadd.s32 @!p0 s3, s7;
	s7 =	simm.s32 @!p0 $0x108  }
0x21: {  	s3 =	sadd.s32 s3, s9;
	s6 =	sadd.s32 @!p0 $0x88, s6;
	s7 =	simm.s32 @p2 $0x1082  }
0x22: {  	[simem:s7], [sflag:s8] =	dma.local @!p0 [hbm:s6], $0xF7A  }
0x23: {  	s9 =	sor.u32 $0xD0000000, s2;
	s6 =	simm.s32 $0x108;
	_ =	swait.ge @!p0 [sflag:s8], $0x0  }
0x24: {  	s3 =	sadd.s32 $0x88, s3;
	s6 =	simm.s32 @!p1 $0x1082;
	[sflag:s4] =	ssyncset.s32 $0xFFFFF086  }
0x25: {  	[simem:s6], [sflag:s4] =	dma.local [hbm:s3], $0xF7A  }
0x26: {  	[smem:$0x3F9A] =	sst s1;
	(tag) =	ssettag s2;
	_ =	strace s9  }
0x27: {  	s1 =	sld [smem:$0x3FAA]  }
0x28: {  	s2 =	sld [smem:$0x3FAB]  }
0x29: {  	s4 =	sld [smem:$0x3FAD]  }
0x2a: {  	p0 =	seq.s32 s5, $0x0;
	s5 =	sld [smem:$0x3FAE]  }
0x2b: {  	s6 =	sld [smem:$0x3FAF]  }
0x2c: {  	s7 =	sld [smem:$0x3FB0]  }
0x2d: {  	s3 =	simm.s32 $0x108;
	s8 =	sld [smem:$0x3FB1]  }
0x2e: {  	s3 =	simm.s32 @!p0 $0x1082;
	s9 =	sld [smem:$0x3FB2]  }
0x2f: {  	lr =	sadd.s32 s0, s3;
	s0 =	sld [smem:$0x3FA9]  }
0x30: {  	s3 =	sld [smem:$0x3FAC]  }
0x31: {  	[smem:$0x3FB5] =	sst s10  }
0x32: {  	s10 =	sld [smem:$0x3FB3];
	_ =	sdelay $0x3  }
0x33: {  	p0 =	seq.s32 s10, $0x1;
	s10 =	sld [smem:$0x3FB5];
	_ =	sdelay $0x3  }
0x34: {  	[smem:$0x3FB5] =	sst s10  }
0x35: {  	s10 =	sld [smem:$0x3FB4];
	_ =	sdelay $0x3  }
0x36: {  	p1 =	seq.s32 s10, $0x1;
	s10 =	sld [smem:$0x3FB5];
	_ =	sdelay $0x3  }
0x37: {  	[smem:$0x3FB5] =	sst s10  }
0x38: {  	s10 =	sld [smem:$0x3FB6]  }
0x39: {  	_ = 	snop;
	(pc) =	sbr.ind lr, $3  }
0x3a: {  	_ = 	snop  }
0x3b: {  	_ = 	snop  }
0x3c: {  	p2 =	seq.s32 s10, $0x1;
	s10 =	sld [smem:$0x3FB5]  }
0x3d: {  	_ =	shalt  }
0x3e: {  	_ =	shalt  }
0x3f: {  	_ =	shalt  }
0x40: {  	_ =	shalt  }
0x41: {  	_ =	shalt  }
0x42: {  	_ =	shalt  }
0x43: {  	_ =	shalt  }
0x44: {  	_ =	shalt  }
0x45: {  	_ =	shalt  }
0x46: {  	_ =	shalt  }
0x47: {  	_ =	shalt  }
0x48: {  	_ =	shalt  }
0x49: {  	_ =	shalt  }
0x4a: {  	_ =	shalt  }
0x4b: {  	_ =	shalt  }
0x4c: {  	_ =	shalt  }
0x4d: {  	_ =	shalt  }
0x4e: {  	_ =	shalt  }
0x4f: {  	_ =	shalt  }
0x50: {  	_ =	shalt  }
0x51: {  	_ =	shalt  }
0x52: {  	_ =	shalt  }
0x53: {  	_ =	shalt  }
0x54: {  	_ =	shalt  }
0x55: {  	_ =	shalt  }
0x56: {  	_ =	shalt  }
0x57: {  	_ =	shalt  }
0x58: {  	_ =	shalt  }
0x59: {  	_ =	shalt  }
0x5a: {  	_ =	shalt  }
0x5b: {  	_ =	shalt  }
0x5c: {  	_ =	shalt  }
0x5d: {  	_ =	shalt  }
0x5e: {  	_ =	shalt  }
0x5f: {  	_ =	shalt  }
0x60: {  	_ =	shalt  }
0x61: {  	_ =	shalt  }
0x62: {  	_ =	shalt  }
0x63: {  	_ =	shalt  }
0x64: {  	_ =	shalt  }
0x65: {  	_ =	shalt  }
0x66: {  	_ =	shalt  }
0x67: {  	_ =	shalt  }
0x68: {  	_ =	shalt  }
0x69: {  	_ =	shalt  }
0x6a: {  	_ =	shalt  }
0x6b: {  	_ =	shalt  }
0x6c: {  	_ =	shalt  }
0x6d: {  	_ =	shalt  }
0x6e: {  	_ =	shalt  }
0x6f: {  	_ =	shalt  }
0x70: {  	_ =	shalt  }
0x71: {  	_ =	shalt  }
0x72: {  	_ =	shalt  }
0x73: {  	_ =	shalt  }
0x74: {  	_ =	shalt  }
0x75: {  	_ =	shalt  }
0x76: {  	_ =	shalt  }
0x77: {  	_ =	shalt  }
0x78: {  	_ =	shalt  }
0x79: {  	_ =	shalt  }
0x7a: {  	_ =	shalt  }
0x7b: {  	_ =	shalt  }
0x7c: {  	_ =	shalt  }
0x7d: {  	_ =	shalt  }
0x7e: {  	_ =	shalt  }
0x7f: {  	_ =	shalt  }
0x80: {  	_ =	shalt  }
0x81: {  	_ =	shalt  }
0x82: {  	_ =	shalt  }
0x83: {  	_ =	shalt  }
0x84: {  	_ =	shalt  }
0x85: {  	_ =	shalt  }
0x86: {  	_ =	shalt  }
0x87: {  	_ =	shalt  }
.Lfunc_end0:
.L_simem_size_0:
called_computation.1_lowered:
.L_overlay_start_0:
0x88: {  	s2 =	sld [smem:$0x3FD9]  }
0x89: {  	s3 =	sld [smem:$0x3FFE];
	_ =	sdelay $0x1  }
0x8a: {  	s1 =	srdreg.scid  }
0x8b: {  	s0 =	sand.u32 $0x1, s1  }
0x8c: {  	s15 =	sshll.u32 s0, $0xA;
	s2 =	sadd.s32 s3, s2  }
0x8d: {  	s2 =	sadd.s32 s2, s15  }
0x8e: {  	[smem:$0x3FC1] =	sst s2  }
0x8f: {  	_ = 	snop  }
0x90: {  	s16 =	sld [smem:$0x3FD0];
	_ =	sdelay $0x2  }
0x91: {  	s4 =	simm.s32 $0xB;
	s5 =	simm.s32 $0x10;
	s2 =	sld [smem:$0x3FC7]  }
0x92: {  	[smem:s5], [sflag:s4] =	dma.local [hbm:s16], $0x1  }
0x93: {  	_ =	swait.eq [sflag:s4], $0x1  }
0x94: {  	[sflag:s4] =	ssyncset.done $0x0  }
0x95: {  	[sflag:s4] =	ssyncadd.s32 $0xFFFFFFFF  }
0x96: {  	s17 =	sld [smem:$0x11];
	(tm) =	ssettm $0x1  }
0x97: {  	s18 =	sld [smem:$0x3FFB];
	_ =	sdelay $0x3  }
0x98: {  	_ =	strace s18  }
0x99: {  	s3 =	sld [smem:$0x3FFC];
	_ =	sdelay $0x3  }
0x9a: {  	_ =	strace s3  }
0x9b: {  	s3 =	sld [smem:$0x3FFD];
	_ =	sdelay $0x3  }
0x9c: {  	_ =	strace s3  }
0x9d: {  	_ =	strace $0x8FFFFFFF  }
0x9e: {  	s19 =	sld [smem:$0x3FDB];
	_ =	sdelay $0x1  }
0x9f: {  	s20 =	simm.s32 $_scs_section_size  }
0xa0: {  	s6 =	simm.s32 $_size__tile_overlayer_lowered;
	s7 =	simm.s32 $_tile_overlayer_lowered  }
0xa1: {  	s8 =	simm.s32 $0x1BFF;
	s21 =	sshll.u32 s7, $0x1;
	s5 =	sadd.s32 s20, s19  }
0xa2: {  	s22 =	simm.s32 $0x0;
	s6 =	sshll.u32 s6, $0x1;
	s7 =	sadd.s32 s21, s5  }
0xa3: {  	[timem:s22], [sflag:s8] =	dma.local [hbm:s7], s6  }
0xa4: {  	_ =	swait.ge [sflag:s8], s6  }
0xa5: {  	s6 =	ssub.s32 $0x0, s6;
	[sflag:s8] =	ssyncset.done $0x0  }
0xa6: {  	[sflag:s8] =	ssyncadd.s32 s6;
	_ =	sdelay $0x1  }
0xa7: {  	s23 =	simm.s32 $0x1B8B  }
0xa8: {  	_ =	swait.ge [sflag:s23], $0x1  }
0xa9: {  	[sflag:s23] =	ssyncset.done $0x0  }
0xaa: {  	[sflag:s23] =	ssyncadd.s32 $0xFFFFFFFF  }
0xab: {  	s6 =	sld [smem:$0x0]  }
0xac: {  	s7 =	sand.u32 $0xFFFFFFFE, s1  }
0xad: {  	p0 =	sne.s32 s1, s7  }
0xae: {  	s7 =	sshll.u32 @p0 s7, $0xE  }
0xaf: {  	s7 =	sadd.s32 @p0 $0x11B8D, s7;
	s8 =	sshll.u32 @p0 s6, $0x11  }
0xb0: {  	s7 =	sor.u32 @p0 s8, s7  }
0xb1: {  	[sflag:s7] =	ssyncadd.remote.s32 @p0 $0x1;
	_ =	sdelay $0x1  }
0xb2: {  	s7 =	simm.s32 @p0 $0x1B8D  }
0xb3: {  	_ =	swait.eq @p0 [sflag:s7], $0x1  }
0xb4: {  	[sflag:s7] =	ssyncadd.s32 @p0 $0xFFFFFFFF  }
0xb5: {  	s8 =	sshll.u32 @!p0 s1, $0xE  }
0xb6: {  	s8 =	sor.u32 @!p0 $0x4000, s8;
	s7 =	simm.s32 @!p0 $0x1B8D  }
0xb7: {  	s6 =	sshll.u32 @!p0 s6, $0x11;
	s8 =	sadd.s32 @!p0 $0x11B8D, s8;
	_ =	swait.eq @!p0 [sflag:s7], $0x1  }
0xb8: {  	s6 =	sor.u32 @!p0 s6, s8;
	[sflag:s7] =	ssyncadd.s32 @!p0 $0xFFFFFFFF  }
0xb9: {  	s25 =	simm.s32 $0x1B8E;
	s24 =	sld [smem:$0x3FFE];
	[sflag:s6] =	ssyncadd.remote.s32 @!p0 $0x1  }
0xba: {  	s26 =	simm.s32 $execute0_lowered;
	[smem:$0x3FD2] =	sst s25  }
0xbb: {  	s7 =	sshll.u32 s26, $0x1;
	_ =	strace $0x80000049;
	[dreg:$0x1] =	wrdreg $0xFFFFFFFF  }
0xbc: {  	s28 =	simm.s32 $_size_execute0_lowered;
	s5 =	sadd.s32 s5, s7;
	[dreg:$0x0] =	wrdreg $0x0  }
0xbd: {  	s7 =	sshll.u32 s28, $0x1;
	[dreg:$0x2] =	wrdreg s5  }
0xbe: {  	[dreg:$0x3] =	wrdreg s7  }
0xbf: {  	[dreg:$0x4] =	wrdreg $0xC0  }
0xc0: {  	_ =	task [dreg:s22], $0x5FFFF  }
0xc1: {  	[dreg:$0x1] =	wrdreg $0xFFFFFFFF  }
0xc2: {  	[dreg:$0x0] =	wrdreg $0x60  }
0xc3: {  	[dreg:$0x2] =	wrdreg s17  }
0xc4: {  	[dreg:$0x3] =	wrdreg s2  }
0xc5: {  	[dreg:$0x4] =	wrdreg s24  }
0xc6: {  	[dreg:$0x5] =	wrdreg $0xA  }
0xc7: {  	_ =	task.clear_ibuf [dreg:s22], $0x6FFFF;
	_ =	strace $0x90000049  }
0xc8: {  	s29 =	simm.s32 $0xA;
	_ =	strace $0x8000004B  }
0xc9: {  	_ =	swait.ge [sflag:s29], $0x1  }
0xca: {  	[sflag:s29] =	ssyncadd.s32 $0xFFFFFFFF  }
0xcb: {  	_ =	strace $0x9000004B  }
0xcc: {  	_ =	sfence  }
0xcd: {  	s30 =	sld [smem:$0x0];
	_ =	sdelay $0x2  }
0xce: {  	s31 =	sshll.u32 s1, $0xD;
	s1 =	sshrl.u32 s1, $0x2  }
0xcf: {  	s4 =	sand.u32 $0x4000, s31;
	s1 =	sadd.s32 s1, s30  }
0xd0: {  	s0 =	sor.u32 s4, s0;
	s1 =	sshll.u32 s1, $0x11  }
0xd1: {  	s0 =	sor.u32 s1, s0  }
0xd2: {  	s0 =	sadd.s32 $0x8F2B, s0  }
0xd3: {  	[sflag:s0] =	ssyncadd.remote.s32 $0x1  }
0xd4: {  	_ =	sfence.sel $0xFFFF  }
0xd5: {  	[dreg:$0x0] =	wrdreg $0xFFFFFFFF;
	(pc) =	sbr.abs _section_cstart, $3  }
0xd6: {  	[dreg:$0x1] =	wrdreg $0xFFFFFFFF  }
0xd7: {  	_ =	task.clear_ibuf [dreg:s22], $0x2FFFF;
	_ =	strace $0x9FFFFFFF  }
0xd8: {  	(tm) =	ssettm $0x7FFFFFFF  }
0xd9: {  	_ =	shalt  }
tec
execute0_lowered:
.L_overlay_start_1:
0x0: {  	(tag) =	ssettag $0x1  }
0x1: {  	s0 =	rddreg [dreg:$0x0]  }
0x2: {  	s1 =	rddreg [dreg:$0x1]  }
0x3: {  	s2 =	rddreg [dreg:$0x2];
	s4 =	srdreg.scid;
	s3 =	simm.s32 $0x0  }
0x4: {  	s5 =	stileid.u32;
	s4 =	sand.u32 $0x1, s4;
	[smem:$0x7FF] =	sst s3  }
0x5: {  	s5 =	sshll.u32 s5, $0x7;
	s2 =	sadd.s32 $0x180E00, s2;
	s6 =	sshll.u32 s4, $0x6  }
0x6: {  	_ =	strace $0x8000004A;
	s4 =	ssub.s32 $0x2, s4;
	s5 =	sor.u32 s6, s5  }
0x7: {  	s9 =	sshrl.u32 s4, $0x1;
	s6 =	sadd.s32 s0, s5;
	s7 =	sor.u32 $0x8, s5  }
0x8: {  	s8 =	smul.u32 $0x300, s5;
	s12 =	sor.u32 $0x10, s5;
	s15 =	sor.u32 $0x18, s5  }
0x9: {  	s18 =	sor.u32 $0x20, s5;
	s21 =	sor.u32 $0x28, s5;
	s24 =	sor.u32 $0x30, s5  }
0xa: {  	s5 =	sor.u32 $0x38, s5;
	[dreg:$0x4] =	wrdreg s6;
	s10 =	sadd.s32 s0, s7  }
0xb: {  	s29 =	ssub.s32 s4, s9;
	s13 =	sadd.s32 s0, s12;
	[dreg:$0x5] =	wrdreg s10  }
0xc: {  	s4 =	sadd.s32 $0x100, s1;
	s16 =	sadd.s32 s0, s15;
	[dreg:$0x7] =	wrdreg s13  }
0xd: {  	s7 =	smul.u32 $0x300, s7;
	s19 =	sadd.s32 s0, s18;
	[dreg:$0x9] =	wrdreg s16  }
0xe: {  	s22 =	sadd.s32 s0, s21;
	s25 =	sadd.s32 s0, s24;
	[dreg:$0xb] =	wrdreg s19  }
0xf: {  	s28 =	smul.u32 $0x300, s24;
	s0 =	sadd.s32 s0, s5;
	[dreg:$0xd] =	wrdreg s22  }
0x10: {  	s5 =	smul.u32 $0x300, s5;
	s6 =	smax.u32 s29, $0x1;
	[dreg:$0xf] =	wrdreg s25  }
0x11: {  	s11 =	sadd.s32 s2, s8;
	s8 =	smul.u32 $0x300, s12;
	[dreg:$0x11] =	wrdreg s0  }
0x12: {  	s10 =	simm.s32 $0x1;
	[dreg:$0x6] =	wrdreg s11;
	s14 =	sadd.s32 s2, s7  }
0x13: {  	s12 =	simm.s32 $0x2;
	s30 =	sadd.s32 s2, s28;
	[dreg:$0x8] =	wrdreg s14  }
0x14: {  	s7 =	smul.u32 $0x300, s15;
	s31 =	sadd.s32 s2, s5;
	[dreg:$0x12] =	wrdreg s30  }
0x15: {  	s17 =	sadd.s32 s2, s8;
	s8 =	smul.u32 $0x300, s18;
	[dreg:$0x13] =	wrdreg s31  }
0x16: {  	[dreg:$0xa] =	wrdreg s17;
	s20 =	sadd.s32 s2, s7;
	s7 =	smul.u32 $0x300, s21  }
0x17: {  	v2 =	vlaneseq.u32;
	s13 =	simm.s32 $0x4;
	[dreg:$0xc] =	wrdreg s20;
	s23 =	sadd.s32 s2, s8  }
0x18: {  	vm0 =	vmmov $0xffff;
	v1 =	vshrl.u32 v2, $0x3;
	s5 =	sadd.s32 $0x200, s1;
	[dreg:$0xe] =	wrdreg s23;
	s26 =	sadd.s32 s2, s7  }
0x19: {  	v0 =	vand.u32 $0x7, v2;
	v2 =	vor.u32 $0x8, v2;
	v1 =	vmul.u32 $0x8, v1;
	s11 =	simm.s32 $0x3;
	s7 =	simm.s32 $0x5;
	[dreg:$0x10] =	wrdreg s26  }
.LBB2_1:
0x1a: {  	s14 =	rddreg [dreg:$0x4]  }
0x1b: {  	[tilespmem:s3], [sflag:$0x5] =	stream.linear.gather [hbm4b:s14+s3], $0x40, $0x38;
	[tilespmem:$0x18100] =	vst v63  }
0x1c: {  	_ =	swait.ge [sflag:s7], $0x40  }
0x1d: {  	[sflag:s7] =	ssyncset.done $0x0  }
0x1e: {  	[sflag:s7] =	ssyncadd.s32 $0xFFFFFFC0  }
0x1f: {  	v3 =	vld [tilespmem:$0x0];
	_ =	sdelay $0x4  }
0x20: {  	v4 =	vshrl.u32 v3, $0x3  }
0x21: {  	v4 =	vmul.u32 $0x30, v4  }
0x22: {  	v3 =	vand.u32 $0x7, v3  }
0x23: {  	v3 =	vor.u32 v3, v4  }
0x24: {  	v4 =	vperm.xlane v3, v0;
	_ =	sdelay $0x1  }
0x25: {  	v4 =	vadd.s32 v1, v4;
	_ =	sdelay $0x3  }
0x26: {  	s0 =	simm.s32 $0x100;
	v3 =	vperm.xlane v3, v2  }
0x27: {  	[tilespmem:s0], [sflag:$0x1] =	stream.indirect_vreg.gather [hbm4b:s1+s3], $0x80, v4, vm0, $0xb8;
	[tilespmem:$0x18100] =	vst v63  }
0x28: {  	s29 =	simm.s32 $0x900;
	v3 =	vadd.s32 v1, v3  }
0x29: {  	[tilespmem:s29], [sflag:$0x1] =	stream.indirect_vreg.gather [hbm4b:s4+s3], $0x80, v4, vm0, $0xb8;
	[tilespmem:$0x18100] =	vst v63  }
0x2a: {  	s30 =	simm.s32 $0x1100  }
0x2b: {  	[tilespmem:s30], [sflag:$0x1] =	stream.indirect_vreg.gather [hbm4b:s5+s3], $0x80, v4, vm0, $0xb8;
	[tilespmem:$0x18100] =	vst v63  }
0x2c: {  	s31 =	simm.s32 $0x1900  }
0x2d: {  	[tilespmem:s31], [sflag:$0x1] =	stream.indirect_vreg.gather [hbm4b:s1+s3], $0x80, v3, vm0, $0xb8;
	[tilespmem:$0x18100] =	vst v63  }
0x2e: {  	s2 =	simm.s32 $0x2100  }
0x2f: {  	[tilespmem:s2], [sflag:$0x1] =	stream.indirect_vreg.gather [hbm4b:s4+s3], $0x80, v3, vm0, $0xb8;
	[tilespmem:$0x18100] =	vst v63  }
0x30: {  	s8 =	simm.s32 $0x2900  }
0x31: {  	[tilespmem:s8], [sflag:$0x1] =	stream.indirect_vreg.gather [hbm4b:s5+s3], $0x80, v3, vm0, $0xb8;
	[tilespmem:$0x18100] =	vst v63  }
0x32: {  	v3 =	vld [tilespmem:$0x10];
	_ =	sdelay $0x4  }
0x33: {  	v33 =	vshrl.u32 v3, $0x3  }
0x34: {  	v4 =	vmul.u32 $0x30, v33  }
0x35: {  	v3 =	vand.u32 $0x7, v3  }
0x36: {  	v3 =	vor.u32 v3, v4  }
0x37: {  	v4 =	vperm.xlane v3, v0;
	_ =	sdelay $0x1  }
0x38: {  	v4 =	vadd.s32 v1, v4;
	_ =	sdelay $0x3  }
0x39: {  	s9 =	simm.s32 $0x3100;
	v3 =	vperm.xlane v3, v2  }
0x3a: {  	[tilespmem:s9], [sflag:$0x1] =	stream.indirect_vreg.gather [hbm4b:s1+s3], $0x80, v4, vm0, $0xb8;
	[tilespmem:$0x18100] =	vst v63  }
0x3b: {  	s14 =	simm.s32 $0x3900;
	v3 =	vadd.s32 v1, v3  }
0x3c: {  	[tilespmem:s14], [sflag:$0x1] =	stream.indirect_vreg.gather [hbm4b:s4+s3], $0x80, v4, vm0, $0xb8;
	[tilespmem:$0x18100] =	vst v63  }
0x3d: {  	s17 =	simm.s32 $0x4100  }
0x3e: {  	[tilespmem:s17], [sflag:$0x1] =	stream.indirect_vreg.gather [hbm4b:s5+s3], $0x80, v4, vm0, $0xb8;
	[tilespmem:$0x18100] =	vst v63  }
0x3f: {  	s18 =	simm.s32 $0x4900  }
0x40: {  	[tilespmem:s18], [sflag:$0x1] =	stream.indirect_vreg.gather [hbm4b:s1+s3], $0x80, v3, vm0, $0xb8;
	[tilespmem:$0x18100] =	vst v63  }
0x41: {  	s19 =	simm.s32 $0x5100  }
0x42: {  	[tilespmem:s19], [sflag:$0x1] =	stream.indirect_vreg.gather [hbm4b:s4+s3], $0x80, v3, vm0, $0xb8;
	[tilespmem:$0x18100] =	vst v63  }
0x43: {  	s20 =	simm.s32 $0x5900  }
0x44: {  	[tilespmem:s20], [sflag:$0x1] =	stream.indirect_vreg.gather [hbm4b:s5+s3], $0x80, v3, vm0, $0xb8;
	[tilespmem:$0x18100] =	vst v63  }
0x45: {  	v3 =	vld [tilespmem:$0x20];
	_ =	sdelay $0x4  }
0x46: {  	v34 =	vshrl.u32 v3, $0x3  }
0x47: {  	v4 =	vmul.u32 $0x30, v34  }
0x48: {  	v3 =	vand.u32 $0x7, v3  }
0x49: {  	v3 =	vor.u32 v3, v4  }
0x4a: {  	v4 =	vperm.xlane v3, v0;
	_ =	sdelay $0x1  }
0x4b: {  	v4 =	vadd.s32 v1, v4;
	_ =	sdelay $0x3  }
0x4c: {  	s21 =	simm.s32 $0x6100;
	v3 =	vperm.xlane v3, v2  }
0x4d: {  	[tilespmem:s21], [sflag:$0x1] =	stream.indirect_vreg.gather [hbm4b:s1+s3], $0x80, v4, vm0, $0xb8;
	[tilespmem:$0x18100] =	vst v63  }
0x4e: {  	s22 =	simm.s32 $0x6900;
	v3 =	vadd.s32 v1, v3  }
0x4f: {  	[tilespmem:s22], [sflag:$0x1] =	stream.indirect_vreg.gather [hbm4b:s4+s3], $0x80, v4, vm0, $0xb8;
	[tilespmem:$0x18100] =	vst v63  }
0x50: {  	s23 =	simm.s32 $0x7100  }
0x51: {  	[tilespmem:s23], [sflag:$0x1] =	stream.indirect_vreg.gather [hbm4b:s5+s3], $0x80, v4, vm0, $0xb8;
	[tilespmem:$0x18100] =	vst v63  }
0x52: {  	s24 =	simm.s32 $0x7900  }
0x53: {  	[tilespmem:s24], [sflag:$0x1] =	stream.indirect_vreg.gather [hbm4b:s1+s3], $0x80, v3, vm0, $0xb8;
	[tilespmem:$0x18100] =	vst v63  }
0x54: {  	s25 =	simm.s32 $0x8100  }
0x55: {  	[tilespmem:s25], [sflag:$0x1] =	stream.indirect_vreg.gather [hbm4b:s4+s3], $0x80, v3, vm0, $0xb8;
	[tilespmem:$0x18100] =	vst v63  }
0x56: {  	s26 =	simm.s32 $0x8900  }
0x57: {  	[tilespmem:s26], [sflag:$0x1] =	stream.indirect_vreg.gather [hbm4b:s5+s3], $0x80, v3, vm0, $0xb8;
	[tilespmem:$0x18100] =	vst v63  }
0x58: {  	v3 =	vld [tilespmem:$0x30];
	_ =	sdelay $0x4  }
0x59: {  	v35 =	vshrl.u32 v3, $0x3  }
0x5a: {  	v4 =	vmul.u32 $0x30, v35  }
0x5b: {  	v3 =	vand.u32 $0x7, v3  }
0x5c: {  	v3 =	vor.u32 v3, v4  }
0x5d: {  	v4 =	vperm.xlane v3, v0;
	_ =	sdelay $0x1  }
0x5e: {  	v4 =	vadd.s32 v1, v4;
	_ =	sdelay $0x3  }
0x5f: {  	s28 =	simm.s32 $0x9100;
	v3 =	vperm.xlane v3, v2  }
0x60: {  	[tilespmem:s28], [sflag:$0x1] =	stream.indirect_vreg.gather [hbm4b:s1+s3], $0x80, v4, vm0, $0xb8;
	[tilespmem:$0x18100] =	vst v63  }
0x61: {  	s29 =	simm.s32 $0x9900;
	v3 =	vadd.s32 v1, v3  }
0x62: {  	[tilespmem:s29], [sflag:$0x1] =	stream.indirect_vreg.gather [hbm4b:s4+s3], $0x80, v4, vm0, $0xb8;
	[tilespmem:$0x18100] =	vst v63  }
0x63: {  	s30 =	simm.s32 $0xA100  }
0x64: {  	[tilespmem:s30], [sflag:$0x1] =	stream.indirect_vreg.gather [hbm4b:s5+s3], $0x80, v4, vm0, $0xb8;
	[tilespmem:$0x18100] =	vst v63  }
0x65: {  	s31 =	simm.s32 $0xA900  }
0x66: {  	[tilespmem:s31], [sflag:$0x1] =	stream.indirect_vreg.gather [hbm4b:s1+s3], $0x80, v3, vm0, $0xb8;
	[tilespmem:$0x18100] =	vst v63  }
0x67: {  	s2 =	simm.s32 $0xB100  }
0x68: {  	[tilespmem:s2], [sflag:$0x1] =	stream.indirect_vreg.gather [hbm4b:s4+s3], $0x80, v3, vm0, $0xb8;
	[tilespmem:$0x18100] =	vst v63  }
0x69: {  	s9 =	simm.s32 $0xB900  }
0x6a: {  	[tilespmem:s9], [sflag:$0x1] =	stream.indirect_vreg.gather [hbm4b:s5+s3], $0x80, v3, vm0, $0xb8;
	[tilespmem:$0x18100] =	vst v63  }
0x6b: {  	s8 =	rddreg [dreg:$0x5];
	s2 =	simm.s32 $0x80  }
0x6c: {  	[tilespmem:s2], [sflag:$0x5] =	stream.linear.gather [hbm4b:s8+s3], $0x40, $0x38;
	[tilespmem:$0x18100] =	vst v63  }
0x6d: {  	_ =	swait.ge [sflag:s7], $0x40  }
0x6e: {  	[sflag:s7] =	ssyncset.done $0x0  }
0x6f: {  	[sflag:s7] =	ssyncadd.s32 $0xFFFFFFC0  }
0x70: {  	v3 =	vld [tilespmem:$0x80];
	_ =	sdelay $0x4  }
0x71: {  	v36 =	vshrl.u32 v3, $0x3  }
0x72: {  	v4 =	vmul.u32 $0x30, v36  }
0x73: {  	v3 =	vand.u32 $0x7, v3  }
0x74: {  	v3 =	vor.u32 v3, v4  }
0x75: {  	v4 =	vperm.xlane v3, v0;
	_ =	sdelay $0x1  }
0x76: {  	v4 =	vadd.s32 v1, v4;
	_ =	sdelay $0x3  }
0x77: {  	s19 =	simm.s32 $0xC100;
	v3 =	vperm.xlane v3, v2  }
0x78: {  	[tilespmem:s19], [sflag:$0x2] =	stream.indirect_vreg.gather [hbm4b:s1+s3], $0x80, v4, vm0, $0xb8;
	[tilespmem:$0x18100] =	vst v63  }
0x79: {  	s20 =	simm.s32 $0xC900;
	v3 =	vadd.s32 v1, v3  }
0x7a: {  	[tilespmem:s20], [sflag:$0x2] =	stream.indirect_vreg.gather [hbm4b:s4+s3], $0x80, v4, vm0, $0xb8;
	[tilespmem:$0x18100] =	vst v63  }
0x7b: {  	s21 =	simm.s32 $0xD100  }
0x7c: {  	[tilespmem:s21], [sflag:$0x2] =	stream.indirect_vreg.gather [hbm4b:s5+s3], $0x80, v4, vm0, $0xb8;
	[tilespmem:$0x18100] =	vst v63  }
0x7d: {  	s22 =	simm.s32 $0xD900  }
0x7e: {  	[tilespmem:s22], [sflag:$0x2] =	stream.indirect_vreg.gather [hbm4b:s1+s3], $0x80, v3, vm0, $0xb8;
	[tilespmem:$0x18100] =	vst v63  }
0x7f: {  	s23 =	simm.s32 $0xE100  }
0x80: {  	[tilespmem:s23], [sflag:$0x2] =	stream.indirect_vreg.gather [hbm4b:s4+s3], $0x80, v3, vm0, $0xb8;
	[tilespmem:$0x18100] =	vst v63  }
0x81: {  	s24 =	simm.s32 $0xE900  }
0x82: {  	[tilespmem:s24], [sflag:$0x2] =	stream.indirect_vreg.gather [hbm4b:s5+s3], $0x80, v3, vm0, $0xb8;
	[tilespmem:$0x18100] =	vst v63  }
0x83: {  	v3 =	vld [tilespmem:$0x90];
	_ =	sdelay $0x4  }
0x84: {  	v37 =	vshrl.u32 v3, $0x3  }
0x85: {  	v4 =	vmul.u32 $0x30, v37  }
0x86: {  	v3 =	vand.u32 $0x7, v3  }
0x87: {  	v3 =	vor.u32 v3, v4  }
0x88: {  	v4 =	vperm.xlane v3, v0;
	_ =	sdelay $0x1  }
0x89: {  	v4 =	vadd.s32 v1, v4;
	_ =	sdelay $0x3  }
0x8a: {  	s25 =	simm.s32 $0xF100;
	v3 =	vperm.xlane v3, v2  }
0x8b: {  	[tilespmem:s25], [sflag:$0x2] =	stream.indirect_vreg.gather [hbm4b:s1+s3], $0x80, v4, vm0, $0xb8;
	[tilespmem:$0x18100] =	vst v63  }
0x8c: {  	s26 =	simm.s32 $0xF900;
	v3 =	vadd.s32 v1, v3  }
0x8d: {  	[tilespmem:s26], [sflag:$0x2] =	stream.indirect_vreg.gather [hbm4b:s4+s3], $0x80, v4, vm0, $0xb8;
	[tilespmem:$0x18100] =	vst v63  }
0x8e: {  	s28 =	simm.s32 $0x10100  }
0x8f: {  	[tilespmem:s28], [sflag:$0x2] =	stream.indirect_vreg.gather [hbm4b:s5+s3], $0x80, v4, vm0, $0xb8;
	[tilespmem:$0x18100] =	vst v63  }
0x90: {  	s29 =	simm.s32 $0x10900  }
0x91: {  	[tilespmem:s29], [sflag:$0x2] =	stream.indirect_vreg.gather [hbm4b:s1+s3], $0x80, v3, vm0, $0xb8;
	[tilespmem:$0x18100] =	vst v63  }
0x92: {  	s30 =	simm.s32 $0x11100  }
0x93: {  	[tilespmem:s30], [sflag:$0x2] =	stream.indirect_vreg.gather [hbm4b:s4+s3], $0x80, v3, vm0, $0xb8;
	[tilespmem:$0x18100] =	vst v63  }
0x94: {  	s31 =	simm.s32 $0x11900  }
0x95: {  	[tilespmem:s31], [sflag:$0x2] =	stream.indirect_vreg.gather [hbm4b:s5+s3], $0x80, v3, vm0, $0xb8;
	[tilespmem:$0x18100] =	vst v63  }
0x96: {  	v3 =	vld [tilespmem:$0xA0];
	_ =	sdelay $0x4  }
0x97: {  	v38 =	vshrl.u32 v3, $0x3  }
0x98: {  	v4 =	vmul.u32 $0x30, v38  }
0x99: {  	v3 =	vand.u32 $0x7, v3  }
0x9a: {  	v3 =	vor.u32 v3, v4  }
0x9b: {  	v4 =	vperm.xlane v3, v0;
	_ =	sdelay $0x1  }
0x9c: {  	v4 =	vadd.s32 v1, v4;
	_ =	sdelay $0x3  }
0x9d: {  	s0 =	simm.s32 $0x12100;
	v3 =	vperm.xlane v3, v2  }
0x9e: {  	[tilespmem:s0], [sflag:$0x2] =	stream.indirect_vreg.gather [hbm4b:s1+s3], $0x80, v4, vm0, $0xb8;
	[tilespmem:$0x18100] =	vst v63  }
0x9f: {  	s2 =	simm.s32 $0x12900;
	v3 =	vadd.s32 v1, v3  }
0xa0: {  	[tilespmem:s2], [sflag:$0x2] =	stream.indirect_vreg.gather [hbm4b:s4+s3], $0x80, v4, vm0, $0xb8;
	[tilespmem:$0x18100] =	vst v63  }
0xa1: {  	s8 =	simm.s32 $0x13100  }
0xa2: {  	[tilespmem:s8], [sflag:$0x2] =	stream.indirect_vreg.gather [hbm4b:s5+s3], $0x80, v4, vm0, $0xb8;
	[tilespmem:$0x18100] =	vst v63  }
0xa3: {  	s9 =	simm.s32 $0x13900  }
0xa4: {  	[tilespmem:s9], [sflag:$0x2] =	stream.indirect_vreg.gather [hbm4b:s1+s3], $0x80, v3, vm0, $0xb8;
	[tilespmem:$0x18100] =	vst v63  }
0xa5: {  	s19 =	simm.s32 $0x14100  }
0xa6: {  	[tilespmem:s19], [sflag:$0x2] =	stream.indirect_vreg.gather [hbm4b:s4+s3], $0x80, v3, vm0, $0xb8;
	[tilespmem:$0x18100] =	vst v63  }
0xa7: {  	s20 =	simm.s32 $0x14900  }
0xa8: {  	[tilespmem:s20], [sflag:$0x2] =	stream.indirect_vreg.gather [hbm4b:s5+s3], $0x80, v3, vm0, $0xb8;
	[tilespmem:$0x18100] =	vst v63  }
0xa9: {  	v3 =	vld [tilespmem:$0xB0];
	_ =	sdelay $0x4  }
0xaa: {  	v39 =	vshrl.u32 v3, $0x3  }
0xab: {  	v4 =	vmul.u32 $0x30, v39  }
0xac: {  	v3 =	vand.u32 $0x7, v3  }
0xad: {  	v3 =	vor.u32 v3, v4  }
0xae: {  	v4 =	vperm.xlane v3, v0;
	_ =	sdelay $0x1  }
0xaf: {  	v4 =	vadd.s32 v1, v4;
	_ =	sdelay $0x3  }
0xb0: {  	s21 =	simm.s32 $0x15100;
	v3 =	vperm.xlane v3, v2  }
0xb1: {  	[tilespmem:s21], [sflag:$0x2] =	stream.indirect_vreg.gather [hbm4b:s1+s3], $0x80, v4, vm0, $0xb8;
	[tilespmem:$0x18100] =	vst v63  }
0xb2: {  	s22 =	simm.s32 $0x15900;
	v3 =	vadd.s32 v1, v3  }
0xb3: {  	[tilespmem:s22], [sflag:$0x2] =	stream.indirect_vreg.gather [hbm4b:s4+s3], $0x80, v4, vm0, $0xb8;
	[tilespmem:$0x18100] =	vst v63  }
0xb4: {  	s23 =	simm.s32 $0x16100  }
0xb5: {  	[tilespmem:s23], [sflag:$0x2] =	stream.indirect_vreg.gather [hbm4b:s5+s3], $0x80, v4, vm0, $0xb8;
	[tilespmem:$0x18100] =	vst v63  }
0xb6: {  	s24 =	simm.s32 $0x16900  }
0xb7: {  	[tilespmem:s24], [sflag:$0x2] =	stream.indirect_vreg.gather [hbm4b:s1+s3], $0x80, v3, vm0, $0xb8;
	[tilespmem:$0x18100] =	vst v63  }
0xb8: {  	s25 =	simm.s32 $0x17100  }
0xb9: {  	[tilespmem:s25], [sflag:$0x2] =	stream.indirect_vreg.gather [hbm4b:s4+s3], $0x80, v3, vm0, $0xb8;
	[tilespmem:$0x18100] =	vst v63  }
0xba: {  	s26 =	simm.s32 $0x17900  }
0xbb: {  	[tilespmem:s26], [sflag:$0x2] =	stream.indirect_vreg.gather [hbm4b:s5+s3], $0x80, v3, vm0, $0xb8;
	[tilespmem:$0x18100] =	vst v63  }
0xbc: {  	_ =	swait.ge [sflag:s10], $0xC000  }
0xbd: {  	[sflag:s10] =	ssyncset.done $0x0  }
0xbe: {  	s29 =	simm.s32 $0x100;
	s28 =	rddreg [dreg:$0x6];
	[sflag:s10] =	ssyncadd.s32 $0xFFFF4000  }
0xbf: {  	[hbm4b:s28+s3] =	stream.linear.scatter [tilespmem:s29], [sflag:$0x3], $0xC000, $0x38;
	[tilespmem:$0x18100] =	vst v63  }
0xc0: {  	_ =	swait.ge [sflag:s11], $0xC000  }
0xc1: {  	[sflag:s11] =	ssyncset.done $0x0  }
0xc2: {  	s30 =	rddreg [dreg:$0x7];
	[sflag:s11] =	ssyncadd.s32 $0xFFFF4000  }
0xc3: {  	[tilespmem:s3], [sflag:$0x5] =	stream.linear.gather [hbm4b:s30+s3], $0x40, $0x38;
	[tilespmem:$0x18100] =	vst v63  }
0xc4: {  	_ =	swait.ge [sflag:s7], $0x40  }
0xc5: {  	[sflag:s7] =	ssyncset.done $0x0  }
0xc6: {  	[sflag:s7] =	ssyncadd.s32 $0xFFFFFFC0  }
0xc7: {  	v3 =	vld [tilespmem:$0x0];
	_ =	sdelay $0x4  }
0xc8: {  	v40 =	vshrl.u32 v3, $0x3  }
0xc9: {  	v4 =	vmul.u32 $0x30, v40  }
0xca: {  	v3 =	vand.u32 $0x7, v3  }
0xcb: {  	v3 =	vor.u32 v3, v4  }
0xcc: {  	v4 =	vperm.xlane v3, v0;
	_ =	sdelay $0x1  }
0xcd: {  	v4 =	vadd.s32 v1, v4;
	_ =	sdelay $0x3  }
0xce: {  	v3 =	vperm.xlane v3, v2  }
0xcf: {  	[tilespmem:s29], [sflag:$0x1] =	stream.indirect_vreg.gather [hbm4b:s1+s3], $0x80, v4, vm0, $0xb8;
	[tilespmem:$0x18100] =	vst v63  }
0xd0: {  	s31 =	simm.s32 $0x900;
	v3 =	vadd.s32 v1, v3  }
0xd1: {  	[tilespmem:s31], [sflag:$0x1] =	stream.indirect_vreg.gather [hbm4b:s4+s3], $0x80, v4, vm0, $0xb8;
	[tilespmem:$0x18100] =	vst v63  }
0xd2: {  	s8 =	simm.s32 $0x1100  }
0xd3: {  	[tilespmem:s8], [sflag:$0x1] =	stream.indirect_vreg.gather [hbm4b:s5+s3], $0x80, v4, vm0, $0xb8;
	[tilespmem:$0x18100] =	vst v63  }
0xd4: {  	s22 =	simm.s32 $0x1900  }
0xd5: {  	[tilespmem:s22], [sflag:$0x1] =	stream.indirect_vreg.gather [hbm4b:s1+s3], $0x80, v3, vm0, $0xb8;
	[tilespmem:$0x18100] =	vst v63  }
0xd6: {  	s23 =	simm.s32 $0x2100  }
0xd7: {  	[tilespmem:s23], [sflag:$0x1] =	stream.indirect_vreg.gather [hbm4b:s4+s3], $0x80, v3, vm0, $0xb8;
	[tilespmem:$0x18100] =	vst v63  }
0xd8: {  	s15 =	simm.s32 $0x2900  }
0xd9: {  	[tilespmem:s15], [sflag:$0x1] =	stream.indirect_vreg.gather [hbm4b:s5+s3], $0x80, v3, vm0, $0xb8;
	[tilespmem:$0x18100] =	vst v63  }
0xda: {  	v3 =	vld [tilespmem:$0x10];
	_ =	sdelay $0x4  }
0xdb: {  	v41 =	vshrl.u32 v3, $0x3  }
0xdc: {  	v4 =	vmul.u32 $0x30, v41  }
0xdd: {  	v3 =	vand.u32 $0x7, v3  }
0xde: {  	v3 =	vor.u32 v3, v4  }
0xdf: {  	v4 =	vperm.xlane v3, v0;
	_ =	sdelay $0x1  }
0xe0: {  	v4 =	vadd.s32 v1, v4;
	_ =	sdelay $0x3  }
0xe1: {  	s16 =	simm.s32 $0x3100;
	v3 =	vperm.xlane v3, v2  }
0xe2: {  	[tilespmem:s16], [sflag:$0x1] =	stream.indirect_vreg.gather [hbm4b:s1+s3], $0x80, v4, vm0, $0xb8;
	[tilespmem:$0x18100] =	vst v63  }
0xe3: {  	s24 =	simm.s32 $0x3900;
	v3 =	vadd.s32 v1, v3  }
0xe4: {  	[tilespmem:s24], [sflag:$0x1] =	stream.indirect_vreg.gather [hbm4b:s4+s3], $0x80, v4, vm0, $0xb8;
	[tilespmem:$0x18100] =	vst v63  }
0xe5: {  	s25 =	simm.s32 $0x4100  }
0xe6: {  	[tilespmem:s25], [sflag:$0x1] =	stream.indirect_vreg.gather [hbm4b:s5+s3], $0x80, v4, vm0, $0xb8;
	[tilespmem:$0x18100] =	vst v63  }
0xe7: {  	s26 =	simm.s32 $0x4900  }
0xe8: {  	[tilespmem:s26], [sflag:$0x1] =	stream.indirect_vreg.gather [hbm4b:s1+s3], $0x80, v3, vm0, $0xb8;
	[tilespmem:$0x18100] =	vst v63  }
0xe9: {  	s28 =	simm.s32 $0x5100  }
0xea: {  	[tilespmem:s28], [sflag:$0x1] =	stream.indirect_vreg.gather [hbm4b:s4+s3], $0x80, v3, vm0, $0xb8;
	[tilespmem:$0x18100] =	vst v63  }
0xeb: {  	s17 =	simm.s32 $0x5900  }
0xec: {  	[tilespmem:s17], [sflag:$0x1] =	stream.indirect_vreg.gather [hbm4b:s5+s3], $0x80, v3, vm0, $0xb8;
	[tilespmem:$0x18100] =	vst v63  }
0xed: {  	v3 =	vld [tilespmem:$0x20];
	_ =	sdelay $0x4  }
0xee: {  	v42 =	vshrl.u32 v3, $0x3  }
0xef: {  	v4 =	vmul.u32 $0x30, v42  }
0xf0: {  	v3 =	vand.u32 $0x7, v3  }
0xf1: {  	v3 =	vor.u32 v3, v4  }
0xf2: {  	v4 =	vperm.xlane v3, v0;
	_ =	sdelay $0x1  }
0xf3: {  	v4 =	vadd.s32 v1, v4;
	_ =	sdelay $0x3  }
0xf4: {  	s18 =	simm.s32 $0x6100;
	v3 =	vperm.xlane v3, v2  }
0xf5: {  	[tilespmem:s18], [sflag:$0x1] =	stream.indirect_vreg.gather [hbm4b:s1+s3], $0x80, v4, vm0, $0xb8;
	[tilespmem:$0x18100] =	vst v63  }
0xf6: {  	s29 =	simm.s32 $0x6900;
	v3 =	vadd.s32 v1, v3  }
0xf7: {  	[tilespmem:s29], [sflag:$0x1] =	stream.indirect_vreg.gather [hbm4b:s4+s3], $0x80, v4, vm0, $0xb8;
	[tilespmem:$0x18100] =	vst v63  }
0xf8: {  	s30 =	simm.s32 $0x7100  }
0xf9: {  	[tilespmem:s30], [sflag:$0x1] =	stream.indirect_vreg.gather [hbm4b:s5+s3], $0x80, v4, vm0, $0xb8;
	[tilespmem:$0x18100] =	vst v63  }
0xfa: {  	s31 =	simm.s32 $0x7900  }
0xfb: {  	[tilespmem:s31], [sflag:$0x1] =	stream.indirect_vreg.gather [hbm4b:s1+s3], $0x80, v3, vm0, $0xb8;
	[tilespmem:$0x18100] =	vst v63  }
0xfc: {  	s15 =	simm.s32 $0x8100  }
0xfd: {  	[tilespmem:s15], [sflag:$0x1] =	stream.indirect_vreg.gather [hbm4b:s4+s3], $0x80, v3, vm0, $0xb8;
	[tilespmem:$0x18100] =	vst v63  }
0xfe: {  	s19 =	simm.s32 $0x8900  }
0xff: {  	[tilespmem:s19], [sflag:$0x1] =	stream.indirect_vreg.gather [hbm4b:s5+s3], $0x80, v3, vm0, $0xb8;
	[tilespmem:$0x18100] =	vst v63  }
0x100: {  	v3 =	vld [tilespmem:$0x30];
	_ =	sdelay $0x4  }
0x101: {  	v43 =	vshrl.u32 v3, $0x3  }
0x102: {  	v4 =	vmul.u32 $0x30, v43  }
0x103: {  	v3 =	vand.u32 $0x7, v3  }
0x104: {  	v3 =	vor.u32 v3, v4  }
0x105: {  	v4 =	vperm.xlane v3, v0;
	_ =	sdelay $0x1  }
0x106: {  	v4 =	vadd.s32 v1, v4;
	_ =	sdelay $0x3  }
0x107: {  	s20 =	simm.s32 $0x9100;
	v3 =	vperm.xlane v3, v2  }
0x108: {  	[tilespmem:s20], [sflag:$0x1] =	stream.indirect_vreg.gather [hbm4b:s1+s3], $0x80, v4, vm0, $0xb8;
	[tilespmem:$0x18100] =	vst v63  }
0x109: {  	s16 =	simm.s32 $0x9900;
	v3 =	vadd.s32 v1, v3  }
0x10a: {  	[tilespmem:s16], [sflag:$0x1] =	stream.indirect_vreg.gather [hbm4b:s4+s3], $0x80, v4, vm0, $0xb8;
	[tilespmem:$0x18100] =	vst v63  }
0x10b: {  	s17 =	simm.s32 $0xA100  }
0x10c: {  	[tilespmem:s17], [sflag:$0x1] =	stream.indirect_vreg.gather [hbm4b:s5+s3], $0x80, v4, vm0, $0xb8;
	[tilespmem:$0x18100] =	vst v63  }
0x10d: {  	s18 =	simm.s32 $0xA900  }
0x10e: {  	[tilespmem:s18], [sflag:$0x1] =	stream.indirect_vreg.gather [hbm4b:s1+s3], $0x80, v3, vm0, $0xb8;
	[tilespmem:$0x18100] =	vst v63  }
0x10f: {  	s21 =	simm.s32 $0xB100  }
0x110: {  	[tilespmem:s21], [sflag:$0x1] =	stream.indirect_vreg.gather [hbm4b:s4+s3], $0x80, v3, vm0, $0xb8;
	[tilespmem:$0x18100] =	vst v63  }
0x111: {  	s9 =	simm.s32 $0xB900  }
0x112: {  	[tilespmem:s9], [sflag:$0x1] =	stream.indirect_vreg.gather [hbm4b:s5+s3], $0x80, v3, vm0, $0xb8;
	[tilespmem:$0x18100] =	vst v63  }
0x113: {  	_ =	swait.ge [sflag:s12], $0xC000  }
0x114: {  	[sflag:s12] =	ssyncset.done $0x0  }
0x115: {  	s0 =	simm.s32 $0xC100;
	s2 =	rddreg [dreg:$0x8];
	[sflag:s12] =	ssyncadd.s32 $0xFFFF4000  }
0x116: {  	[hbm4b:s2+s3] =	stream.linear.scatter [tilespmem:s0], [sflag:$0x4], $0xC000, $0x38;
	[tilespmem:$0x18100] =	vst v63  }
0x117: {  	_ =	swait.ge [sflag:s13], $0xC000  }
0x118: {  	[sflag:s13] =	ssyncset.done $0x0  }
0x119: {  	s2 =	simm.s32 $0x80;
	s14 =	rddreg [dreg:$0x9];
	[sflag:s13] =	ssyncadd.s32 $0xFFFF4000  }
0x11a: {  	[tilespmem:s2], [sflag:$0x5] =	stream.linear.gather [hbm4b:s14+s3], $0x40, $0x38;
	[tilespmem:$0x18100] =	vst v63  }
0x11b: {  	_ =	swait.ge [sflag:s7], $0x40  }
0x11c: {  	[sflag:s7] =	ssyncset.done $0x0  }
0x11d: {  	[sflag:s7] =	ssyncadd.s32 $0xFFFFFFC0  }
0x11e: {  	v3 =	vld [tilespmem:$0x80];
	_ =	sdelay $0x4  }
0x11f: {  	v44 =	vshrl.u32 v3, $0x3  }
0x120: {  	v4 =	vmul.u32 $0x30, v44  }
0x121: {  	v3 =	vand.u32 $0x7, v3  }
0x122: {  	v3 =	vor.u32 v3, v4  }
0x123: {  	v4 =	vperm.xlane v3, v0;
	_ =	sdelay $0x1  }
0x124: {  	v4 =	vadd.s32 v1, v4;
	_ =	sdelay $0x3  }
0x125: {  	v3 =	vperm.xlane v3, v2  }
0x126: {  	[tilespmem:s0], [sflag:$0x2] =	stream.indirect_vreg.gather [hbm4b:s1+s3], $0x80, v4, vm0, $0xb8;
	[tilespmem:$0x18100] =	vst v63  }
0x127: {  	s14 =	simm.s32 $0xC900;
	v3 =	vadd.s32 v1, v3  }
0x128: {  	[tilespmem:s14], [sflag:$0x2] =	stream.indirect_vreg.gather [hbm4b:s4+s3], $0x80, v4, vm0, $0xb8;
	[tilespmem:$0x18100] =	vst v63  }
0x129: {  	s14 =	simm.s32 $0xD100  }
0x12a: {  	[tilespmem:s14], [sflag:$0x2] =	stream.indirect_vreg.gather [hbm4b:s5+s3], $0x80, v4, vm0, $0xb8;
	[tilespmem:$0x18100] =	vst v63  }
0x12b: {  	s14 =	simm.s32 $0xD900  }
0x12c: {  	[tilespmem:s14], [sflag:$0x2] =	stream.indirect_vreg.gather [hbm4b:s1+s3], $0x80, v3, vm0, $0xb8;
	[tilespmem:$0x18100] =	vst v63  }
0x12d: {  	s14 =	simm.s32 $0xE100  }
0x12e: {  	[tilespmem:s14], [sflag:$0x2] =	stream.indirect_vreg.gather [hbm4b:s4+s3], $0x80, v3, vm0, $0xb8;
	[tilespmem:$0x18100] =	vst v63  }
0x12f: {  	s14 =	simm.s32 $0xE900  }
0x130: {  	[tilespmem:s14], [sflag:$0x2] =	stream.indirect_vreg.gather [hbm4b:s5+s3], $0x80, v3, vm0, $0xb8;
	[tilespmem:$0x18100] =	vst v63  }
0x131: {  	v3 =	vld [tilespmem:$0x90];
	_ =	sdelay $0x4  }
0x132: {  	v45 =	vshrl.u32 v3, $0x3  }
0x133: {  	v4 =	vmul.u32 $0x30, v45  }
0x134: {  	v3 =	vand.u32 $0x7, v3  }
0x135: {  	v3 =	vor.u32 v3, v4  }
0x136: {  	v4 =	vperm.xlane v3, v0;
	_ =	sdelay $0x1  }
0x137: {  	v4 =	vadd.s32 v1, v4;
	_ =	sdelay $0x3  }
0x138: {  	s14 =	simm.s32 $0xF100;
	v3 =	vperm.xlane v3, v2  }
0x139: {  	[tilespmem:s14], [sflag:$0x2] =	stream.indirect_vreg.gather [hbm4b:s1+s3], $0x80, v4, vm0, $0xb8;
	[tilespmem:$0x18100] =	vst v63  }
0x13a: {  	v3 =	vadd.s32 v1, v3;
	s14 =	simm.s32 $0xF900  }
0x13b: {  	[tilespmem:s14], [sflag:$0x2] =	stream.indirect_vreg.gather [hbm4b:s4+s3], $0x80, v4, vm0, $0xb8;
	[tilespmem:$0x18100] =	vst v63  }
0x13c: {  	s14 =	simm.s32 $0x10100  }
0x13d: {  	[tilespmem:s14], [sflag:$0x2] =	stream.indirect_vreg.gather [hbm4b:s5+s3], $0x80, v4, vm0, $0xb8;
	[tilespmem:$0x18100] =	vst v63  }
0x13e: {  	s14 =	simm.s32 $0x10900  }
0x13f: {  	[tilespmem:s14], [sflag:$0x2] =	stream.indirect_vreg.gather [hbm4b:s1+s3], $0x80, v3, vm0, $0xb8;
	[tilespmem:$0x18100] =	vst v63  }
0x140: {  	s14 =	simm.s32 $0x11100  }
0x141: {  	[tilespmem:s14], [sflag:$0x2] =	stream.indirect_vreg.gather [hbm4b:s4+s3], $0x80, v3, vm0, $0xb8;
	[tilespmem:$0x18100] =	vst v63  }
0x142: {  	s14 =	simm.s32 $0x11900  }
0x143: {  	[tilespmem:s14], [sflag:$0x2] =	stream.indirect_vreg.gather [hbm4b:s5+s3], $0x80, v3, vm0, $0xb8;
	[tilespmem:$0x18100] =	vst v63  }
0x144: {  	v3 =	vld [tilespmem:$0xA0];
	_ =	sdelay $0x4  }
0x145: {  	v46 =	vshrl.u32 v3, $0x3  }
0x146: {  	v4 =	vmul.u32 $0x30, v46  }
0x147: {  	v3 =	vand.u32 $0x7, v3  }
0x148: {  	v3 =	vor.u32 v3, v4  }
0x149: {  	v4 =	vperm.xlane v3, v0;
	_ =	sdelay $0x1  }
0x14a: {  	v4 =	vadd.s32 v1, v4;
	_ =	sdelay $0x3  }
0x14b: {  	s14 =	simm.s32 $0x12100;
	v3 =	vperm.xlane v3, v2  }
0x14c: {  	[tilespmem:s14], [sflag:$0x2] =	stream.indirect_vreg.gather [hbm4b:s1+s3], $0x80, v4, vm0, $0xb8;
	[tilespmem:$0x18100] =	vst v63  }
0x14d: {  	v3 =	vadd.s32 v1, v3;
	s14 =	simm.s32 $0x12900  }
0x14e: {  	[tilespmem:s14], [sflag:$0x2] =	stream.indirect_vreg.gather [hbm4b:s4+s3], $0x80, v4, vm0, $0xb8;
	[tilespmem:$0x18100] =	vst v63  }
0x14f: {  	s14 =	simm.s32 $0x13100  }
0x150: {  	[tilespmem:s14], [sflag:$0x2] =	stream.indirect_vreg.gather [hbm4b:s5+s3], $0x80, v4, vm0, $0xb8;
	[tilespmem:$0x18100] =	vst v63  }
0x151: {  	s14 =	simm.s32 $0x13900  }
0x152: {  	[tilespmem:s14], [sflag:$0x2] =	stream.indirect_vreg.gather [hbm4b:s1+s3], $0x80, v3, vm0, $0xb8;
	[tilespmem:$0x18100] =	vst v63  }
0x153: {  	s14 =	simm.s32 $0x14100  }
0x154: {  	[tilespmem:s14], [sflag:$0x2] =	stream.indirect_vreg.gather [hbm4b:s4+s3], $0x80, v3, vm0, $0xb8;
	[tilespmem:$0x18100] =	vst v63  }
0x155: {  	s14 =	simm.s32 $0x14900  }
0x156: {  	[tilespmem:s14], [sflag:$0x2] =	stream.indirect_vreg.gather [hbm4b:s5+s3], $0x80, v3, vm0, $0xb8;
	[tilespmem:$0x18100] =	vst v63  }
0x157: {  	v3 =	vld [tilespmem:$0xB0];
	_ =	sdelay $0x4  }
0x158: {  	v47 =	vshrl.u32 v3, $0x3  }
0x159: {  	v4 =	vmul.u32 $0x30, v47  }
0x15a: {  	v3 =	vand.u32 $0x7, v3  }
0x15b: {  	v3 =	vor.u32 v3, v4  }
0x15c: {  	v4 =	vperm.xlane v3, v0;
	_ =	sdelay $0x1  }
0x15d: {  	v4 =	vadd.s32 v1, v4;
	_ =	sdelay $0x3  }
0x15e: {  	s14 =	simm.s32 $0x15100;
	v3 =	vperm.xlane v3, v2  }
0x15f: {  	[tilespmem:s14], [sflag:$0x2] =	stream.indirect_vreg.gather [hbm4b:s1+s3], $0x80, v4, vm0, $0xb8;
	[tilespmem:$0x18100] =	vst v63  }
0x160: {  	v3 =	vadd.s32 v1, v3;
	s14 =	simm.s32 $0x15900  }
0x161: {  	[tilespmem:s14], [sflag:$0x2] =	stream.indirect_vreg.gather [hbm4b:s4+s3], $0x80, v4, vm0, $0xb8;
	[tilespmem:$0x18100] =	vst v63  }
0x162: {  	s14 =	simm.s32 $0x16100  }
0x163: {  	[tilespmem:s14], [sflag:$0x2] =	stream.indirect_vreg.gather [hbm4b:s5+s3], $0x80, v4, vm0, $0xb8;
	[tilespmem:$0x18100] =	vst v63  }
0x164: {  	s14 =	simm.s32 $0x16900  }
0x165: {  	[tilespmem:s14], [sflag:$0x2] =	stream.indirect_vreg.gather [hbm4b:s1+s3], $0x80, v3, vm0, $0xb8;
	[tilespmem:$0x18100] =	vst v63  }
0x166: {  	s14 =	simm.s32 $0x17100  }
0x167: {  	[tilespmem:s14], [sflag:$0x2] =	stream.indirect_vreg.gather [hbm4b:s4+s3], $0x80, v3, vm0, $0xb8;
	[tilespmem:$0x18100] =	vst v63  }
0x168: {  	s14 =	simm.s32 $0x17900  }
0x169: {  	[tilespmem:s14], [sflag:$0x2] =	stream.indirect_vreg.gather [hbm4b:s5+s3], $0x80, v3, vm0, $0xb8;
	[tilespmem:$0x18100] =	vst v63  }
0x16a: {  	_ =	swait.ge [sflag:s10], $0xC000  }
0x16b: {  	[sflag:s10] =	ssyncset.done $0x0  }
0x16c: {  	s0 =	simm.s32 $0x100;
	s14 =	rddreg [dreg:$0xa];
	[sflag:s10] =	ssyncadd.s32 $0xFFFF4000  }
0x16d: {  	[hbm4b:s14+s3] =	stream.linear.scatter [tilespmem:s0], [sflag:$0x3], $0xC000, $0x38;
	[tilespmem:$0x18100] =	vst v63  }
0x16e: {  	_ =	swait.ge [sflag:s11], $0xC000  }
0x16f: {  	[sflag:s11] =	ssyncset.done $0x0  }
0x170: {  	s14 =	rddreg [dreg:$0xb];
	[sflag:s11] =	ssyncadd.s32 $0xFFFF4000  }
0x171: {  	[tilespmem:s3], [sflag:$0x5] =	stream.linear.gather [hbm4b:s14+s3], $0x40, $0x38;
	[tilespmem:$0x18100] =	vst v63  }
0x172: {  	_ =	swait.ge [sflag:s7], $0x40  }
0x173: {  	[sflag:s7] =	ssyncset.done $0x0  }
0x174: {  	[sflag:s7] =	ssyncadd.s32 $0xFFFFFFC0  }
0x175: {  	v3 =	vld [tilespmem:$0x0];
	_ =	sdelay $0x4  }
0x176: {  	v48 =	vshrl.u32 v3, $0x3  }
0x177: {  	v4 =	vmul.u32 $0x30, v48  }
0x178: {  	v3 =	vand.u32 $0x7, v3  }
0x179: {  	v3 =	vor.u32 v3, v4  }
0x17a: {  	v4 =	vperm.xlane v3, v0;
	_ =	sdelay $0x1  }
0x17b: {  	v4 =	vadd.s32 v1, v4;
	_ =	sdelay $0x3  }
0x17c: {  	v3 =	vperm.xlane v3, v2  }
0x17d: {  	[tilespmem:s0], [sflag:$0x1] =	stream.indirect_vreg.gather [hbm4b:s1+s3], $0x80, v4, vm0, $0xb8;
	[tilespmem:$0x18100] =	vst v63  }
0x17e: {  	s14 =	simm.s32 $0x900;
	v3 =	vadd.s32 v1, v3  }
0x17f: {  	[tilespmem:s14], [sflag:$0x1] =	stream.indirect_vreg.gather [hbm4b:s4+s3], $0x80, v4, vm0, $0xb8;
	[tilespmem:$0x18100] =	vst v63  }
0x180: {  	_ = 	snop  }
0x181: {  	[tilespmem:s8], [sflag:$0x1] =	stream.indirect_vreg.gather [hbm4b:s5+s3], $0x80, v4, vm0, $0xb8;
	[tilespmem:$0x18100] =	vst v63  }
0x182: {  	_ = 	snop  }
0x183: {  	[tilespmem:s22], [sflag:$0x1] =	stream.indirect_vreg.gather [hbm4b:s1+s3], $0x80, v3, vm0, $0xb8;
	[tilespmem:$0x18100] =	vst v63  }
0x184: {  	_ = 	snop  }
0x185: {  	[tilespmem:s23], [sflag:$0x1] =	stream.indirect_vreg.gather [hbm4b:s4+s3], $0x80, v3, vm0, $0xb8;
	[tilespmem:$0x18100] =	vst v63  }
0x186: {  	s23 =	simm.s32 $0x2900  }
0x187: {  	[tilespmem:s23], [sflag:$0x1] =	stream.indirect_vreg.gather [hbm4b:s5+s3], $0x80, v3, vm0, $0xb8;
	[tilespmem:$0x18100] =	vst v63  }
0x188: {  	v3 =	vld [tilespmem:$0x10];
	_ =	sdelay $0x4  }
0x189: {  	v49 =	vshrl.u32 v3, $0x3  }
0x18a: {  	v4 =	vmul.u32 $0x30, v49  }
0x18b: {  	v3 =	vand.u32 $0x7, v3  }
0x18c: {  	v3 =	vor.u32 v3, v4  }
0x18d: {  	v4 =	vperm.xlane v3, v0;
	_ =	sdelay $0x1  }
0x18e: {  	v4 =	vadd.s32 v1, v4;
	_ =	sdelay $0x3  }
0x18f: {  	s8 =	simm.s32 $0x3100;
	v3 =	vperm.xlane v3, v2  }
0x190: {  	[tilespmem:s8], [sflag:$0x1] =	stream.indirect_vreg.gather [hbm4b:s1+s3], $0x80, v4, vm0, $0xb8;
	[tilespmem:$0x18100] =	vst v63  }
0x191: {  	v3 =	vadd.s32 v1, v3  }
0x192: {  	[tilespmem:s24], [sflag:$0x1] =	stream.indirect_vreg.gather [hbm4b:s4+s3], $0x80, v4, vm0, $0xb8;
	[tilespmem:$0x18100] =	vst v63  }
0x193: {  	_ = 	snop  }
0x194: {  	[tilespmem:s25], [sflag:$0x1] =	stream.indirect_vreg.gather [hbm4b:s5+s3], $0x80, v4, vm0, $0xb8;
	[tilespmem:$0x18100] =	vst v63  }
0x195: {  	_ = 	snop  }
0x196: {  	[tilespmem:s26], [sflag:$0x1] =	stream.indirect_vreg.gather [hbm4b:s1+s3], $0x80, v3, vm0, $0xb8;
	[tilespmem:$0x18100] =	vst v63  }
0x197: {  	_ = 	snop  }
0x198: {  	[tilespmem:s28], [sflag:$0x1] =	stream.indirect_vreg.gather [hbm4b:s4+s3], $0x80, v3, vm0, $0xb8;
	[tilespmem:$0x18100] =	vst v63  }
0x199: {  	s14 =	simm.s32 $0x5900  }
0x19a: {  	[tilespmem:s14], [sflag:$0x1] =	stream.indirect_vreg.gather [hbm4b:s5+s3], $0x80, v3, vm0, $0xb8;
	[tilespmem:$0x18100] =	vst v63  }
0x19b: {  	v3 =	vld [tilespmem:$0x20];
	_ =	sdelay $0x4  }
0x19c: {  	v50 =	vshrl.u32 v3, $0x3  }
0x19d: {  	v4 =	vmul.u32 $0x30, v50  }
0x19e: {  	v3 =	vand.u32 $0x7, v3  }
0x19f: {  	v3 =	vor.u32 v3, v4  }
0x1a0: {  	v4 =	vperm.xlane v3, v0;
	_ =	sdelay $0x1  }
0x1a1: {  	v4 =	vadd.s32 v1, v4;
	_ =	sdelay $0x3  }
0x1a2: {  	s28 =	simm.s32 $0x6100;
	v3 =	vperm.xlane v3, v2  }
0x1a3: {  	[tilespmem:s28], [sflag:$0x1] =	stream.indirect_vreg.gather [hbm4b:s1+s3], $0x80, v4, vm0, $0xb8;
	[tilespmem:$0x18100] =	vst v63  }
0x1a4: {  	v3 =	vadd.s32 v1, v3  }
0x1a5: {  	[tilespmem:s29], [sflag:$0x1] =	stream.indirect_vreg.gather [hbm4b:s4+s3], $0x80, v4, vm0, $0xb8;
	[tilespmem:$0x18100] =	vst v63  }
0x1a6: {  	_ = 	snop  }
0x1a7: {  	[tilespmem:s30], [sflag:$0x1] =	stream.indirect_vreg.gather [hbm4b:s5+s3], $0x80, v4, vm0, $0xb8;
	[tilespmem:$0x18100] =	vst v63  }
0x1a8: {  	_ = 	snop  }
0x1a9: {  	[tilespmem:s31], [sflag:$0x1] =	stream.indirect_vreg.gather [hbm4b:s1+s3], $0x80, v3, vm0, $0xb8;
	[tilespmem:$0x18100] =	vst v63  }
0x1aa: {  	_ = 	snop  }
0x1ab: {  	[tilespmem:s15], [sflag:$0x1] =	stream.indirect_vreg.gather [hbm4b:s4+s3], $0x80, v3, vm0, $0xb8;
	[tilespmem:$0x18100] =	vst v63  }
0x1ac: {  	_ = 	snop  }
0x1ad: {  	[tilespmem:s19], [sflag:$0x1] =	stream.indirect_vreg.gather [hbm4b:s5+s3], $0x80, v3, vm0, $0xb8;
	[tilespmem:$0x18100] =	vst v63  }
0x1ae: {  	v3 =	vld [tilespmem:$0x30];
	_ =	sdelay $0x4  }
0x1af: {  	v51 =	vshrl.u32 v3, $0x3  }
0x1b0: {  	v4 =	vmul.u32 $0x30, v51  }
0x1b1: {  	v3 =	vand.u32 $0x7, v3  }
0x1b2: {  	v3 =	vor.u32 v3, v4  }
0x1b3: {  	v4 =	vperm.xlane v3, v0;
	_ =	sdelay $0x1  }
0x1b4: {  	v4 =	vadd.s32 v1, v4;
	_ =	sdelay $0x3  }
0x1b5: {  	v3 =	vperm.xlane v3, v2  }
0x1b6: {  	[tilespmem:s20], [sflag:$0x1] =	stream.indirect_vreg.gather [hbm4b:s1+s3], $0x80, v4, vm0, $0xb8;
	[tilespmem:$0x18100] =	vst v63  }
0x1b7: {  	v3 =	vadd.s32 v1, v3  }
0x1b8: {  	[tilespmem:s16], [sflag:$0x1] =	stream.indirect_vreg.gather [hbm4b:s4+s3], $0x80, v4, vm0, $0xb8;
	[tilespmem:$0x18100] =	vst v63  }
0x1b9: {  	_ = 	snop  }
0x1ba: {  	[tilespmem:s17], [sflag:$0x1] =	stream.indirect_vreg.gather [hbm4b:s5+s3], $0x80, v4, vm0, $0xb8;
	[tilespmem:$0x18100] =	vst v63  }
0x1bb: {  	_ = 	snop  }
0x1bc: {  	[tilespmem:s18], [sflag:$0x1] =	stream.indirect_vreg.gather [hbm4b:s1+s3], $0x80, v3, vm0, $0xb8;
	[tilespmem:$0x18100] =	vst v63  }
0x1bd: {  	_ = 	snop  }
0x1be: {  	[tilespmem:s21], [sflag:$0x1] =	stream.indirect_vreg.gather [hbm4b:s4+s3], $0x80, v3, vm0, $0xb8;
	[tilespmem:$0x18100] =	vst v63  }
0x1bf: {  	_ = 	snop  }
0x1c0: {  	[tilespmem:s9], [sflag:$0x1] =	stream.indirect_vreg.gather [hbm4b:s5+s3], $0x80, v3, vm0, $0xb8;
	[tilespmem:$0x18100] =	vst v63  }
0x1c1: {  	_ =	swait.ge [sflag:s12], $0xC000  }
0x1c2: {  	[sflag:s12] =	ssyncset.done $0x0  }
0x1c3: {  	s2 =	simm.s32 $0xC100;
	s31 =	rddreg [dreg:$0xc];
	[sflag:s12] =	ssyncadd.s32 $0xFFFF4000  }
0x1c4: {  	[hbm4b:s31+s3] =	stream.linear.scatter [tilespmem:s2], [sflag:$0x4], $0xC000, $0x38;
	[tilespmem:$0x18100] =	vst v63  }
0x1c5: {  	_ =	swait.ge [sflag:s13], $0xC000  }
0x1c6: {  	[sflag:s13] =	ssyncset.done $0x0  }
0x1c7: {  	s8 =	simm.s32 $0x80;
	s0 =	rddreg [dreg:$0xd];
	[sflag:s13] =	ssyncadd.s32 $0xFFFF4000  }
0x1c8: {  	[tilespmem:s8], [sflag:$0x5] =	stream.linear.gather [hbm4b:s0+s3], $0x40, $0x38;
	[tilespmem:$0x18100] =	vst v63  }
0x1c9: {  	_ =	swait.ge [sflag:s7], $0x40  }
0x1ca: {  	[sflag:s7] =	ssyncset.done $0x0  }
0x1cb: {  	[sflag:s7] =	ssyncadd.s32 $0xFFFFFFC0  }
0x1cc: {  	v3 =	vld [tilespmem:$0x80];
	_ =	sdelay $0x4  }
0x1cd: {  	v52 =	vshrl.u32 v3, $0x3  }
0x1ce: {  	v4 =	vmul.u32 $0x30, v52  }
0x1cf: {  	v3 =	vand.u32 $0x7, v3  }
0x1d0: {  	v3 =	vor.u32 v3, v4  }
0x1d1: {  	v4 =	vperm.xlane v3, v0;
	_ =	sdelay $0x1  }
0x1d2: {  	v4 =	vadd.s32 v1, v4;
	_ =	sdelay $0x3  }
0x1d3: {  	v3 =	vperm.xlane v3, v2  }
0x1d4: {  	[tilespmem:s2], [sflag:$0x2] =	stream.indirect_vreg.gather [hbm4b:s1+s3], $0x80, v4, vm0, $0xb8;
	[tilespmem:$0x18100] =	vst v63  }
0x1d5: {  	s31 =	simm.s32 $0xC900;
	v3 =	vadd.s32 v1, v3  }
0x1d6: {  	[tilespmem:s31], [sflag:$0x2] =	stream.indirect_vreg.gather [hbm4b:s4+s3], $0x80, v4, vm0, $0xb8;
	[tilespmem:$0x18100] =	vst v63  }
0x1d7: {  	s8 =	simm.s32 $0xD100  }
0x1d8: {  	[tilespmem:s8], [sflag:$0x2] =	stream.indirect_vreg.gather [hbm4b:s5+s3], $0x80, v4, vm0, $0xb8;
	[tilespmem:$0x18100] =	vst v63  }
0x1d9: {  	s14 =	simm.s32 $0xD900  }
0x1da: {  	[tilespmem:s14], [sflag:$0x2] =	stream.indirect_vreg.gather [hbm4b:s1+s3], $0x80, v3, vm0, $0xb8;
	[tilespmem:$0x18100] =	vst v63  }
0x1db: {  	s8 =	simm.s32 $0xE100  }
0x1dc: {  	[tilespmem:s8], [sflag:$0x2] =	stream.indirect_vreg.gather [hbm4b:s4+s3], $0x80, v3, vm0, $0xb8;
	[tilespmem:$0x18100] =	vst v63  }
0x1dd: {  	s14 =	simm.s32 $0xE900  }
0x1de: {  	[tilespmem:s14], [sflag:$0x2] =	stream.indirect_vreg.gather [hbm4b:s5+s3], $0x80, v3, vm0, $0xb8;
	[tilespmem:$0x18100] =	vst v63  }
0x1df: {  	v3 =	vld [tilespmem:$0x90];
	_ =	sdelay $0x4  }
0x1e0: {  	v53 =	vshrl.u32 v3, $0x3  }
0x1e1: {  	v4 =	vmul.u32 $0x30, v53  }
0x1e2: {  	v3 =	vand.u32 $0x7, v3  }
0x1e3: {  	v3 =	vor.u32 v3, v4  }
0x1e4: {  	v4 =	vperm.xlane v3, v0;
	_ =	sdelay $0x1  }
0x1e5: {  	v4 =	vadd.s32 v1, v4;
	_ =	sdelay $0x3  }
0x1e6: {  	s8 =	simm.s32 $0xF100;
	v3 =	vperm.xlane v3, v2  }
0x1e7: {  	[tilespmem:s8], [sflag:$0x2] =	stream.indirect_vreg.gather [hbm4b:s1+s3], $0x80, v4, vm0, $0xb8;
	[tilespmem:$0x18100] =	vst v63  }
0x1e8: {  	s14 =	simm.s32 $0xF900;
	v3 =	vadd.s32 v1, v3  }
0x1e9: {  	[tilespmem:s14], [sflag:$0x2] =	stream.indirect_vreg.gather [hbm4b:s4+s3], $0x80, v4, vm0, $0xb8;
	[tilespmem:$0x18100] =	vst v63  }
0x1ea: {  	s8 =	simm.s32 $0x10100  }
0x1eb: {  	[tilespmem:s8], [sflag:$0x2] =	stream.indirect_vreg.gather [hbm4b:s5+s3], $0x80, v4, vm0, $0xb8;
	[tilespmem:$0x18100] =	vst v63  }
0x1ec: {  	s14 =	simm.s32 $0x10900  }
0x1ed: {  	[tilespmem:s14], [sflag:$0x2] =	stream.indirect_vreg.gather [hbm4b:s1+s3], $0x80, v3, vm0, $0xb8;
	[tilespmem:$0x18100] =	vst v63  }
0x1ee: {  	s8 =	simm.s32 $0x11100  }
0x1ef: {  	[tilespmem:s8], [sflag:$0x2] =	stream.indirect_vreg.gather [hbm4b:s4+s3], $0x80, v3, vm0, $0xb8;
	[tilespmem:$0x18100] =	vst v63  }
0x1f0: {  	s14 =	simm.s32 $0x11900  }
0x1f1: {  	[tilespmem:s14], [sflag:$0x2] =	stream.indirect_vreg.gather [hbm4b:s5+s3], $0x80, v3, vm0, $0xb8;
	[tilespmem:$0x18100] =	vst v63  }
0x1f2: {  	v3 =	vld [tilespmem:$0xA0];
	_ =	sdelay $0x4  }
0x1f3: {  	v54 =	vshrl.u32 v3, $0x3  }
0x1f4: {  	v4 =	vmul.u32 $0x30, v54  }
0x1f5: {  	v3 =	vand.u32 $0x7, v3  }
0x1f6: {  	v3 =	vor.u32 v3, v4  }
0x1f7: {  	v4 =	vperm.xlane v3, v0;
	_ =	sdelay $0x1  }
0x1f8: {  	v4 =	vadd.s32 v1, v4;
	_ =	sdelay $0x3  }
0x1f9: {  	s8 =	simm.s32 $0x12100;
	v3 =	vperm.xlane v3, v2  }
0x1fa: {  	[tilespmem:s8], [sflag:$0x2] =	stream.indirect_vreg.gather [hbm4b:s1+s3], $0x80, v4, vm0, $0xb8;
	[tilespmem:$0x18100] =	vst v63  }
0x1fb: {  	s14 =	simm.s32 $0x12900;
	v3 =	vadd.s32 v1, v3  }
0x1fc: {  	[tilespmem:s14], [sflag:$0x2] =	stream.indirect_vreg.gather [hbm4b:s4+s3], $0x80, v4, vm0, $0xb8;
	[tilespmem:$0x18100] =	vst v63  }
0x1fd: {  	s8 =	simm.s32 $0x13100  }
0x1fe: {  	[tilespmem:s8], [sflag:$0x2] =	stream.indirect_vreg.gather [hbm4b:s5+s3], $0x80, v4, vm0, $0xb8;
	[tilespmem:$0x18100] =	vst v63  }
0x1ff: {  	s14 =	simm.s32 $0x13900  }
0x200: {  	[tilespmem:s14], [sflag:$0x2] =	stream.indirect_vreg.gather [hbm4b:s1+s3], $0x80, v3, vm0, $0xb8;
	[tilespmem:$0x18100] =	vst v63  }
0x201: {  	s8 =	simm.s32 $0x14100  }
0x202: {  	[tilespmem:s8], [sflag:$0x2] =	stream.indirect_vreg.gather [hbm4b:s4+s3], $0x80, v3, vm0, $0xb8;
	[tilespmem:$0x18100] =	vst v63  }
0x203: {  	s14 =	simm.s32 $0x14900  }
0x204: {  	[tilespmem:s14], [sflag:$0x2] =	stream.indirect_vreg.gather [hbm4b:s5+s3], $0x80, v3, vm0, $0xb8;
	[tilespmem:$0x18100] =	vst v63  }
0x205: {  	v3 =	vld [tilespmem:$0xB0];
	_ =	sdelay $0x4  }
0x206: {  	v55 =	vshrl.u32 v3, $0x3  }
0x207: {  	v4 =	vmul.u32 $0x30, v55  }
0x208: {  	v3 =	vand.u32 $0x7, v3  }
0x209: {  	v3 =	vor.u32 v3, v4  }
0x20a: {  	v4 =	vperm.xlane v3, v0;
	_ =	sdelay $0x1  }
0x20b: {  	v4 =	vadd.s32 v1, v4;
	_ =	sdelay $0x3  }
0x20c: {  	s8 =	simm.s32 $0x15100;
	v3 =	vperm.xlane v3, v2  }
0x20d: {  	[tilespmem:s8], [sflag:$0x2] =	stream.indirect_vreg.gather [hbm4b:s1+s3], $0x80, v4, vm0, $0xb8;
	[tilespmem:$0x18100] =	vst v63  }
0x20e: {  	s14 =	simm.s32 $0x15900;
	v3 =	vadd.s32 v1, v3  }
0x20f: {  	[tilespmem:s14], [sflag:$0x2] =	stream.indirect_vreg.gather [hbm4b:s4+s3], $0x80, v4, vm0, $0xb8;
	[tilespmem:$0x18100] =	vst v63  }
0x210: {  	s8 =	simm.s32 $0x16100  }
0x211: {  	[tilespmem:s8], [sflag:$0x2] =	stream.indirect_vreg.gather [hbm4b:s5+s3], $0x80, v4, vm0, $0xb8;
	[tilespmem:$0x18100] =	vst v63  }
0x212: {  	s14 =	simm.s32 $0x16900  }
0x213: {  	[tilespmem:s14], [sflag:$0x2] =	stream.indirect_vreg.gather [hbm4b:s1+s3], $0x80, v3, vm0, $0xb8;
	[tilespmem:$0x18100] =	vst v63  }
0x214: {  	s8 =	simm.s32 $0x17100  }
0x215: {  	[tilespmem:s8], [sflag:$0x2] =	stream.indirect_vreg.gather [hbm4b:s4+s3], $0x80, v3, vm0, $0xb8;
	[tilespmem:$0x18100] =	vst v63  }
0x216: {  	s14 =	simm.s32 $0x17900  }
0x217: {  	[tilespmem:s14], [sflag:$0x2] =	stream.indirect_vreg.gather [hbm4b:s5+s3], $0x80, v3, vm0, $0xb8;
	[tilespmem:$0x18100] =	vst v63  }
0x218: {  	_ =	swait.ge [sflag:s10], $0xC000  }
0x219: {  	[sflag:s10] =	ssyncset.done $0x0  }
0x21a: {  	s2 =	simm.s32 $0x100;
	s8 =	rddreg [dreg:$0xe];
	[sflag:s10] =	ssyncadd.s32 $0xFFFF4000  }
0x21b: {  	[hbm4b:s8+s3] =	stream.linear.scatter [tilespmem:s2], [sflag:$0x3], $0xC000, $0x38;
	[tilespmem:$0x18100] =	vst v63  }
0x21c: {  	_ =	swait.ge [sflag:s11], $0xC000  }
0x21d: {  	[sflag:s11] =	ssyncset.done $0x0  }
0x21e: {  	s8 =	rddreg [dreg:$0xf];
	[sflag:s11] =	ssyncadd.s32 $0xFFFF4000  }
0x21f: {  	[tilespmem:s3], [sflag:$0x5] =	stream.linear.gather [hbm4b:s8+s3], $0x40, $0x38;
	[tilespmem:$0x18100] =	vst v63  }
0x220: {  	_ =	swait.ge [sflag:s7], $0x40  }
0x221: {  	[sflag:s7] =	ssyncset.done $0x0  }
0x222: {  	[sflag:s7] =	ssyncadd.s32 $0xFFFFFFC0  }
0x223: {  	v3 =	vld [tilespmem:$0x0];
	_ =	sdelay $0x4  }
0x224: {  	v56 =	vshrl.u32 v3, $0x3  }
0x225: {  	v4 =	vmul.u32 $0x30, v56  }
0x226: {  	v3 =	vand.u32 $0x7, v3  }
0x227: {  	v3 =	vor.u32 v3, v4  }
0x228: {  	v4 =	vperm.xlane v3, v0;
	_ =	sdelay $0x1  }
0x229: {  	v4 =	vadd.s32 v1, v4;
	_ =	sdelay $0x3  }
0x22a: {  	v3 =	vperm.xlane v3, v2  }
0x22b: {  	[tilespmem:s2], [sflag:$0x1] =	stream.indirect_vreg.gather [hbm4b:s1+s3], $0x80, v4, vm0, $0xb8;
	[tilespmem:$0x18100] =	vst v63  }
0x22c: {  	s14 =	simm.s32 $0x900;
	v3 =	vadd.s32 v1, v3  }
0x22d: {  	[tilespmem:s14], [sflag:$0x1] =	stream.indirect_vreg.gather [hbm4b:s4+s3], $0x80, v4, vm0, $0xb8;
	[tilespmem:$0x18100] =	vst v63  }
0x22e: {  	s14 =	simm.s32 $0x1100  }
0x22f: {  	[tilespmem:s14], [sflag:$0x1] =	stream.indirect_vreg.gather [hbm4b:s5+s3], $0x80, v4, vm0, $0xb8;
	[tilespmem:$0x18100] =	vst v63  }
0x230: {  	s14 =	simm.s32 $0x1900  }
0x231: {  	[tilespmem:s14], [sflag:$0x1] =	stream.indirect_vreg.gather [hbm4b:s1+s3], $0x80, v3, vm0, $0xb8;
	[tilespmem:$0x18100] =	vst v63  }
0x232: {  	s22 =	simm.s32 $0x2100  }
0x233: {  	[tilespmem:s22], [sflag:$0x1] =	stream.indirect_vreg.gather [hbm4b:s4+s3], $0x80, v3, vm0, $0xb8;
	[tilespmem:$0x18100] =	vst v63  }
0x234: {  	s14 =	simm.s32 $0x2900  }
0x235: {  	[tilespmem:s14], [sflag:$0x1] =	stream.indirect_vreg.gather [hbm4b:s5+s3], $0x80, v3, vm0, $0xb8;
	[tilespmem:$0x18100] =	vst v63  }
0x236: {  	v3 =	vld [tilespmem:$0x10];
	_ =	sdelay $0x4  }
0x237: {  	v57 =	vshrl.u32 v3, $0x3  }
0x238: {  	v4 =	vmul.u32 $0x30, v57  }
0x239: {  	v3 =	vand.u32 $0x7, v3  }
0x23a: {  	v3 =	vor.u32 v3, v4  }
0x23b: {  	v4 =	vperm.xlane v3, v0;
	_ =	sdelay $0x1  }
0x23c: {  	v4 =	vadd.s32 v1, v4;
	_ =	sdelay $0x3  }
0x23d: {  	s22 =	simm.s32 $0x3100;
	v3 =	vperm.xlane v3, v2  }
0x23e: {  	[tilespmem:s22], [sflag:$0x1] =	stream.indirect_vreg.gather [hbm4b:s1+s3], $0x80, v4, vm0, $0xb8;
	[tilespmem:$0x18100] =	vst v63  }
0x23f: {  	s23 =	simm.s32 $0x3900;
	v3 =	vadd.s32 v1, v3  }
0x240: {  	[tilespmem:s23], [sflag:$0x1] =	stream.indirect_vreg.gather [hbm4b:s4+s3], $0x80, v4, vm0, $0xb8;
	[tilespmem:$0x18100] =	vst v63  }
0x241: {  	s24 =	simm.s32 $0x4100  }
0x242: {  	[tilespmem:s24], [sflag:$0x1] =	stream.indirect_vreg.gather [hbm4b:s5+s3], $0x80, v4, vm0, $0xb8;
	[tilespmem:$0x18100] =	vst v63  }
0x243: {  	s25 =	simm.s32 $0x4900  }
0x244: {  	[tilespmem:s25], [sflag:$0x1] =	stream.indirect_vreg.gather [hbm4b:s1+s3], $0x80, v3, vm0, $0xb8;
	[tilespmem:$0x18100] =	vst v63  }
0x245: {  	s26 =	simm.s32 $0x5100  }
0x246: {  	[tilespmem:s26], [sflag:$0x1] =	stream.indirect_vreg.gather [hbm4b:s4+s3], $0x80, v3, vm0, $0xb8;
	[tilespmem:$0x18100] =	vst v63  }
0x247: {  	s26 =	simm.s32 $0x5900  }
0x248: {  	[tilespmem:s26], [sflag:$0x1] =	stream.indirect_vreg.gather [hbm4b:s5+s3], $0x80, v3, vm0, $0xb8;
	[tilespmem:$0x18100] =	vst v63  }
0x249: {  	v3 =	vld [tilespmem:$0x20];
	_ =	sdelay $0x4  }
0x24a: {  	v58 =	vshrl.u32 v3, $0x3  }
0x24b: {  	v4 =	vmul.u32 $0x30, v58  }
0x24c: {  	v3 =	vand.u32 $0x7, v3  }
0x24d: {  	v3 =	vor.u32 v3, v4  }
0x24e: {  	v4 =	vperm.xlane v3, v0;
	_ =	sdelay $0x1  }
0x24f: {  	v4 =	vadd.s32 v1, v4;
	_ =	sdelay $0x3  }
0x250: {  	s14 =	simm.s32 $0x6100;
	v3 =	vperm.xlane v3, v2  }
0x251: {  	[tilespmem:s14], [sflag:$0x1] =	stream.indirect_vreg.gather [hbm4b:s1+s3], $0x80, v4, vm0, $0xb8;
	[tilespmem:$0x18100] =	vst v63  }
0x252: {  	s28 =	simm.s32 $0x6900;
	v3 =	vadd.s32 v1, v3  }
0x253: {  	[tilespmem:s28], [sflag:$0x1] =	stream.indirect_vreg.gather [hbm4b:s4+s3], $0x80, v4, vm0, $0xb8;
	[tilespmem:$0x18100] =	vst v63  }
0x254: {  	s29 =	simm.s32 $0x7100  }
0x255: {  	[tilespmem:s29], [sflag:$0x1] =	stream.indirect_vreg.gather [hbm4b:s5+s3], $0x80, v4, vm0, $0xb8;
	[tilespmem:$0x18100] =	vst v63  }
0x256: {  	s30 =	simm.s32 $0x7900  }
0x257: {  	[tilespmem:s30], [sflag:$0x1] =	stream.indirect_vreg.gather [hbm4b:s1+s3], $0x80, v3, vm0, $0xb8;
	[tilespmem:$0x18100] =	vst v63  }
0x258: {  	s15 =	simm.s32 $0x8100  }
0x259: {  	[tilespmem:s15], [sflag:$0x1] =	stream.indirect_vreg.gather [hbm4b:s4+s3], $0x80, v3, vm0, $0xb8;
	[tilespmem:$0x18100] =	vst v63  }
0x25a: {  	s19 =	simm.s32 $0x8900  }
0x25b: {  	[tilespmem:s19], [sflag:$0x1] =	stream.indirect_vreg.gather [hbm4b:s5+s3], $0x80, v3, vm0, $0xb8;
	[tilespmem:$0x18100] =	vst v63  }
0x25c: {  	v3 =	vld [tilespmem:$0x30];
	_ =	sdelay $0x4  }
0x25d: {  	v59 =	vshrl.u32 v3, $0x3  }
0x25e: {  	v4 =	vmul.u32 $0x30, v59  }
0x25f: {  	v3 =	vand.u32 $0x7, v3  }
0x260: {  	v3 =	vor.u32 v3, v4  }
0x261: {  	v4 =	vperm.xlane v3, v0;
	_ =	sdelay $0x1  }
0x262: {  	v4 =	vadd.s32 v1, v4;
	_ =	sdelay $0x3  }
0x263: {  	s20 =	simm.s32 $0x9100;
	v3 =	vperm.xlane v3, v2  }
0x264: {  	[tilespmem:s20], [sflag:$0x1] =	stream.indirect_vreg.gather [hbm4b:s1+s3], $0x80, v4, vm0, $0xb8;
	[tilespmem:$0x18100] =	vst v63  }
0x265: {  	s16 =	simm.s32 $0x9900;
	v3 =	vadd.s32 v1, v3  }
0x266: {  	[tilespmem:s16], [sflag:$0x1] =	stream.indirect_vreg.gather [hbm4b:s4+s3], $0x80, v4, vm0, $0xb8;
	[tilespmem:$0x18100] =	vst v63  }
0x267: {  	s17 =	simm.s32 $0xA100  }
0x268: {  	[tilespmem:s17], [sflag:$0x1] =	stream.indirect_vreg.gather [hbm4b:s5+s3], $0x80, v4, vm0, $0xb8;
	[tilespmem:$0x18100] =	vst v63  }
0x269: {  	s18 =	simm.s32 $0xA900  }
0x26a: {  	[tilespmem:s18], [sflag:$0x1] =	stream.indirect_vreg.gather [hbm4b:s1+s3], $0x80, v3, vm0, $0xb8;
	[tilespmem:$0x18100] =	vst v63  }
0x26b: {  	s21 =	simm.s32 $0xB100  }
0x26c: {  	[tilespmem:s21], [sflag:$0x1] =	stream.indirect_vreg.gather [hbm4b:s4+s3], $0x80, v3, vm0, $0xb8;
	[tilespmem:$0x18100] =	vst v63  }
0x26d: {  	s9 =	simm.s32 $0xB900  }
0x26e: {  	[tilespmem:s9], [sflag:$0x1] =	stream.indirect_vreg.gather [hbm4b:s5+s3], $0x80, v3, vm0, $0xb8;
	[tilespmem:$0x18100] =	vst v63  }
0x26f: {  	_ =	swait.ge [sflag:s12], $0xC000  }
0x270: {  	[sflag:s12] =	ssyncset.done $0x0  }
0x271: {  	s23 =	simm.s32 $0xC100;
	s22 =	rddreg [dreg:$0x10];
	[sflag:s12] =	ssyncadd.s32 $0xFFFF4000  }
0x272: {  	[hbm4b:s22+s3] =	stream.linear.scatter [tilespmem:s23], [sflag:$0x4], $0xC000, $0x38;
	[tilespmem:$0x18100] =	vst v63  }
0x273: {  	_ =	swait.ge [sflag:s13], $0xC000  }
0x274: {  	[sflag:s13] =	ssyncset.done $0x0  }
0x275: {  	s0 =	simm.s32 $0x80;
	s24 =	rddreg [dreg:$0x11];
	[sflag:s13] =	ssyncadd.s32 $0xFFFF4000  }
0x276: {  	[tilespmem:s0], [sflag:$0x5] =	stream.linear.gather [hbm4b:s24+s3], $0x40, $0x38;
	[tilespmem:$0x18100] =	vst v63  }
0x277: {  	_ =	swait.ge [sflag:s7], $0x40  }
0x278: {  	[sflag:s7] =	ssyncset.done $0x0  }
0x279: {  	[sflag:s7] =	ssyncadd.s32 $0xFFFFFFC0  }
0x27a: {  	v3 =	vld [tilespmem:$0x80];
	_ =	sdelay $0x4  }
0x27b: {  	v60 =	vshrl.u32 v3, $0x3  }
0x27c: {  	v4 =	vmul.u32 $0x30, v60  }
0x27d: {  	v3 =	vand.u32 $0x7, v3  }
0x27e: {  	v3 =	vor.u32 v3, v4  }
0x27f: {  	v4 =	vperm.xlane v3, v0;
	_ =	sdelay $0x1  }
0x280: {  	v4 =	vadd.s32 v1, v4;
	_ =	sdelay $0x3  }
0x281: {  	v3 =	vperm.xlane v3, v2  }
0x282: {  	[tilespmem:s23], [sflag:$0x2] =	stream.indirect_vreg.gather [hbm4b:s1+s3], $0x80, v4, vm0, $0xb8;
	[tilespmem:$0x18100] =	vst v63  }
0x283: {  	s25 =	simm.s32 $0xC900;
	v3 =	vadd.s32 v1, v3  }
0x284: {  	[tilespmem:s25], [sflag:$0x2] =	stream.indirect_vreg.gather [hbm4b:s4+s3], $0x80, v4, vm0, $0xb8;
	[tilespmem:$0x18100] =	vst v63  }
0x285: {  	s31 =	simm.s32 $0xD100  }
0x286: {  	[tilespmem:s31], [sflag:$0x2] =	stream.indirect_vreg.gather [hbm4b:s5+s3], $0x80, v4, vm0, $0xb8;
	[tilespmem:$0x18100] =	vst v63  }
0x287: {  	s26 =	simm.s32 $0xD900  }
0x288: {  	[tilespmem:s26], [sflag:$0x2] =	stream.indirect_vreg.gather [hbm4b:s1+s3], $0x80, v3, vm0, $0xb8;
	[tilespmem:$0x18100] =	vst v63  }
0x289: {  	s28 =	simm.s32 $0xE100  }
0x28a: {  	[tilespmem:s28], [sflag:$0x2] =	stream.indirect_vreg.gather [hbm4b:s4+s3], $0x80, v3, vm0, $0xb8;
	[tilespmem:$0x18100] =	vst v63  }
0x28b: {  	s29 =	simm.s32 $0xE900  }
0x28c: {  	[tilespmem:s29], [sflag:$0x2] =	stream.indirect_vreg.gather [hbm4b:s5+s3], $0x80, v3, vm0, $0xb8;
	[tilespmem:$0x18100] =	vst v63  }
0x28d: {  	v3 =	vld [tilespmem:$0x90];
	_ =	sdelay $0x4  }
0x28e: {  	v61 =	vshrl.u32 v3, $0x3  }
0x28f: {  	v4 =	vmul.u32 $0x30, v61  }
0x290: {  	v3 =	vand.u32 $0x7, v3  }
0x291: {  	v3 =	vor.u32 v3, v4  }
0x292: {  	v4 =	vperm.xlane v3, v0;
	_ =	sdelay $0x1  }
0x293: {  	v4 =	vadd.s32 v1, v4;
	_ =	sdelay $0x3  }
0x294: {  	s30 =	simm.s32 $0xF100;
	v3 =	vperm.xlane v3, v2  }
0x295: {  	[tilespmem:s30], [sflag:$0x2] =	stream.indirect_vreg.gather [hbm4b:s1+s3], $0x80, v4, vm0, $0xb8;
	[tilespmem:$0x18100] =	vst v63  }
0x296: {  	s31 =	simm.s32 $0xF900;
	v3 =	vadd.s32 v1, v3  }
0x297: {  	[tilespmem:s31], [sflag:$0x2] =	stream.indirect_vreg.gather [hbm4b:s4+s3], $0x80, v4, vm0, $0xb8;
	[tilespmem:$0x18100] =	vst v63  }
0x298: {  	s9 =	simm.s32 $0x10100  }
0x299: {  	[tilespmem:s9], [sflag:$0x2] =	stream.indirect_vreg.gather [hbm4b:s5+s3], $0x80, v4, vm0, $0xb8;
	[tilespmem:$0x18100] =	vst v63  }
0x29a: {  	s14 =	simm.s32 $0x10900  }
0x29b: {  	[tilespmem:s14], [sflag:$0x2] =	stream.indirect_vreg.gather [hbm4b:s1+s3], $0x80, v3, vm0, $0xb8;
	[tilespmem:$0x18100] =	vst v63  }
0x29c: {  	s15 =	simm.s32 $0x11100  }
0x29d: {  	[tilespmem:s15], [sflag:$0x2] =	stream.indirect_vreg.gather [hbm4b:s4+s3], $0x80, v3, vm0, $0xb8;
	[tilespmem:$0x18100] =	vst v63  }
0x29e: {  	s16 =	simm.s32 $0x11900  }
0x29f: {  	[tilespmem:s16], [sflag:$0x2] =	stream.indirect_vreg.gather [hbm4b:s5+s3], $0x80, v3, vm0, $0xb8;
	[tilespmem:$0x18100] =	vst v63  }
0x2a0: {  	v3 =	vld [tilespmem:$0xA0];
	_ =	sdelay $0x4  }
0x2a1: {  	v62 =	vshrl.u32 v3, $0x3  }
0x2a2: {  	v4 =	vmul.u32 $0x30, v62  }
0x2a3: {  	v3 =	vand.u32 $0x7, v3  }
0x2a4: {  	v3 =	vor.u32 v3, v4  }
0x2a5: {  	v4 =	vperm.xlane v3, v0;
	_ =	sdelay $0x1  }
0x2a6: {  	v4 =	vadd.s32 v1, v4;
	_ =	sdelay $0x3  }
0x2a7: {  	s17 =	simm.s32 $0x12100;
	v3 =	vperm.xlane v3, v2  }
0x2a8: {  	[tilespmem:s17], [sflag:$0x2] =	stream.indirect_vreg.gather [hbm4b:s1+s3], $0x80, v4, vm0, $0xb8;
	[tilespmem:$0x18100] =	vst v63  }
0x2a9: {  	s18 =	simm.s32 $0x12900;
	v3 =	vadd.s32 v1, v3  }
0x2aa: {  	[tilespmem:s18], [sflag:$0x2] =	stream.indirect_vreg.gather [hbm4b:s4+s3], $0x80, v4, vm0, $0xb8;
	[tilespmem:$0x18100] =	vst v63  }
0x2ab: {  	s19 =	simm.s32 $0x13100  }
0x2ac: {  	[tilespmem:s19], [sflag:$0x2] =	stream.indirect_vreg.gather [hbm4b:s5+s3], $0x80, v4, vm0, $0xb8;
	[tilespmem:$0x18100] =	vst v63  }
0x2ad: {  	s20 =	simm.s32 $0x13900  }
0x2ae: {  	[tilespmem:s20], [sflag:$0x2] =	stream.indirect_vreg.gather [hbm4b:s1+s3], $0x80, v3, vm0, $0xb8;
	[tilespmem:$0x18100] =	vst v63  }
0x2af: {  	s21 =	simm.s32 $0x14100  }
0x2b0: {  	[tilespmem:s21], [sflag:$0x2] =	stream.indirect_vreg.gather [hbm4b:s4+s3], $0x80, v3, vm0, $0xb8;
	[tilespmem:$0x18100] =	vst v63  }
0x2b1: {  	s22 =	simm.s32 $0x14900  }
0x2b2: {  	[tilespmem:s22], [sflag:$0x2] =	stream.indirect_vreg.gather [hbm4b:s5+s3], $0x80, v3, vm0, $0xb8;
	[tilespmem:$0x18100] =	vst v63  }
0x2b3: {  	v3 =	vld [tilespmem:$0xB0];
	_ =	sdelay $0x4  }
0x2b4: {  	v63 =	vshrl.u32 v3, $0x3  }
0x2b5: {  	v4 =	vmul.u32 $0x30, v63  }
0x2b6: {  	v3 =	vand.u32 $0x7, v3  }
0x2b7: {  	v3 =	vor.u32 v3, v4  }
0x2b8: {  	v4 =	vperm.xlane v3, v0;
	_ =	sdelay $0x1  }
0x2b9: {  	v4 =	vadd.s32 v1, v4;
	_ =	sdelay $0x3  }
0x2ba: {  	s23 =	simm.s32 $0x15100;
	v3 =	vperm.xlane v3, v2  }
0x2bb: {  	[tilespmem:s23], [sflag:$0x2] =	stream.indirect_vreg.gather [hbm4b:s1+s3], $0x80, v4, vm0, $0xb8;
	[tilespmem:$0x18100] =	vst v63  }
0x2bc: {  	s24 =	simm.s32 $0x15900;
	v3 =	vadd.s32 v1, v3  }
0x2bd: {  	[tilespmem:s24], [sflag:$0x2] =	stream.indirect_vreg.gather [hbm4b:s4+s3], $0x80, v4, vm0, $0xb8;
	[tilespmem:$0x18100] =	vst v63  }
0x2be: {  	s25 =	simm.s32 $0x16100  }
0x2bf: {  	[tilespmem:s25], [sflag:$0x2] =	stream.indirect_vreg.gather [hbm4b:s5+s3], $0x80, v4, vm0, $0xb8;
	[tilespmem:$0x18100] =	vst v63  }
0x2c0: {  	s26 =	simm.s32 $0x16900  }
0x2c1: {  	[tilespmem:s26], [sflag:$0x2] =	stream.indirect_vreg.gather [hbm4b:s1+s3], $0x80, v3, vm0, $0xb8;
	[tilespmem:$0x18100] =	vst v63  }
0x2c2: {  	s28 =	simm.s32 $0x17100  }
0x2c3: {  	[tilespmem:s28], [sflag:$0x2] =	stream.indirect_vreg.gather [hbm4b:s4+s3], $0x80, v3, vm0, $0xb8;
	[tilespmem:$0x18100] =	vst v63  }
0x2c4: {  	s29 =	simm.s32 $0x17900  }
0x2c5: {  	[tilespmem:s29], [sflag:$0x2] =	stream.indirect_vreg.gather [hbm4b:s5+s3], $0x80, v3, vm0, $0xb8;
	[tilespmem:$0x18100] =	vst v63  }
0x2c6: {  	_ =	swait.ge [sflag:s10], $0xC000  }
0x2c7: {  	[sflag:s10] =	ssyncset.done $0x0  }
0x2c8: {  	s8 =	simm.s32 $0x100;
	s30 =	rddreg [dreg:$0x12];
	[sflag:s10] =	ssyncadd.s32 $0xFFFF4000  }
0x2c9: {  	[hbm4b:s30+s3] =	stream.linear.scatter [tilespmem:s8], [sflag:$0x3], $0xC000, $0x38;
	[tilespmem:$0x18100] =	vst v63  }
0x2ca: {  	_ =	swait.ge [sflag:s12], $0xC000  }
0x2cb: {  	[sflag:s12] =	ssyncset.done $0x0  }
0x2cc: {  	s0 =	simm.s32 $0xC100;
	s31 =	rddreg [dreg:$0x13];
	[sflag:s12] =	ssyncadd.s32 $0xFFFF4000  }
0x2cd: {  	[hbm4b:s31+s3] =	stream.linear.scatter [tilespmem:s0], [sflag:$0x4], $0xC000, $0x38;
	[tilespmem:$0x18100] =	vst v63  }
0x2ce: {  	p0 =	sne.s32 s6, $0x1;
	_ =	swait.ge [sflag:s11], $0xC000  }
.Ltmp0:
0x2cf: {  	[sflag:s11] =	ssyncset.done $0x0;
	(pc) =	sbr.rel @p0 .LBB2_1-.Ltmp0, $4  }
0x2d0: {  	[sflag:s11] =	ssyncadd.s32 $0xFFFF4000  }
0x2d1: {  	_ =	swait.ge [sflag:s13], $0xC000  }
0x2d2: {  	[sflag:s13] =	ssyncset.done $0x0  }
0x2d3: {  	s6 =	sadd.s32 $0xFFFFFFFF, s6;
	[sflag:s13] =	ssyncadd.s32 $0xFFFF4000  }
0x2d4: {  	_ =	sfence.sel $0x180000  }
0x2d5: {  	[bflag:$0x0] =	sbarrier.arrive $0xFFFF  }
0x2d6: {  	_ =	strace $0x9000004A  }
0x2d7: {  	s0 =	stileid.u32;
	[bflag:$0x2] =	sbarrier.arrive $0xFFFF  }
0x2d8: {  	p0 =	sne.s32 s0, $0x0;
	s0 =	rddreg [dreg:$0x3]  }
0x2d9: {  	s0 =	sadd.s32 @!p0 $0x100000, s0  }
0x2da: {  	[sflag:s0] =	ssyncadd.tile.s32 @!p0 $0x1;
	_ =	shalt  }
.Lfunc_end2:
_tile_overlayer_lowered:
.L_overlay_start_2:
0x2db: {  	(tag) =	ssettag $0x2  }
0x2dc: {  	s0 =	rddreg [dreg:$0x0];
	s2 =	stileid.u32  }
0x2dd: {  	s1 =	rddreg [dreg:$0x1];
	p0 =	sne.s32 s2, $0x0  }
0x2de: {  	s3 =	rddreg [dreg:$0x2];
	[bflag:$0x3] =	sbarrier.arrive $0xFFFF;
	s2 =	simm.s32 @!p0 $0x1C05  }
0x2df: {  	[timem:s3], [sflag:s2] =	dma.local @!p0 [hbm:s0], s1  }
0x2e0: {  	s0 =	simm.s32 @!p0 $0x5  }
0x2e1: {  	_ =	swait.ge @!p0 [sflag:s0], s1  }
0x2e2: {  	s1 =	ssub.s32 @!p0 $0x0, s1;
	[sflag:s0] =	ssyncset.done @!p0 $0x0  }
0x2e3: {  	[sflag:s0] =	ssyncadd.s32 @!p0 s1  }
0x2e4: {  	[bflag:$0x3] =	sbarrier.arrive $0xFFFF  }
0x2e5: {  	_ =	shalt  }

</sc_bundles>
